<compile_context>
chip_gen: v7x
topology: tpu7x:2x2x1
jax: 0.10.2.dev20260603
libtpu: 0.0.44.dev20260713+nightly
codegen_flags: <defaults>
</compile_context>

<pallas_src>
import jax
import jax.numpy as jnp
from jax import lax
from jax.experimental import pallas as pl
from jax.experimental.pallas import tpu as pltpu
from jax.experimental.pallas import tpu_sc as plsc

BATCH = 4096
SEQ = 200
HIDDEN = 64

_info = plsc.get_sparse_core_info()
NUM_WORKERS = _info.num_cores * _info.num_subcores

BBLK = BATCH // NUM_WORKERS
PITCH = BBLK + 1
NBUF = 4


def _emb_body(idx_hbm, table_hbm, out_hbm, idx_v, gbuf, tbuf, gsems, osems):
    wid = lax.axis_index("s") * _info.num_cores + lax.axis_index("c")
    pltpu.sync_copy(idx_hbm.at[pl.ds(0, SEQ // 8), pl.ds(wid, 1)], idx_v)

    iota = lax.iota(jnp.int32, 16)
    htvs = [(hc * 16 + iota) // 8 for hc in range(4)]
    hivs = [(hc * 16 + iota) % 8 for hc in range(4)]
    zv = jnp.zeros((16,), jnp.int32)

    def fire_gather(s, b):
        st = s // 8
        si = s - st * 8
        pltpu.async_copy(
            table_hbm.at[idx_v.at[st, 0, si]], gbuf.at[b], gsems.at[b]
        )

    def out_src(b):
        return tbuf.at[
            b, pl.ds(0, 8), pl.ds(0, 1), pl.ds(0, 8), pl.ds(0, BBLK)
        ]

    def fire_out(s, b):
        pltpu.async_copy(
            out_src(b), out_hbm.at[s, pl.ds(0, 8), pl.ds(wid, 1)], osems.at[b]
        )

    def wait_gather(b):
        pltpu.make_async_copy(
            out_hbm.at[0, pl.ds(0, 8), pl.ds(wid, 1)], gbuf.at[b], gsems.at[b]
        ).wait()

    def wait_out(b):
        pltpu.make_async_copy(
            out_src(b), out_hbm.at[0, pl.ds(0, 8), pl.ds(wid, 1)], osems.at[b]
        ).wait()

    def transpose(b):
        @plsc.parallel_loop(0, BBLK, 1, unroll=4)
        def _t(r):
            rs = jnp.full((16,), r, jnp.int32)
            for hc in range(4):
                v = gbuf[b, r, pl.ds(hc * 16, 16)]
                plsc.store_scatter(
                    tbuf.at[b], [htvs[hc], zv, hivs[hc], rs], v
                )

    for s in range(NBUF):
        fire_gather(s, s)

    def outer(go, _):
        for bb in range(NBUF):
            s = go * NBUF + bb
            wait_gather(bb)

            @pl.when(go >= 1)
            def _drain():
                wait_out(bb)

            transpose(bb)

            @pl.when(s + NBUF < SEQ)
            def _refill():
                fire_gather(s + NBUF, bb)

            fire_out(s, bb)
        return 0

    lax.fori_loop(0, SEQ // NBUF, outer, 0)

    for b in range(NBUF):
        wait_out(b)


@jax.jit
def kernel(input_ids, table):
    ids4 = input_ids.reshape(32, 128, 25, 8).transpose(2, 0, 3, 1)
    mesh = plsc.VectorSubcoreMesh(core_axis_name="c", subcore_axis_name="s")
    out5 = pl.kernel(
        _emb_body,
        mesh=mesh,
        compiler_params=pltpu.CompilerParams(
            use_tc_tiling_on_sc=False, needs_layout_passes=False
        ),
        out_type=jax.ShapeDtypeStruct((SEQ, 8, 32, 8, 128), jnp.float32),
        scratch_types=[
            pltpu.VMEM((25, 1, 8, 128), jnp.int32),
            pltpu.VMEM((NBUF, BBLK, HIDDEN), jnp.float32),
            pltpu.VMEM((NBUF, 8, 1, 8, PITCH), jnp.float32),
            pltpu.SemaphoreType.DMA((NBUF,)),
            pltpu.SemaphoreType.DMA((NBUF,)),
        ],
    )(ids4, table)
    return out5.transpose(2, 4, 0, 1, 3).reshape(BATCH, SEQ, HIDDEN)

# --- scband reference (transcript-rebuilt; emitter-appended) ---
"""Pipeline reference for scband-arc-embedding-40870908788984 (READ-ONLY COPY).

The authoritative reference and input builder live on the scoring server;
editing this copy changes nothing except your own understanding.
"""

import jax, jax.numpy as jnp
import numpy as np

VOCAB = 100000
HIDDEN = 64
BATCH = 4096
SEQ = 200

def setup_inputs(seed: int = 0) -> dict:
    key = jax.random.key(seed)
    k1, k2 = jax.random.split(key)
    input_ids = jax.random.randint(k1, (BATCH, SEQ), 0, VOCAB)
    # learned embedding table (color_embedding.weight), default nn.Embedding init ~ N(0,1)
    table = jax.random.normal(k2, (VOCAB, HIDDEN), dtype=jnp.float32)
    return {"input_ids": input_ids, "table": table}

def reference(input_ids, table):
    # coords is None path: pure embedding lookup
    color_emb = jnp.take(table, input_ids, axis=0)
    return color_emb

if __name__ == "__main__":
    import jax
    _d = setup_inputs()
    print(jax.jit(kernel)(*tuple(_d.values())))

</pallas_src>

<mosaic_0001>
#map = affine_map<(d0, d1) -> (0, 0, 0, 0)>
#map1 = affine_map<(d0, d1) -> (0, 0)>
#map2 = affine_map<(d0, d1) -> (0, 0, 0, 0, 0)>
module attributes {stable_mosaic.version = 14 : i64} {
  func.func @_emb_body(%arg0: i32, %arg1: i32, %arg2: memref<25x32x8x128xi32, #tpu.memory_space<hbm>>, %arg3: memref<100000x64xf32, #tpu.memory_space<hbm>>, %arg4: memref<200x8x32x8x128xf32, #tpu.memory_space<hbm>>, %arg5: memref<25x1x8x128xi32, #tpu.memory_space<vmem>>, %arg6: memref<4x128x64xf32, #tpu.memory_space<vmem>>, %arg7: memref<4x8x1x8x129xf32, #tpu.memory_space<vmem>>, %arg8: memref<4x!tpu.dma_semaphore, #tpu.memory_space<semaphore_mem>>, %arg9: memref<4x!tpu.dma_semaphore, #tpu.memory_space<semaphore_mem>>) attributes {dimension_semantics = [#tpu.dimension_semantics<core_parallel>, #tpu.dimension_semantics<subcore_parallel>], iteration_bounds = array<i64: 2, 16>, scalar_prefetch = 0 : i64, scratch_operands = 5 : i64, tpu.core_type = #tpu.core_type<sc_vector_subcore>, window_params = [{transform_indices = #map}, {transform_indices = #map1}, {transform_indices = #map2}]} {
    %mul3A = arith.constant 2 : i32
    %mul3A_0 = arith.muli %arg1, %mul3A : i32
    %add3A = arith.addi %mul3A_0, %arg0 : i32
    "tpu.region"() ({
      %run_scoped3A = tpu.sem_alloc : memref<!tpu.dma_semaphore, #tpu.memory_space<semaphore_mem>>
      %dma_start3A_408 = arith.constant 0 : i32
      %dma_start3A_409 = arith.constant 0 : i32
      %dma_start3A_410 = arith.constant 0 : i32
      %dma_start3A_411 = tpu.memref_slice %arg2[%dma_start3A_408, %add3A, %dma_start3A_409, %dma_start3A_410] : memref<25x32x8x128xi32, #tpu.memory_space<hbm>> -> memref<25x1x8x128xi32, #tpu.memory_space<hbm>>
      %dma_start3A_412 = arith.constant 0 : i32
      %dma_start3A_413 = arith.constant 0 : i32
      %dma_start3A_414 = arith.constant 0 : i32
      %dma_start3A_415 = tpu.memref_slice %arg2[%dma_start3A_412, %add3A, %dma_start3A_413, %dma_start3A_414] : memref<25x32x8x128xi32, #tpu.memory_space<hbm>> -> memref<25x1x8x128xi32, #tpu.memory_space<hbm>>
      tpu.enqueue_dma source(%dma_start3A_415 : memref<25x1x8x128xi32, #tpu.memory_space<hbm>>) target(%arg5 : memref<25x1x8x128xi32, #tpu.memory_space<vmem>>) target_semaphore(%run_scoped3A : memref<!tpu.dma_semaphore, #tpu.memory_space<semaphore_mem>>)
      %dma_wait3A_416 = arith.constant 0 : i32
      %dma_wait3A_417 = arith.constant 0 : i32
      %dma_wait3A_418 = arith.constant 0 : i32
      %dma_wait3A_419 = tpu.memref_slice %arg2[%dma_wait3A_416, %add3A, %dma_wait3A_417, %dma_wait3A_418] : memref<25x32x8x128xi32, #tpu.memory_space<hbm>> -> memref<25x1x8x128xi32, #tpu.memory_space<hbm>>
      %dma_wait3A_420 = arith.constant 0 : i32
      %dma_wait3A_421 = arith.constant 0 : i32
      %dma_wait3A_422 = arith.constant 0 : i32
      %dma_wait3A_423 = tpu.memref_slice %arg2[%dma_wait3A_420, %add3A, %dma_wait3A_421, %dma_wait3A_422] : memref<25x32x8x128xi32, #tpu.memory_space<hbm>> -> memref<25x1x8x128xi32, #tpu.memory_space<hbm>>
      tpu.wait_dma2 semaphore(%run_scoped3A : memref<!tpu.dma_semaphore, #tpu.memory_space<semaphore_mem>>) src(%dma_wait3A_423 : memref<25x1x8x128xi32, #tpu.memory_space<hbm>>) dst(%arg5 : memref<25x1x8x128xi32, #tpu.memory_space<vmem>>)
      tpu.yield
    }) : () -> ()
    %iota3A = tpu.iota {dimensions = array<i32: 0>} : vector<16xi32>
    %add3A_1 = arith.constant 0 : i32
    %add3A_2 = vector.broadcast %add3A_1 : i32 to vector<16xi32>
    %add3A_3 = arith.addi %add3A_2, %iota3A : vector<16xi32>
    %jit3A = arith.constant 8 : i32
    %div3A = vector.broadcast %jit3A : i32 to vector<16xi32>
    %div3A_4 = arith.divsi %add3A_3, %div3A : vector<16xi32>
    %sign3A = arith.constant 0 : i32
    %sign3A_5 = vector.broadcast %sign3A : i32 to vector<16xi32>
    %sign3A_6 = arith.cmpi sgt, %add3A_3, %sign3A_5 : vector<16xi32>
    %sign3A_7 = arith.extui %sign3A_6 : vector<16xi1> to vector<16xi32>
    %sign3A_8 = arith.constant 0 : i32
    %sign3A_9 = vector.broadcast %sign3A_8 : i32 to vector<16xi32>
    %sign3A_10 = arith.cmpi slt, %add3A_3, %sign3A_9 : vector<16xi32>
    %sign3A_11 = arith.extui %sign3A_10 : vector<16xi1> to vector<16xi32>
    %sign3A_12 = arith.subi %sign3A_7, %sign3A_11 : vector<16xi32>
    %sign3A_13 = arith.constant 0 : i32
    %sign3A_14 = arith.cmpi sgt, %jit3A, %sign3A_13 : i32
    %sign3A_15 = arith.extui %sign3A_14 : i1 to i32
    %sign3A_16 = arith.constant 0 : i32
    %sign3A_17 = arith.cmpi slt, %jit3A, %sign3A_16 : i32
    %sign3A_18 = arith.extui %sign3A_17 : i1 to i32
    %sign3A_19 = arith.subi %sign3A_15, %sign3A_18 : i32
    %ne3A = vector.broadcast %sign3A_19 : i32 to vector<16xi32>
    %ne3A_20 = arith.cmpi ne, %sign3A_12, %ne3A : vector<16xi32>
    %rem3A = vector.broadcast %jit3A : i32 to vector<16xi32>
    %rem3A_21 = arith.remsi %add3A_3, %rem3A : vector<16xi32>
    %ne3A_22 = arith.constant 0 : i32
    %ne3A_23 = vector.broadcast %ne3A_22 : i32 to vector<16xi32>
    %ne3A_24 = arith.cmpi ne, %rem3A_21, %ne3A_23 : vector<16xi32>
    %and3A = arith.andi %ne3A_20, %ne3A_24 : vector<16xi1>
    %sub3A = arith.constant 1 : i32
    %sub3A_25 = vector.broadcast %sub3A : i32 to vector<16xi32>
    %sub3A_26 = arith.subi %div3A_4, %sub3A_25 : vector<16xi32>
    %select_n3A = arith.select %and3A, %sub3A_26, %div3A_4 : vector<16xi1>, vector<16xi32>
    %add3A_27 = arith.constant 16 : i32
    %add3A_28 = vector.broadcast %add3A_27 : i32 to vector<16xi32>
    %add3A_29 = arith.addi %add3A_28, %iota3A : vector<16xi32>
    %jit3A_30 = arith.constant 8 : i32
    %div3A_31 = vector.broadcast %jit3A_30 : i32 to vector<16xi32>
    %div3A_32 = arith.divsi %add3A_29, %div3A_31 : vector<16xi32>
    %sign3A_33 = arith.constant 0 : i32
    %sign3A_34 = vector.broadcast %sign3A_33 : i32 to vector<16xi32>
    %sign3A_35 = arith.cmpi sgt, %add3A_29, %sign3A_34 : vector<16xi32>
    %sign3A_36 = arith.extui %sign3A_35 : vector<16xi1> to vector<16xi32>
    %sign3A_37 = arith.constant 0 : i32
    %sign3A_38 = vector.broadcast %sign3A_37 : i32 to vector<16xi32>
    %sign3A_39 = arith.cmpi slt, %add3A_29, %sign3A_38 : vector<16xi32>
    %sign3A_40 = arith.extui %sign3A_39 : vector<16xi1> to vector<16xi32>
    %sign3A_41 = arith.subi %sign3A_36, %sign3A_40 : vector<16xi32>
    %sign3A_42 = arith.constant 0 : i32
    %sign3A_43 = arith.cmpi sgt, %jit3A_30, %sign3A_42 : i32
    %sign3A_44 = arith.extui %sign3A_43 : i1 to i32
    %sign3A_45 = arith.constant 0 : i32
    %sign3A_46 = arith.cmpi slt, %jit3A_30, %sign3A_45 : i32
    %sign3A_47 = arith.extui %sign3A_46 : i1 to i32
    %sign3A_48 = arith.subi %sign3A_44, %sign3A_47 : i32
    %ne3A_49 = vector.broadcast %sign3A_48 : i32 to vector<16xi32>
    %ne3A_50 = arith.cmpi ne, %sign3A_41, %ne3A_49 : vector<16xi32>
    %rem3A_51 = vector.broadcast %jit3A_30 : i32 to vector<16xi32>
    %rem3A_52 = arith.remsi %add3A_29, %rem3A_51 : vector<16xi32>
    %ne3A_53 = arith.constant 0 : i32
    %ne3A_54 = vector.broadcast %ne3A_53 : i32 to vector<16xi32>
    %ne3A_55 = arith.cmpi ne, %rem3A_52, %ne3A_54 : vector<16xi32>
    %and3A_56 = arith.andi %ne3A_50, %ne3A_55 : vector<16xi1>
    %sub3A_57 = arith.constant 1 : i32
    %sub3A_58 = vector.broadcast %sub3A_57 : i32 to vector<16xi32>
    %sub3A_59 = arith.subi %div3A_32, %sub3A_58 : vector<16xi32>
    %select_n3A_60 = arith.select %and3A_56, %sub3A_59, %div3A_32 : vector<16xi1>, vector<16xi32>
    %add3A_61 = arith.constant 32 : i32
    %add3A_62 = vector.broadcast %add3A_61 : i32 to vector<16xi32>
    %add3A_63 = arith.addi %add3A_62, %iota3A : vector<16xi32>
    %jit3A_64 = arith.constant 8 : i32
    %div3A_65 = vector.broadcast %jit3A_64 : i32 to vector<16xi32>
    %div3A_66 = arith.divsi %add3A_63, %div3A_65 : vector<16xi32>
    %sign3A_67 = arith.constant 0 : i32
    %sign3A_68 = vector.broadcast %sign3A_67 : i32 to vector<16xi32>
    %sign3A_69 = arith.cmpi sgt, %add3A_63, %sign3A_68 : vector<16xi32>
    %sign3A_70 = arith.extui %sign3A_69 : vector<16xi1> to vector<16xi32>
    %sign3A_71 = arith.constant 0 : i32
    %sign3A_72 = vector.broadcast %sign3A_71 : i32 to vector<16xi32>
    %sign3A_73 = arith.cmpi slt, %add3A_63, %sign3A_72 : vector<16xi32>
    %sign3A_74 = arith.extui %sign3A_73 : vector<16xi1> to vector<16xi32>
    %sign3A_75 = arith.subi %sign3A_70, %sign3A_74 : vector<16xi32>
    %sign3A_76 = arith.constant 0 : i32
    %sign3A_77 = arith.cmpi sgt, %jit3A_64, %sign3A_76 : i32
    %sign3A_78 = arith.extui %sign3A_77 : i1 to i32
    %sign3A_79 = arith.constant 0 : i32
    %sign3A_80 = arith.cmpi slt, %jit3A_64, %sign3A_79 : i32
    %sign3A_81 = arith.extui %sign3A_80 : i1 to i32
    %sign3A_82 = arith.subi %sign3A_78, %sign3A_81 : i32
    %ne3A_83 = vector.broadcast %sign3A_82 : i32 to vector<16xi32>
    %ne3A_84 = arith.cmpi ne, %sign3A_75, %ne3A_83 : vector<16xi32>
    %rem3A_85 = vector.broadcast %jit3A_64 : i32 to vector<16xi32>
    %rem3A_86 = arith.remsi %add3A_63, %rem3A_85 : vector<16xi32>
    %ne3A_87 = arith.constant 0 : i32
    %ne3A_88 = vector.broadcast %ne3A_87 : i32 to vector<16xi32>
    %ne3A_89 = arith.cmpi ne, %rem3A_86, %ne3A_88 : vector<16xi32>
    %and3A_90 = arith.andi %ne3A_84, %ne3A_89 : vector<16xi1>
    %sub3A_91 = arith.constant 1 : i32
    %sub3A_92 = vector.broadcast %sub3A_91 : i32 to vector<16xi32>
    %sub3A_93 = arith.subi %div3A_66, %sub3A_92 : vector<16xi32>
    %select_n3A_94 = arith.select %and3A_90, %sub3A_93, %div3A_66 : vector<16xi1>, vector<16xi32>
    %add3A_95 = arith.constant 48 : i32
    %add3A_96 = vector.broadcast %add3A_95 : i32 to vector<16xi32>
    %add3A_97 = arith.addi %add3A_96, %iota3A : vector<16xi32>
    %jit3A_98 = arith.constant 8 : i32
    %div3A_99 = vector.broadcast %jit3A_98 : i32 to vector<16xi32>
    %div3A_100 = arith.divsi %add3A_97, %div3A_99 : vector<16xi32>
    %sign3A_101 = arith.constant 0 : i32
    %sign3A_102 = vector.broadcast %sign3A_101 : i32 to vector<16xi32>
    %sign3A_103 = arith.cmpi sgt, %add3A_97, %sign3A_102 : vector<16xi32>
    %sign3A_104 = arith.extui %sign3A_103 : vector<16xi1> to vector<16xi32>
    %sign3A_105 = arith.constant 0 : i32
    %sign3A_106 = vector.broadcast %sign3A_105 : i32 to vector<16xi32>
    %sign3A_107 = arith.cmpi slt, %add3A_97, %sign3A_106 : vector<16xi32>
    %sign3A_108 = arith.extui %sign3A_107 : vector<16xi1> to vector<16xi32>
    %sign3A_109 = arith.subi %sign3A_104, %sign3A_108 : vector<16xi32>
    %sign3A_110 = arith.constant 0 : i32
    %sign3A_111 = arith.cmpi sgt, %jit3A_98, %sign3A_110 : i32
    %sign3A_112 = arith.extui %sign3A_111 : i1 to i32
    %sign3A_113 = arith.constant 0 : i32
    %sign3A_114 = arith.cmpi slt, %jit3A_98, %sign3A_113 : i32
    %sign3A_115 = arith.extui %sign3A_114 : i1 to i32
    %sign3A_116 = arith.subi %sign3A_112, %sign3A_115 : i32
    %ne3A_117 = vector.broadcast %sign3A_116 : i32 to vector<16xi32>
    %ne3A_118 = arith.cmpi ne, %sign3A_109, %ne3A_117 : vector<16xi32>
    %rem3A_119 = vector.broadcast %jit3A_98 : i32 to vector<16xi32>
    %rem3A_120 = arith.remsi %add3A_97, %rem3A_119 : vector<16xi32>
    %ne3A_121 = arith.constant 0 : i32
    %ne3A_122 = vector.broadcast %ne3A_121 : i32 to vector<16xi32>
    %ne3A_123 = arith.cmpi ne, %rem3A_120, %ne3A_122 : vector<16xi32>
    %and3A_124 = arith.andi %ne3A_118, %ne3A_123 : vector<16xi1>
    %sub3A_125 = arith.constant 1 : i32
    %sub3A_126 = vector.broadcast %sub3A_125 : i32 to vector<16xi32>
    %sub3A_127 = arith.subi %div3A_100, %sub3A_126 : vector<16xi32>
    %select_n3A_128 = arith.select %and3A_124, %sub3A_127, %div3A_100 : vector<16xi1>, vector<16xi32>
    %add3A_129 = arith.constant 0 : i32
    %add3A_130 = vector.broadcast %add3A_129 : i32 to vector<16xi32>
    %add3A_131 = arith.addi %add3A_130, %iota3A : vector<16xi32>
    %jit3A_132 = arith.constant 8 : i32
    %eq3A = arith.constant 0 : i32
    %eq3A_133 = arith.cmpi eq, %jit3A_132, %eq3A : i32
    %jit3A_134 = arith.constant 1 : i32
    %select_n3A_135 = arith.select %eq3A_133, %jit3A_134, %jit3A_132 : i32
    %rem3A_136 = vector.broadcast %select_n3A_135 : i32 to vector<16xi32>
    %rem3A_137 = arith.remsi %add3A_131, %rem3A_136 : vector<16xi32>
    %ne3A_138 = arith.constant 0 : i32
    %ne3A_139 = vector.broadcast %ne3A_138 : i32 to vector<16xi32>
    %ne3A_140 = arith.cmpi ne, %rem3A_137, %ne3A_139 : vector<16xi32>
    %lt3A = arith.constant 0 : i32
    %lt3A_141 = vector.broadcast %lt3A : i32 to vector<16xi32>
    %lt3A_142 = arith.cmpi slt, %rem3A_137, %lt3A_141 : vector<16xi32>
    %lt3A_143 = arith.constant 0 : i32
    %lt3A_144 = arith.cmpi slt, %select_n3A_135, %lt3A_143 : i32
    %ne3A_145 = vector.broadcast %lt3A_144 : i1 to vector<16xi1>
    %ne3A_146 = vector.broadcast %ne3A_145 : vector<16xi1> to vector<16xi1>
    %ne3A_147 = arith.xori %lt3A_142, %ne3A_146 : vector<16xi1>
    %and3A_148 = arith.andi %ne3A_147, %ne3A_140 : vector<16xi1>
    %add3A_149 = vector.broadcast %select_n3A_135 : i32 to vector<16xi32>
    %add3A_150 = arith.addi %rem3A_137, %add3A_149 : vector<16xi32>
    %select_n3A_151 = arith.select %and3A_148, %add3A_150, %rem3A_137 : vector<16xi1>, vector<16xi32>
    %add3A_152 = arith.constant 16 : i32
    %add3A_153 = vector.broadcast %add3A_152 : i32 to vector<16xi32>
    %add3A_154 = arith.addi %add3A_153, %iota3A : vector<16xi32>
    %jit3A_155 = arith.constant 8 : i32
    %eq3A_156 = arith.constant 0 : i32
    %eq3A_157 = arith.cmpi eq, %jit3A_155, %eq3A_156 : i32
    %jit3A_158 = arith.constant 1 : i32
    %select_n3A_159 = arith.select %eq3A_157, %jit3A_158, %jit3A_155 : i32
    %rem3A_160 = vector.broadcast %select_n3A_159 : i32 to vector<16xi32>
    %rem3A_161 = arith.remsi %add3A_154, %rem3A_160 : vector<16xi32>
    %ne3A_162 = arith.constant 0 : i32
    %ne3A_163 = vector.broadcast %ne3A_162 : i32 to vector<16xi32>
    %ne3A_164 = arith.cmpi ne, %rem3A_161, %ne3A_163 : vector<16xi32>
    %lt3A_165 = arith.constant 0 : i32
    %lt3A_166 = vector.broadcast %lt3A_165 : i32 to vector<16xi32>
    %lt3A_167 = arith.cmpi slt, %rem3A_161, %lt3A_166 : vector<16xi32>
    %lt3A_168 = arith.constant 0 : i32
    %lt3A_169 = arith.cmpi slt, %select_n3A_159, %lt3A_168 : i32
    %ne3A_170 = vector.broadcast %lt3A_169 : i1 to vector<16xi1>
    %ne3A_171 = vector.broadcast %ne3A_170 : vector<16xi1> to vector<16xi1>
    %ne3A_172 = arith.xori %lt3A_167, %ne3A_171 : vector<16xi1>
    %and3A_173 = arith.andi %ne3A_172, %ne3A_164 : vector<16xi1>
    %add3A_174 = vector.broadcast %select_n3A_159 : i32 to vector<16xi32>
    %add3A_175 = arith.addi %rem3A_161, %add3A_174 : vector<16xi32>
    %select_n3A_176 = arith.select %and3A_173, %add3A_175, %rem3A_161 : vector<16xi1>, vector<16xi32>
    %add3A_177 = arith.constant 32 : i32
    %add3A_178 = vector.broadcast %add3A_177 : i32 to vector<16xi32>
    %add3A_179 = arith.addi %add3A_178, %iota3A : vector<16xi32>
    %jit3A_180 = arith.constant 8 : i32
    %eq3A_181 = arith.constant 0 : i32
    %eq3A_182 = arith.cmpi eq, %jit3A_180, %eq3A_181 : i32
    %jit3A_183 = arith.constant 1 : i32
    %select_n3A_184 = arith.select %eq3A_182, %jit3A_183, %jit3A_180 : i32
    %rem3A_185 = vector.broadcast %select_n3A_184 : i32 to vector<16xi32>
    %rem3A_186 = arith.remsi %add3A_179, %rem3A_185 : vector<16xi32>
    %ne3A_187 = arith.constant 0 : i32
    %ne3A_188 = vector.broadcast %ne3A_187 : i32 to vector<16xi32>
    %ne3A_189 = arith.cmpi ne, %rem3A_186, %ne3A_188 : vector<16xi32>
    %lt3A_190 = arith.constant 0 : i32
    %lt3A_191 = vector.broadcast %lt3A_190 : i32 to vector<16xi32>
    %lt3A_192 = arith.cmpi slt, %rem3A_186, %lt3A_191 : vector<16xi32>
    %lt3A_193 = arith.constant 0 : i32
    %lt3A_194 = arith.cmpi slt, %select_n3A_184, %lt3A_193 : i32
    %ne3A_195 = vector.broadcast %lt3A_194 : i1 to vector<16xi1>
    %ne3A_196 = vector.broadcast %ne3A_195 : vector<16xi1> to vector<16xi1>
    %ne3A_197 = arith.xori %lt3A_192, %ne3A_196 : vector<16xi1>
    %and3A_198 = arith.andi %ne3A_197, %ne3A_189 : vector<16xi1>
    %add3A_199 = vector.broadcast %select_n3A_184 : i32 to vector<16xi32>
    %add3A_200 = arith.addi %rem3A_186, %add3A_199 : vector<16xi32>
    %select_n3A_201 = arith.select %and3A_198, %add3A_200, %rem3A_186 : vector<16xi1>, vector<16xi32>
    %add3A_202 = arith.constant 48 : i32
    %add3A_203 = vector.broadcast %add3A_202 : i32 to vector<16xi32>
    %add3A_204 = arith.addi %add3A_203, %iota3A : vector<16xi32>
    %jit3A_205 = arith.constant 8 : i32
    %eq3A_206 = arith.constant 0 : i32
    %eq3A_207 = arith.cmpi eq, %jit3A_205, %eq3A_206 : i32
    %jit3A_208 = arith.constant 1 : i32
    %select_n3A_209 = arith.select %eq3A_207, %jit3A_208, %jit3A_205 : i32
    %rem3A_210 = vector.broadcast %select_n3A_209 : i32 to vector<16xi32>
    %rem3A_211 = arith.remsi %add3A_204, %rem3A_210 : vector<16xi32>
    %ne3A_212 = arith.constant 0 : i32
    %ne3A_213 = vector.broadcast %ne3A_212 : i32 to vector<16xi32>
    %ne3A_214 = arith.cmpi ne, %rem3A_211, %ne3A_213 : vector<16xi32>
    %lt3A_215 = arith.constant 0 : i32
    %lt3A_216 = vector.broadcast %lt3A_215 : i32 to vector<16xi32>
    %lt3A_217 = arith.cmpi slt, %rem3A_211, %lt3A_216 : vector<16xi32>
    %lt3A_218 = arith.constant 0 : i32
    %lt3A_219 = arith.cmpi slt, %select_n3A_209, %lt3A_218 : i32
    %ne3A_220 = vector.broadcast %lt3A_219 : i1 to vector<16xi1>
    %ne3A_221 = vector.broadcast %ne3A_220 : vector<16xi1> to vector<16xi1>
    %ne3A_222 = arith.xori %lt3A_217, %ne3A_221 : vector<16xi1>
    %and3A_223 = arith.andi %ne3A_222, %ne3A_214 : vector<16xi1>
    %add3A_224 = vector.broadcast %select_n3A_209 : i32 to vector<16xi32>
    %add3A_225 = arith.addi %rem3A_211, %add3A_224 : vector<16xi32>
    %select_n3A_226 = arith.select %and3A_223, %add3A_225, %rem3A_211 : vector<16xi1>, vector<16xi32>
    %broadcast_in_dim3A = arith.constant 0 : i32
    %broadcast_in_dim3A_227 = vector.broadcast %broadcast_in_dim3A : i32 to vector<16xi32>
    %dma_start3A = arith.constant 0 : i32
    %dma_start3A_228 = arith.constant 0 : i32
    %dma_start3A_229 = arith.constant 0 : i32
    %dma_start3A_230 = arith.constant 0 : i32
    %dma_start3A_231 = arith.constant 0 : i32
    %dma_start3A_232 = arith.constant 0 : i32
    %dma_start3A_233 = arith.constant 0 : i32
    %dma_start3A_234 = tpu.memref_slice %arg6[%dma_start3A_230, %dma_start3A_232, %dma_start3A_233] : memref<4x128x64xf32, #tpu.memory_space<vmem>> -> memref<1x128x64xf32, #tpu.memory_space<vmem>>
    %dma_start3A_235 = tpu.memref_squeeze %dma_start3A_234 : memref<1x128x64xf32, #tpu.memory_space<vmem>> -> memref<128x64xf32, #tpu.memory_space<vmem>>
    %dma_start3A_236 = arith.constant 0 : i32
    %dma_start3A_237 = tpu.memref_slice %arg5[%dma_start3A, %dma_start3A_228, %dma_start3A_229, %dma_start3A_236] : memref<25x1x8x128xi32, #tpu.memory_space<vmem>> -> memref<1x1x1x128xi32, #tpu.memory_space<vmem>>
    %dma_start3A_238 = tpu.memref_squeeze %dma_start3A_237 : memref<1x1x1x128xi32, #tpu.memory_space<vmem>> -> memref<128xi32, #tpu.memory_space<vmem>>
    %dma_start3A_239 = arith.constant 0 : i32
    %dma_start3A_240 = arith.constant 0 : i32
    %dma_start3A_241 = tpu.memref_slice %arg3[%dma_start3A_239, %dma_start3A_240] : memref<100000x64xf32, #tpu.memory_space<hbm>> -> memref<100000x64xf32, #tpu.memory_space<hbm>>
    %dma_start3A_242 = tpu.memref_slice %arg8[%dma_start3A_231] : memref<4x!tpu.dma_semaphore, #tpu.memory_space<semaphore_mem>> -> memref<1x!tpu.dma_semaphore, #tpu.memory_space<semaphore_mem>>
    %dma_start3A_243 = tpu.memref_squeeze %dma_start3A_242 : memref<1x!tpu.dma_semaphore, #tpu.memory_space<semaphore_mem>> -> memref<!tpu.dma_semaphore, #tpu.memory_space<semaphore_mem>>
    tpu.enqueue_indirect_dma source(%dma_start3A_241 : memref<100000x64xf32, #tpu.memory_space<hbm>>) target(%dma_start3A_235 : memref<128x64xf32, #tpu.memory_space<vmem>>) offsets(%dma_start3A_238 : memref<128xi32, #tpu.memory_space<vmem>>) semaphore(%dma_start3A_243 : memref<!tpu.dma_semaphore, #tpu.memory_space<semaphore_mem>>)
    %dma_start3A_244 = arith.constant 0 : i32
    %dma_start3A_245 = arith.constant 0 : i32
    %dma_start3A_246 = arith.constant 1 : i32
    %dma_start3A_247 = arith.constant 1 : i32
    %dma_start3A_248 = arith.constant 1 : i32
    %dma_start3A_249 = arith.constant 0 : i32
    %dma_start3A_250 = arith.constant 0 : i32
    %dma_start3A_251 = tpu.memref_slice %arg6[%dma_start3A_247, %dma_start3A_249, %dma_start3A_250] : memref<4x128x64xf32, #tpu.memory_space<vmem>> -> memref<1x128x64xf32, #tpu.memory_space<vmem>>
    %dma_start3A_252 = tpu.memref_squeeze %dma_start3A_251 : memref<1x128x64xf32, #tpu.memory_space<vmem>> -> memref<128x64xf32, #tpu.memory_space<vmem>>
    %dma_start3A_253 = arith.constant 0 : i32
    %dma_start3A_254 = tpu.memref_slice %arg5[%dma_start3A_244, %dma_start3A_245, %dma_start3A_246, %dma_start3A_253] : memref<25x1x8x128xi32, #tpu.memory_space<vmem>> -> memref<1x1x1x128xi32, #tpu.memory_space<vmem>>
    %dma_start3A_255 = tpu.memref_squeeze %dma_start3A_254 : memref<1x1x1x128xi32, #tpu.memory_space<vmem>> -> memref<128xi32, #tpu.memory_space<vmem>>
    %dma_start3A_256 = arith.constant 0 : i32
    %dma_start3A_257 = arith.constant 0 : i32
    %dma_start3A_258 = tpu.memref_slice %arg3[%dma_start3A_256, %dma_start3A_257] : memref<100000x64xf32, #tpu.memory_space<hbm>> -> memref<100000x64xf32, #tpu.memory_space<hbm>>
    %dma_start3A_259 = tpu.memref_slice %arg8[%dma_start3A_248] : memref<4x!tpu.dma_semaphore, #tpu.memory_space<semaphore_mem>> -> memref<1x!tpu.dma_semaphore, #tpu.memory_space<semaphore_mem>>
    %dma_start3A_260 = tpu.memref_squeeze %dma_start3A_259 : memref<1x!tpu.dma_semaphore, #tpu.memory_space<semaphore_mem>> -> memref<!tpu.dma_semaphore, #tpu.memory_space<semaphore_mem>>
    tpu.enqueue_indirect_dma source(%dma_start3A_258 : memref<100000x64xf32, #tpu.memory_space<hbm>>) target(%dma_start3A_252 : memref<128x64xf32, #tpu.memory_space<vmem>>) offsets(%dma_start3A_255 : memref<128xi32, #tpu.memory_space<vmem>>) semaphore(%dma_start3A_260 : memref<!tpu.dma_semaphore, #tpu.memory_space<semaphore_mem>>)
    %dma_start3A_261 = arith.constant 0 : i32
    %dma_start3A_262 = arith.constant 0 : i32
    %dma_start3A_263 = arith.constant 2 : i32
    %dma_start3A_264 = arith.constant 2 : i32
    %dma_start3A_265 = arith.constant 2 : i32
    %dma_start3A_266 = arith.constant 0 : i32
    %dma_start3A_267 = arith.constant 0 : i32
    %dma_start3A_268 = tpu.memref_slice %arg6[%dma_start3A_264, %dma_start3A_266, %dma_start3A_267] : memref<4x128x64xf32, #tpu.memory_space<vmem>> -> memref<1x128x64xf32, #tpu.memory_space<vmem>>
    %dma_start3A_269 = tpu.memref_squeeze %dma_start3A_268 : memref<1x128x64xf32, #tpu.memory_space<vmem>> -> memref<128x64xf32, #tpu.memory_space<vmem>>
    %dma_start3A_270 = arith.constant 0 : i32
    %dma_start3A_271 = tpu.memref_slice %arg5[%dma_start3A_261, %dma_start3A_262, %dma_start3A_263, %dma_start3A_270] : memref<25x1x8x128xi32, #tpu.memory_space<vmem>> -> memref<1x1x1x128xi32, #tpu.memory_space<vmem>>
    %dma_start3A_272 = tpu.memref_squeeze %dma_start3A_271 : memref<1x1x1x128xi32, #tpu.memory_space<vmem>> -> memref<128xi32, #tpu.memory_space<vmem>>
    %dma_start3A_273 = arith.constant 0 : i32
    %dma_start3A_274 = arith.constant 0 : i32
    %dma_start3A_275 = tpu.memref_slice %arg3[%dma_start3A_273, %dma_start3A_274] : memref<100000x64xf32, #tpu.memory_space<hbm>> -> memref<100000x64xf32, #tpu.memory_space<hbm>>
    %dma_start3A_276 = tpu.memref_slice %arg8[%dma_start3A_265] : memref<4x!tpu.dma_semaphore, #tpu.memory_space<semaphore_mem>> -> memref<1x!tpu.dma_semaphore, #tpu.memory_space<semaphore_mem>>
    %dma_start3A_277 = tpu.memref_squeeze %dma_start3A_276 : memref<1x!tpu.dma_semaphore, #tpu.memory_space<semaphore_mem>> -> memref<!tpu.dma_semaphore, #tpu.memory_space<semaphore_mem>>
    tpu.enqueue_indirect_dma source(%dma_start3A_275 : memref<100000x64xf32, #tpu.memory_space<hbm>>) target(%dma_start3A_269 : memref<128x64xf32, #tpu.memory_space<vmem>>) offsets(%dma_start3A_272 : memref<128xi32, #tpu.memory_space<vmem>>) semaphore(%dma_start3A_277 : memref<!tpu.dma_semaphore, #tpu.memory_space<semaphore_mem>>)
    %dma_start3A_278 = arith.constant 0 : i32
    %dma_start3A_279 = arith.constant 0 : i32
    %dma_start3A_280 = arith.constant 3 : i32
    %dma_start3A_281 = arith.constant 3 : i32
    %dma_start3A_282 = arith.constant 3 : i32
    %dma_start3A_283 = arith.constant 0 : i32
    %dma_start3A_284 = arith.constant 0 : i32
    %dma_start3A_285 = tpu.memref_slice %arg6[%dma_start3A_281, %dma_start3A_283, %dma_start3A_284] : memref<4x128x64xf32, #tpu.memory_space<vmem>> -> memref<1x128x64xf32, #tpu.memory_space<vmem>>
    %dma_start3A_286 = tpu.memref_squeeze %dma_start3A_285 : memref<1x128x64xf32, #tpu.memory_space<vmem>> -> memref<128x64xf32, #tpu.memory_space<vmem>>
    %dma_start3A_287 = arith.constant 0 : i32
    %dma_start3A_288 = tpu.memref_slice %arg5[%dma_start3A_278, %dma_start3A_279, %dma_start3A_280, %dma_start3A_287] : memref<25x1x8x128xi32, #tpu.memory_space<vmem>> -> memref<1x1x1x128xi32, #tpu.memory_space<vmem>>
    %dma_start3A_289 = tpu.memref_squeeze %dma_start3A_288 : memref<1x1x1x128xi32, #tpu.memory_space<vmem>> -> memref<128xi32, #tpu.memory_space<vmem>>
    %dma_start3A_290 = arith.constant 0 : i32
    %dma_start3A_291 = arith.constant 0 : i32
    %dma_start3A_292 = tpu.memref_slice %arg3[%dma_start3A_290, %dma_start3A_291] : memref<100000x64xf32, #tpu.memory_space<hbm>> -> memref<100000x64xf32, #tpu.memory_space<hbm>>
    %dma_start3A_293 = tpu.memref_slice %arg8[%dma_start3A_282] : memref<4x!tpu.dma_semaphore, #tpu.memory_space<semaphore_mem>> -> memref<1x!tpu.dma_semaphore, #tpu.memory_space<semaphore_mem>>
    %dma_start3A_294 = tpu.memref_squeeze %dma_start3A_293 : memref<1x!tpu.dma_semaphore, #tpu.memory_space<semaphore_mem>> -> memref<!tpu.dma_semaphore, #tpu.memory_space<semaphore_mem>>
    tpu.enqueue_indirect_dma source(%dma_start3A_292 : memref<100000x64xf32, #tpu.memory_space<hbm>>) target(%dma_start3A_286 : memref<128x64xf32, #tpu.memory_space<vmem>>) offsets(%dma_start3A_289 : memref<128xi32, #tpu.memory_space<vmem>>) semaphore(%dma_start3A_294 : memref<!tpu.dma_semaphore, #tpu.memory_space<semaphore_mem>>)
    %scan3A = arith.constant 0 : i32
    %scan3A_295 = arith.constant 0 : i32
    %scan3A_296 = arith.constant 50 : i32
    %scan3A_297 = arith.addi %scan3A_295, %scan3A_296 : i32
    %scan3A_298 = arith.constant 1 : i32
    %scan3A_299 = scf.for %scan3A_408 = %scan3A_295 to %scan3A_297 step %scan3A_298 iter_args(%scan3A_409 = %scan3A) -> (i32)  : i32 {
      %mul3A_410 = arith.constant 4 : i32
      %mul3A_411 = arith.muli %scan3A_408, %mul3A_410 : i32
      %add3A_412 = arith.constant 0 : i32
      %add3A_413 = arith.addi %mul3A_411, %add3A_412 : i32
      %dma_wait3A_414 = arith.constant 0 : i32
      %dma_wait3A_415 = arith.constant 0 : i32
      %dma_wait3A_416 = arith.constant 0 : i32
      %dma_wait3A_417 = arith.constant 0 : i32
      %dma_wait3A_418 = arith.constant 0 : i32
      %dma_wait3A_419 = tpu.memref_slice %arg6[%dma_wait3A_415, %dma_wait3A_417, %dma_wait3A_418] : memref<4x128x64xf32, #tpu.memory_space<vmem>> -> memref<1x128x64xf32, #tpu.memory_space<vmem>>
      %dma_wait3A_420 = tpu.memref_squeeze %dma_wait3A_419 : memref<1x128x64xf32, #tpu.memory_space<vmem>> -> memref<128x64xf32, #tpu.memory_space<vmem>>
      %dma_wait3A_421 = arith.constant 0 : i32
      %dma_wait3A_422 = arith.constant 0 : i32
      %dma_wait3A_423 = arith.constant 0 : i32
      %dma_wait3A_424 = tpu.memref_slice %arg4[%dma_wait3A_414, %dma_wait3A_421, %add3A, %dma_wait3A_422, %dma_wait3A_423] : memref<200x8x32x8x128xf32, #tpu.memory_space<hbm>> -> memref<1x8x1x8x128xf32, #tpu.memory_space<hbm>>
      %dma_wait3A_425 = tpu.memref_squeeze %dma_wait3A_424 : memref<1x8x1x8x128xf32, #tpu.memory_space<hbm>> -> memref<8x1x8x128xf32, #tpu.memory_space<hbm>>
      %dma_wait3A_426 = tpu.memref_slice %arg8[%dma_wait3A_416] : memref<4x!tpu.dma_semaphore, #tpu.memory_space<semaphore_mem>> -> memref<1x!tpu.dma_semaphore, #tpu.memory_space<semaphore_mem>>
      %dma_wait3A_427 = tpu.memref_squeeze %dma_wait3A_426 : memref<1x!tpu.dma_semaphore, #tpu.memory_space<semaphore_mem>> -> memref<!tpu.dma_semaphore, #tpu.memory_space<semaphore_mem>>
      %dma_wait3A_428 = arith.constant 0 : i32
      %dma_wait3A_429 = arith.constant 0 : i32
      %dma_wait3A_430 = tpu.memref_slice %arg6[%dma_wait3A_415, %dma_wait3A_428, %dma_wait3A_429] : memref<4x128x64xf32, #tpu.memory_space<vmem>> -> memref<1x128x64xf32, #tpu.memory_space<vmem>>
      %dma_wait3A_431 = tpu.memref_squeeze %dma_wait3A_430 : memref<1x128x64xf32, #tpu.memory_space<vmem>> -> memref<128x64xf32, #tpu.memory_space<vmem>>
      %dma_wait3A_432 = arith.constant 0 : i32
      %dma_wait3A_433 = arith.constant 0 : i32
      %dma_wait3A_434 = arith.constant 0 : i32
      %dma_wait3A_435 = tpu.memref_slice %arg4[%dma_wait3A_414, %dma_wait3A_432, %add3A, %dma_wait3A_433, %dma_wait3A_434] : memref<200x8x32x8x128xf32, #tpu.memory_space<hbm>> -> memref<1x8x1x8x128xf32, #tpu.memory_space<hbm>>
      %dma_wait3A_436 = tpu.memref_squeeze %dma_wait3A_435 : memref<1x8x1x8x128xf32, #tpu.memory_space<hbm>> -> memref<8x1x8x128xf32, #tpu.memory_space<hbm>>
      tpu.wait_dma2 semaphore(%dma_wait3A_427 : memref<!tpu.dma_semaphore, #tpu.memory_space<semaphore_mem>>) src(%dma_wait3A_436 : memref<8x1x8x128xf32, #tpu.memory_space<hbm>>) dst(%dma_wait3A_431 : memref<128x64xf32, #tpu.memory_space<vmem>>)
      %ge3A = arith.constant 1 : i32
      %ge3A_437 = arith.cmpi sge, %scan3A_408, %ge3A : i32
      %convert_element_type3A = arith.extui %ge3A_437 : i1 to i32
      %cond3A = arith.constant 0 : i32
      %cond3A_438 = arith.cmpi ne, %convert_element_type3A, %cond3A : i32
      scf.if %cond3A_438 {
        %dma_wait3A_679 = arith.constant 0 : i32
        %dma_wait3A_680 = arith.constant 0 : i32
        %dma_wait3A_681 = arith.constant 0 : i32
        %dma_wait3A_682 = arith.constant 0 : i32
        %dma_wait3A_683 = arith.constant 0 : i32
        %dma_wait3A_684 = arith.constant 0 : i32
        %dma_wait3A_685 = arith.constant 0 : i32
        %dma_wait3A_686 = tpu.memref_slice %arg7[%dma_wait3A_679, %dma_wait3A_682, %dma_wait3A_683, %dma_wait3A_684, %dma_wait3A_685] : memref<4x8x1x8x129xf32, #tpu.memory_space<vmem>> -> memref<1x8x1x8x128xf32, #tpu.memory_space<vmem>>
        %dma_wait3A_687 = tpu.memref_squeeze %dma_wait3A_686 : memref<1x8x1x8x128xf32, #tpu.memory_space<vmem>> -> memref<8x1x8x128xf32, #tpu.memory_space<vmem>>
        %dma_wait3A_688 = arith.constant 0 : i32
        %dma_wait3A_689 = arith.constant 0 : i32
        %dma_wait3A_690 = arith.constant 0 : i32
        %dma_wait3A_691 = tpu.memref_slice %arg4[%dma_wait3A_680, %dma_wait3A_688, %add3A, %dma_wait3A_689, %dma_wait3A_690] : memref<200x8x32x8x128xf32, #tpu.memory_space<hbm>> -> memref<1x8x1x8x128xf32, #tpu.memory_space<hbm>>
        %dma_wait3A_692 = tpu.memref_squeeze %dma_wait3A_691 : memref<1x8x1x8x128xf32, #tpu.memory_space<hbm>> -> memref<8x1x8x128xf32, #tpu.memory_space<hbm>>
        %dma_wait3A_693 = tpu.memref_slice %arg9[%dma_wait3A_681] : memref<4x!tpu.dma_semaphore, #tpu.memory_space<semaphore_mem>> -> memref<1x!tpu.dma_semaphore, #tpu.memory_space<semaphore_mem>>
        %dma_wait3A_694 = tpu.memref_squeeze %dma_wait3A_693 : memref<1x!tpu.dma_semaphore, #tpu.memory_space<semaphore_mem>> -> memref<!tpu.dma_semaphore, #tpu.memory_space<semaphore_mem>>
        %dma_wait3A_695 = arith.constant 0 : i32
        %dma_wait3A_696 = arith.constant 0 : i32
        %dma_wait3A_697 = arith.constant 0 : i32
        %dma_wait3A_698 = tpu.memref_slice %arg4[%dma_wait3A_680, %dma_wait3A_695, %add3A, %dma_wait3A_696, %dma_wait3A_697] : memref<200x8x32x8x128xf32, #tpu.memory_space<hbm>> -> memref<1x8x1x8x128xf32, #tpu.memory_space<hbm>>
        %dma_wait3A_699 = tpu.memref_squeeze %dma_wait3A_698 : memref<1x8x1x8x128xf32, #tpu.memory_space<hbm>> -> memref<8x1x8x128xf32, #tpu.memory_space<hbm>>
        %dma_wait3A_700 = arith.constant 0 : i32
        %dma_wait3A_701 = arith.constant 0 : i32
        %dma_wait3A_702 = arith.constant 0 : i32
        %dma_wait3A_703 = arith.constant 0 : i32
        %dma_wait3A_704 = tpu.memref_slice %arg7[%dma_wait3A_679, %dma_wait3A_700, %dma_wait3A_701, %dma_wait3A_702, %dma_wait3A_703] : memref<4x8x1x8x129xf32, #tpu.memory_space<vmem>> -> memref<1x8x1x8x128xf32, #tpu.memory_space<vmem>>
        %dma_wait3A_705 = tpu.memref_squeeze %dma_wait3A_704 : memref<1x8x1x8x128xf32, #tpu.memory_space<vmem>> -> memref<8x1x8x128xf32, #tpu.memory_space<vmem>>
        tpu.wait_dma2 semaphore(%dma_wait3A_694 : memref<!tpu.dma_semaphore, #tpu.memory_space<semaphore_mem>>) src(%dma_wait3A_705 : memref<8x1x8x128xf32, #tpu.memory_space<vmem>>) dst(%dma_wait3A_699 : memref<8x1x8x128xf32, #tpu.memory_space<hbm>>)
      } else {
      }
      %parallel_loop3A = arith.constant 0 : i32
      %parallel_loop3A_439 = arith.constant 128 : i32
      %parallel_loop3A_440 = arith.constant 1 : i32
      scf.for %parallel_loop3A_679 = %parallel_loop3A to %parallel_loop3A_439 step %parallel_loop3A_440  : i32 {
        %parallel_loop3A_680 = vector.broadcast %parallel_loop3A_679 : i32 to vector<16xi32>
        %parallel_loop3A_681 = arith.constant 0 : i32
        %parallel_loop3A_682 = arith.index_cast %parallel_loop3A_681 : i32 to index
        %parallel_loop3A_683 = arith.index_cast %parallel_loop3A_679 : i32 to index
        %parallel_loop3A_684 = arith.constant 0 : index
        %parallel_loop3A_685 = tpu.vector_load %arg6[%parallel_loop3A_682, %parallel_loop3A_683, %parallel_loop3A_684] {strides = array<i32>} : memref<4x128x64xf32, #tpu.memory_space<vmem>>, vector<16xf32>,
        %parallel_loop3A_686 = arith.constant 0 : i32
        %parallel_loop3A_687 = arith.constant 0 : i32
        %parallel_loop3A_688 = arith.constant 0 : i32
        %parallel_loop3A_689 = arith.constant 0 : i32
        %parallel_loop3A_690 = arith.constant 0 : i32
        %parallel_loop3A_691 = tpu.memref_slice %arg7[%parallel_loop3A_686, %parallel_loop3A_687, %parallel_loop3A_688, %parallel_loop3A_689, %parallel_loop3A_690] : memref<4x8x1x8x129xf32, #tpu.memory_space<vmem>> -> memref<1x8x1x8x129xf32, #tpu.memory_space<vmem>>
        %parallel_loop3A_692 = tpu.memref_squeeze %parallel_loop3A_691 : memref<1x8x1x8x129xf32, #tpu.memory_space<vmem>> -> memref<8x1x8x129xf32, #tpu.memory_space<vmem>>
        tpu.vector_store_idx %parallel_loop3A_692[%select_n3A, %broadcast_in_dim3A_227, %select_n3A_151, %parallel_loop3A_680], %parallel_loop3A_685 : memref<8x1x8x129xf32, #tpu.memory_space<vmem>>[vector<16xi32>, vector<16xi32>, vector<16xi32>, vector<16xi32>], vector<16xf32>,
        %parallel_loop3A_693 = arith.constant 0 : i32
        %parallel_loop3A_694 = arith.index_cast %parallel_loop3A_693 : i32 to index
        %parallel_loop3A_695 = arith.index_cast %parallel_loop3A_679 : i32 to index
        %parallel_loop3A_696 = arith.constant 16 : index
        %parallel_loop3A_697 = tpu.vector_load %arg6[%parallel_loop3A_694, %parallel_loop3A_695, %parallel_loop3A_696] {strides = array<i32>} : memref<4x128x64xf32, #tpu.memory_space<vmem>>, vector<16xf32>,
        %parallel_loop3A_698 = arith.constant 0 : i32
        %parallel_loop3A_699 = arith.constant 0 : i32
        %parallel_loop3A_700 = arith.constant 0 : i32
        %parallel_loop3A_701 = arith.constant 0 : i32
        %parallel_loop3A_702 = arith.constant 0 : i32
        %parallel_loop3A_703 = tpu.memref_slice %arg7[%parallel_loop3A_698, %parallel_loop3A_699, %parallel_loop3A_700, %parallel_loop3A_701, %parallel_loop3A_702] : memref<4x8x1x8x129xf32, #tpu.memory_space<vmem>> -> memref<1x8x1x8x129xf32, #tpu.memory_space<vmem>>
        %parallel_loop3A_704 = tpu.memref_squeeze %parallel_loop3A_703 : memref<1x8x1x8x129xf32, #tpu.memory_space<vmem>> -> memref<8x1x8x129xf32, #tpu.memory_space<vmem>>
        tpu.vector_store_idx %parallel_loop3A_704[%select_n3A_60, %broadcast_in_dim3A_227, %select_n3A_176, %parallel_loop3A_680], %parallel_loop3A_697 : memref<8x1x8x129xf32, #tpu.memory_space<vmem>>[vector<16xi32>, vector<16xi32>, vector<16xi32>, vector<16xi32>], vector<16xf32>,
        %parallel_loop3A_705 = arith.constant 0 : i32
        %parallel_loop3A_706 = arith.index_cast %parallel_loop3A_705 : i32 to index
        %parallel_loop3A_707 = arith.index_cast %parallel_loop3A_679 : i32 to index
        %parallel_loop3A_708 = arith.constant 32 : index
        %parallel_loop3A_709 = tpu.vector_load %arg6[%parallel_loop3A_706, %parallel_loop3A_707, %parallel_loop3A_708] {strides = array<i32>} : memref<4x128x64xf32, #tpu.memory_space<vmem>>, vector<16xf32>,
        %parallel_loop3A_710 = arith.constant 0 : i32
        %parallel_loop3A_711 = arith.constant 0 : i32
        %parallel_loop3A_712 = arith.constant 0 : i32
        %parallel_loop3A_713 = arith.constant 0 : i32
        %parallel_loop3A_714 = arith.constant 0 : i32
        %parallel_loop3A_715 = tpu.memref_slice %arg7[%parallel_loop3A_710, %parallel_loop3A_711, %parallel_loop3A_712, %parallel_loop3A_713, %parallel_loop3A_714] : memref<4x8x1x8x129xf32, #tpu.memory_space<vmem>> -> memref<1x8x1x8x129xf32, #tpu.memory_space<vmem>>
        %parallel_loop3A_716 = tpu.memref_squeeze %parallel_loop3A_715 : memref<1x8x1x8x129xf32, #tpu.memory_space<vmem>> -> memref<8x1x8x129xf32, #tpu.memory_space<vmem>>
        tpu.vector_store_idx %parallel_loop3A_716[%select_n3A_94, %broadcast_in_dim3A_227, %select_n3A_201, %parallel_loop3A_680], %parallel_loop3A_709 : memref<8x1x8x129xf32, #tpu.memory_space<vmem>>[vector<16xi32>, vector<16xi32>, vector<16xi32>, vector<16xi32>], vector<16xf32>,
        %parallel_loop3A_717 = arith.constant 0 : i32
        %parallel_loop3A_718 = arith.index_cast %parallel_loop3A_717 : i32 to index
        %parallel_loop3A_719 = arith.index_cast %parallel_loop3A_679 : i32 to index
        %parallel_loop3A_720 = arith.constant 48 : index
        %parallel_loop3A_721 = tpu.vector_load %arg6[%parallel_loop3A_718, %parallel_loop3A_719, %parallel_loop3A_720] {strides = array<i32>} : memref<4x128x64xf32, #tpu.memory_space<vmem>>, vector<16xf32>,
        %parallel_loop3A_722 = arith.constant 0 : i32
        %parallel_loop3A_723 = arith.constant 0 : i32
        %parallel_loop3A_724 = arith.constant 0 : i32
        %parallel_loop3A_725 = arith.constant 0 : i32
        %parallel_loop3A_726 = arith.constant 0 : i32
        %parallel_loop3A_727 = tpu.memref_slice %arg7[%parallel_loop3A_722, %parallel_loop3A_723, %parallel_loop3A_724, %parallel_loop3A_725, %parallel_loop3A_726] : memref<4x8x1x8x129xf32, #tpu.memory_space<vmem>> -> memref<1x8x1x8x129xf32, #tpu.memory_space<vmem>>
        %parallel_loop3A_728 = tpu.memref_squeeze %parallel_loop3A_727 : memref<1x8x1x8x129xf32, #tpu.memory_space<vmem>> -> memref<8x1x8x129xf32, #tpu.memory_space<vmem>>
        tpu.vector_store_idx %parallel_loop3A_728[%select_n3A_128, %broadcast_in_dim3A_227, %select_n3A_226, %parallel_loop3A_680], %parallel_loop3A_721 : memref<8x1x8x129xf32, #tpu.memory_space<vmem>>[vector<16xi32>, vector<16xi32>, vector<16xi32>, vector<16xi32>], vector<16xf32>,
      } {sc.loop_unroll_factor = 4 : i64, sc.parallel_access}
      %add3A_441 = arith.constant 4 : i32
      %add3A_442 = arith.addi %add3A_413, %add3A_441 : i32
      %lt3A_443 = arith.constant 200 : i32
      %lt3A_444 = arith.cmpi slt, %add3A_442, %lt3A_443 : i32
      %convert_element_type3A_445 = arith.extui %lt3A_444 : i1 to i32
      %cond3A_446 = arith.constant 0 : i32
      %cond3A_447 = arith.cmpi ne, %convert_element_type3A_445, %cond3A_446 : i32
      scf.if %cond3A_447 {
        %add3A_679 = arith.constant 4 : i32
        %add3A_680 = arith.addi %add3A_413, %add3A_679 : i32
        %jit3A_681 = arith.constant 8 : i32
        %div3A_682 = arith.divsi %add3A_680, %jit3A_681 : i32
        %sign3A_683 = arith.constant 0 : i32
        %sign3A_684 = arith.cmpi sgt, %add3A_680, %sign3A_683 : i32
        %sign3A_685 = arith.extui %sign3A_684 : i1 to i32
        %sign3A_686 = arith.constant 0 : i32
        %sign3A_687 = arith.cmpi slt, %add3A_680, %sign3A_686 : i32
        %sign3A_688 = arith.extui %sign3A_687 : i1 to i32
        %sign3A_689 = arith.subi %sign3A_685, %sign3A_688 : i32
        %sign3A_690 = arith.constant 0 : i32
        %sign3A_691 = arith.cmpi sgt, %jit3A_681, %sign3A_690 : i32
        %sign3A_692 = arith.extui %sign3A_691 : i1 to i32
        %sign3A_693 = arith.constant 0 : i32
        %sign3A_694 = arith.cmpi slt, %jit3A_681, %sign3A_693 : i32
        %sign3A_695 = arith.extui %sign3A_694 : i1 to i32
        %sign3A_696 = arith.subi %sign3A_692, %sign3A_695 : i32
        %ne3A_697 = arith.cmpi ne, %sign3A_689, %sign3A_696 : i32
        %rem3A_698 = arith.remsi %add3A_680, %jit3A_681 : i32
        %ne3A_699 = arith.constant 0 : i32
        %ne3A_700 = arith.cmpi ne, %rem3A_698, %ne3A_699 : i32
        %and3A_701 = arith.andi %ne3A_697, %ne3A_700 : i1
        %sub3A_702 = arith.constant 1 : i32
        %sub3A_703 = arith.subi %div3A_682, %sub3A_702 : i32
        %select_n3A_704 = arith.select %and3A_701, %sub3A_703, %div3A_682 : i32
        %mul3A_705 = arith.constant 8 : i32
        %mul3A_706 = arith.muli %select_n3A_704, %mul3A_705 : i32
        %sub3A_707 = arith.subi %add3A_680, %mul3A_706 : i32
        %dma_start3A_708 = arith.constant 0 : i32
        %dma_start3A_709 = arith.constant 0 : i32
        %dma_start3A_710 = arith.constant 0 : i32
        %dma_start3A_711 = arith.constant 0 : i32
        %dma_start3A_712 = arith.constant 0 : i32
        %dma_start3A_713 = tpu.memref_slice %arg6[%dma_start3A_709, %dma_start3A_711, %dma_start3A_712] : memref<4x128x64xf32, #tpu.memory_space<vmem>> -> memref<1x128x64xf32, #tpu.memory_space<vmem>>
        %dma_start3A_714 = tpu.memref_squeeze %dma_start3A_713 : memref<1x128x64xf32, #tpu.memory_space<vmem>> -> memref<128x64xf32, #tpu.memory_space<vmem>>
        %dma_start3A_715 = arith.constant 0 : i32
        %dma_start3A_716 = tpu.memref_slice %arg5[%select_n3A_704, %dma_start3A_708, %sub3A_707, %dma_start3A_715] : memref<25x1x8x128xi32, #tpu.memory_space<vmem>> -> memref<1x1x1x128xi32, #tpu.memory_space<vmem>>
        %dma_start3A_717 = tpu.memref_squeeze %dma_start3A_716 : memref<1x1x1x128xi32, #tpu.memory_space<vmem>> -> memref<128xi32, #tpu.memory_space<vmem>>
        %dma_start3A_718 = arith.constant 0 : i32
        %dma_start3A_719 = arith.constant 0 : i32
        %dma_start3A_720 = tpu.memref_slice %arg3[%dma_start3A_718, %dma_start3A_719] : memref<100000x64xf32, #tpu.memory_space<hbm>> -> memref<100000x64xf32, #tpu.memory_space<hbm>>
        %dma_start3A_721 = tpu.memref_slice %arg8[%dma_start3A_710] : memref<4x!tpu.dma_semaphore, #tpu.memory_space<semaphore_mem>> -> memref<1x!tpu.dma_semaphore, #tpu.memory_space<semaphore_mem>>
        %dma_start3A_722 = tpu.memref_squeeze %dma_start3A_721 : memref<1x!tpu.dma_semaphore, #tpu.memory_space<semaphore_mem>> -> memref<!tpu.dma_semaphore, #tpu.memory_space<semaphore_mem>>
        tpu.enqueue_indirect_dma source(%dma_start3A_720 : memref<100000x64xf32, #tpu.memory_space<hbm>>) target(%dma_start3A_714 : memref<128x64xf32, #tpu.memory_space<vmem>>) offsets(%dma_start3A_717 : memref<128xi32, #tpu.memory_space<vmem>>) semaphore(%dma_start3A_722 : memref<!tpu.dma_semaphore, #tpu.memory_space<semaphore_mem>>)
      } else {
      }
      %dma_start3A_448 = arith.constant 0 : i32
      %dma_start3A_449 = arith.constant 0 : i32
      %dma_start3A_450 = arith.constant 0 : i32
      %dma_start3A_451 = arith.constant 0 : i32
      %dma_start3A_452 = arith.constant 0 : i32
      %dma_start3A_453 = arith.constant 0 : i32
      %dma_start3A_454 = tpu.memref_slice %arg7[%dma_start3A_448, %dma_start3A_450, %dma_start3A_451, %dma_start3A_452, %dma_start3A_453] : memref<4x8x1x8x129xf32, #tpu.memory_space<vmem>> -> memref<1x8x1x8x128xf32, #tpu.memory_space<vmem>>
      %dma_start3A_455 = tpu.memref_squeeze %dma_start3A_454 : memref<1x8x1x8x128xf32, #tpu.memory_space<vmem>> -> memref<8x1x8x128xf32, #tpu.memory_space<vmem>>
      %dma_start3A_456 = arith.constant 0 : i32
      %dma_start3A_457 = arith.constant 0 : i32
      %dma_start3A_458 = arith.constant 0 : i32
      %dma_start3A_459 = tpu.memref_slice %arg4[%add3A_413, %dma_start3A_456, %add3A, %dma_start3A_457, %dma_start3A_458] : memref<200x8x32x8x128xf32, #tpu.memory_space<hbm>> -> memref<1x8x1x8x128xf32, #tpu.memory_space<hbm>>
      %dma_start3A_460 = tpu.memref_squeeze %dma_start3A_459 : memref<1x8x1x8x128xf32, #tpu.memory_space<hbm>> -> memref<8x1x8x128xf32, #tpu.memory_space<hbm>>
      %dma_start3A_461 = tpu.memref_slice %arg9[%dma_start3A_449] : memref<4x!tpu.dma_semaphore, #tpu.memory_space<semaphore_mem>> -> memref<1x!tpu.dma_semaphore, #tpu.memory_space<semaphore_mem>>
      %dma_start3A_462 = tpu.memref_squeeze %dma_start3A_461 : memref<1x!tpu.dma_semaphore, #tpu.memory_space<semaphore_mem>> -> memref<!tpu.dma_semaphore, #tpu.memory_space<semaphore_mem>>
      %dma_start3A_463 = arith.constant 0 : i32
      %dma_start3A_464 = arith.constant 0 : i32
      %dma_start3A_465 = arith.constant 0 : i32
      %dma_start3A_466 = tpu.memref_slice %arg4[%add3A_413, %dma_start3A_463, %add3A, %dma_start3A_464, %dma_start3A_465] : memref<200x8x32x8x128xf32, #tpu.memory_space<hbm>> -> memref<1x8x1x8x128xf32, #tpu.memory_space<hbm>>
      %dma_start3A_467 = tpu.memref_squeeze %dma_start3A_466 : memref<1x8x1x8x128xf32, #tpu.memory_space<hbm>> -> memref<8x1x8x128xf32, #tpu.memory_space<hbm>>
      %dma_start3A_468 = arith.constant 0 : i32
      %dma_start3A_469 = arith.constant 0 : i32
      %dma_start3A_470 = arith.constant 0 : i32
      %dma_start3A_471 = arith.constant 0 : i32
      %dma_start3A_472 = tpu.memref_slice %arg7[%dma_start3A_448, %dma_start3A_468, %dma_start3A_469, %dma_start3A_470, %dma_start3A_471] : memref<4x8x1x8x129xf32, #tpu.memory_space<vmem>> -> memref<1x8x1x8x128xf32, #tpu.memory_space<vmem>>
      %dma_start3A_473 = tpu.memref_squeeze %dma_start3A_472 : memref<1x8x1x8x128xf32, #tpu.memory_space<vmem>> -> memref<8x1x8x128xf32, #tpu.memory_space<vmem>>
      tpu.enqueue_dma source(%dma_start3A_473 : memref<8x1x8x128xf32, #tpu.memory_space<vmem>>) target(%dma_start3A_467 : memref<8x1x8x128xf32, #tpu.memory_space<hbm>>) target_semaphore(%dma_start3A_462 : memref<!tpu.dma_semaphore, #tpu.memory_space<semaphore_mem>>)
      %mul3A_474 = arith.constant 4 : i32
      %mul3A_475 = arith.muli %scan3A_408, %mul3A_474 : i32
      %add3A_476 = arith.constant 1 : i32
      %add3A_477 = arith.addi %mul3A_475, %add3A_476 : i32
      %dma_wait3A_478 = arith.constant 0 : i32
      %dma_wait3A_479 = arith.constant 1 : i32
      %dma_wait3A_480 = arith.constant 1 : i32
      %dma_wait3A_481 = arith.constant 0 : i32
      %dma_wait3A_482 = arith.constant 0 : i32
      %dma_wait3A_483 = tpu.memref_slice %arg6[%dma_wait3A_479, %dma_wait3A_481, %dma_wait3A_482] : memref<4x128x64xf32, #tpu.memory_space<vmem>> -> memref<1x128x64xf32, #tpu.memory_space<vmem>>
      %dma_wait3A_484 = tpu.memref_squeeze %dma_wait3A_483 : memref<1x128x64xf32, #tpu.memory_space<vmem>> -> memref<128x64xf32, #tpu.memory_space<vmem>>
      %dma_wait3A_485 = arith.constant 0 : i32
      %dma_wait3A_486 = arith.constant 0 : i32
      %dma_wait3A_487 = arith.constant 0 : i32
      %dma_wait3A_488 = tpu.memref_slice %arg4[%dma_wait3A_478, %dma_wait3A_485, %add3A, %dma_wait3A_486, %dma_wait3A_487] : memref<200x8x32x8x128xf32, #tpu.memory_space<hbm>> -> memref<1x8x1x8x128xf32, #tpu.memory_space<hbm>>
      %dma_wait3A_489 = tpu.memref_squeeze %dma_wait3A_488 : memref<1x8x1x8x128xf32, #tpu.memory_space<hbm>> -> memref<8x1x8x128xf32, #tpu.memory_space<hbm>>
      %dma_wait3A_490 = tpu.memref_slice %arg8[%dma_wait3A_480] : memref<4x!tpu.dma_semaphore, #tpu.memory_space<semaphore_mem>> -> memref<1x!tpu.dma_semaphore, #tpu.memory_space<semaphore_mem>>
      %dma_wait3A_491 = tpu.memref_squeeze %dma_wait3A_490 : memref<1x!tpu.dma_semaphore, #tpu.memory_space<semaphore_mem>> -> memref<!tpu.dma_semaphore, #tpu.memory_space<semaphore_mem>>
      %dma_wait3A_492 = arith.constant 0 : i32
      %dma_wait3A_493 = arith.constant 0 : i32
      %dma_wait3A_494 = tpu.memref_slice %arg6[%dma_wait3A_479, %dma_wait3A_492, %dma_wait3A_493] : memref<4x128x64xf32, #tpu.memory_space<vmem>> -> memref<1x128x64xf32, #tpu.memory_space<vmem>>
      %dma_wait3A_495 = tpu.memref_squeeze %dma_wait3A_494 : memref<1x128x64xf32, #tpu.memory_space<vmem>> -> memref<128x64xf32, #tpu.memory_space<vmem>>
      %dma_wait3A_496 = arith.constant 0 : i32
      %dma_wait3A_497 = arith.constant 0 : i32
      %dma_wait3A_498 = arith.constant 0 : i32
      %dma_wait3A_499 = tpu.memref_slice %arg4[%dma_wait3A_478, %dma_wait3A_496, %add3A, %dma_wait3A_497, %dma_wait3A_498] : memref<200x8x32x8x128xf32, #tpu.memory_space<hbm>> -> memref<1x8x1x8x128xf32, #tpu.memory_space<hbm>>
      %dma_wait3A_500 = tpu.memref_squeeze %dma_wait3A_499 : memref<1x8x1x8x128xf32, #tpu.memory_space<hbm>> -> memref<8x1x8x128xf32, #tpu.memory_space<hbm>>
      tpu.wait_dma2 semaphore(%dma_wait3A_491 : memref<!tpu.dma_semaphore, #tpu.memory_space<semaphore_mem>>) src(%dma_wait3A_500 : memref<8x1x8x128xf32, #tpu.memory_space<hbm>>) dst(%dma_wait3A_495 : memref<128x64xf32, #tpu.memory_space<vmem>>)
      %ge3A_501 = arith.constant 1 : i32
      %ge3A_502 = arith.cmpi sge, %scan3A_408, %ge3A_501 : i32
      %convert_element_type3A_503 = arith.extui %ge3A_502 : i1 to i32
      %cond3A_504 = arith.constant 0 : i32
      %cond3A_505 = arith.cmpi ne, %convert_element_type3A_503, %cond3A_504 : i32
      scf.if %cond3A_505 {
        %dma_wait3A_679 = arith.constant 1 : i32
        %dma_wait3A_680 = arith.constant 0 : i32
        %dma_wait3A_681 = arith.constant 1 : i32
        %dma_wait3A_682 = arith.constant 0 : i32
        %dma_wait3A_683 = arith.constant 0 : i32
        %dma_wait3A_684 = arith.constant 0 : i32
        %dma_wait3A_685 = arith.constant 0 : i32
        %dma_wait3A_686 = tpu.memref_slice %arg7[%dma_wait3A_679, %dma_wait3A_682, %dma_wait3A_683, %dma_wait3A_684, %dma_wait3A_685] : memref<4x8x1x8x129xf32, #tpu.memory_space<vmem>> -> memref<1x8x1x8x128xf32, #tpu.memory_space<vmem>>
        %dma_wait3A_687 = tpu.memref_squeeze %dma_wait3A_686 : memref<1x8x1x8x128xf32, #tpu.memory_space<vmem>> -> memref<8x1x8x128xf32, #tpu.memory_space<vmem>>
        %dma_wait3A_688 = arith.constant 0 : i32
        %dma_wait3A_689 = arith.constant 0 : i32
        %dma_wait3A_690 = arith.constant 0 : i32
        %dma_wait3A_691 = tpu.memref_slice %arg4[%dma_wait3A_680, %dma_wait3A_688, %add3A, %dma_wait3A_689, %dma_wait3A_690] : memref<200x8x32x8x128xf32, #tpu.memory_space<hbm>> -> memref<1x8x1x8x128xf32, #tpu.memory_space<hbm>>
        %dma_wait3A_692 = tpu.memref_squeeze %dma_wait3A_691 : memref<1x8x1x8x128xf32, #tpu.memory_space<hbm>> -> memref<8x1x8x128xf32, #tpu.memory_space<hbm>>
        %dma_wait3A_693 = tpu.memref_slice %arg9[%dma_wait3A_681] : memref<4x!tpu.dma_semaphore, #tpu.memory_space<semaphore_mem>> -> memref<1x!tpu.dma_semaphore, #tpu.memory_space<semaphore_mem>>
        %dma_wait3A_694 = tpu.memref_squeeze %dma_wait3A_693 : memref<1x!tpu.dma_semaphore, #tpu.memory_space<semaphore_mem>> -> memref<!tpu.dma_semaphore, #tpu.memory_space<semaphore_mem>>
        %dma_wait3A_695 = arith.constant 0 : i32
        %dma_wait3A_696 = arith.constant 0 : i32
        %dma_wait3A_697 = arith.constant 0 : i32
        %dma_wait3A_698 = tpu.memref_slice %arg4[%dma_wait3A_680, %dma_wait3A_695, %add3A, %dma_wait3A_696, %dma_wait3A_697] : memref<200x8x32x8x128xf32, #tpu.memory_space<hbm>> -> memref<1x8x1x8x128xf32, #tpu.memory_space<hbm>>
        %dma_wait3A_699 = tpu.memref_squeeze %dma_wait3A_698 : memref<1x8x1x8x128xf32, #tpu.memory_space<hbm>> -> memref<8x1x8x128xf32, #tpu.memory_space<hbm>>
        %dma_wait3A_700 = arith.constant 0 : i32
        %dma_wait3A_701 = arith.constant 0 : i32
        %dma_wait3A_702 = arith.constant 0 : i32
        %dma_wait3A_703 = arith.constant 0 : i32
        %dma_wait3A_704 = tpu.memref_slice %arg7[%dma_wait3A_679, %dma_wait3A_700, %dma_wait3A_701, %dma_wait3A_702, %dma_wait3A_703] : memref<4x8x1x8x129xf32, #tpu.memory_space<vmem>> -> memref<1x8x1x8x128xf32, #tpu.memory_space<vmem>>
        %dma_wait3A_705 = tpu.memref_squeeze %dma_wait3A_704 : memref<1x8x1x8x128xf32, #tpu.memory_space<vmem>> -> memref<8x1x8x128xf32, #tpu.memory_space<vmem>>
        tpu.wait_dma2 semaphore(%dma_wait3A_694 : memref<!tpu.dma_semaphore, #tpu.memory_space<semaphore_mem>>) src(%dma_wait3A_705 : memref<8x1x8x128xf32, #tpu.memory_space<vmem>>) dst(%dma_wait3A_699 : memref<8x1x8x128xf32, #tpu.memory_space<hbm>>)
      } else {
      }
      %parallel_loop3A_506 = arith.constant 0 : i32
      %parallel_loop3A_507 = arith.constant 128 : i32
      %parallel_loop3A_508 = arith.constant 1 : i32
      scf.for %parallel_loop3A_679 = %parallel_loop3A_506 to %parallel_loop3A_507 step %parallel_loop3A_508  : i32 {
        %parallel_loop3A_680 = vector.broadcast %parallel_loop3A_679 : i32 to vector<16xi32>
        %parallel_loop3A_681 = arith.constant 1 : i32
        %parallel_loop3A_682 = arith.index_cast %parallel_loop3A_681 : i32 to index
        %parallel_loop3A_683 = arith.index_cast %parallel_loop3A_679 : i32 to index
        %parallel_loop3A_684 = arith.constant 0 : index
        %parallel_loop3A_685 = tpu.vector_load %arg6[%parallel_loop3A_682, %parallel_loop3A_683, %parallel_loop3A_684] {strides = array<i32>} : memref<4x128x64xf32, #tpu.memory_space<vmem>>, vector<16xf32>,
        %parallel_loop3A_686 = arith.constant 1 : i32
        %parallel_loop3A_687 = arith.constant 0 : i32
        %parallel_loop3A_688 = arith.constant 0 : i32
        %parallel_loop3A_689 = arith.constant 0 : i32
        %parallel_loop3A_690 = arith.constant 0 : i32
        %parallel_loop3A_691 = tpu.memref_slice %arg7[%parallel_loop3A_686, %parallel_loop3A_687, %parallel_loop3A_688, %parallel_loop3A_689, %parallel_loop3A_690] : memref<4x8x1x8x129xf32, #tpu.memory_space<vmem>> -> memref<1x8x1x8x129xf32, #tpu.memory_space<vmem>>
        %parallel_loop3A_692 = tpu.memref_squeeze %parallel_loop3A_691 : memref<1x8x1x8x129xf32, #tpu.memory_space<vmem>> -> memref<8x1x8x129xf32, #tpu.memory_space<vmem>>
        tpu.vector_store_idx %parallel_loop3A_692[%select_n3A, %broadcast_in_dim3A_227, %select_n3A_151, %parallel_loop3A_680], %parallel_loop3A_685 : memref<8x1x8x129xf32, #tpu.memory_space<vmem>>[vector<16xi32>, vector<16xi32>, vector<16xi32>, vector<16xi32>], vector<16xf32>,
        %parallel_loop3A_693 = arith.constant 1 : i32
        %parallel_loop3A_694 = arith.index_cast %parallel_loop3A_693 : i32 to index
        %parallel_loop3A_695 = arith.index_cast %parallel_loop3A_679 : i32 to index
        %parallel_loop3A_696 = arith.constant 16 : index
        %parallel_loop3A_697 = tpu.vector_load %arg6[%parallel_loop3A_694, %parallel_loop3A_695, %parallel_loop3A_696] {strides = array<i32>} : memref<4x128x64xf32, #tpu.memory_space<vmem>>, vector<16xf32>,
        %parallel_loop3A_698 = arith.constant 1 : i32
        %parallel_loop3A_699 = arith.constant 0 : i32
        %parallel_loop3A_700 = arith.constant 0 : i32
        %parallel_loop3A_701 = arith.constant 0 : i32
        %parallel_loop3A_702 = arith.constant 0 : i32
        %parallel_loop3A_703 = tpu.memref_slice %arg7[%parallel_loop3A_698, %parallel_loop3A_699, %parallel_loop3A_700, %parallel_loop3A_701, %parallel_loop3A_702] : memref<4x8x1x8x129xf32, #tpu.memory_space<vmem>> -> memref<1x8x1x8x129xf32, #tpu.memory_space<vmem>>
        %parallel_loop3A_704 = tpu.memref_squeeze %parallel_loop3A_703 : memref<1x8x1x8x129xf32, #tpu.memory_space<vmem>> -> memref<8x1x8x129xf32, #tpu.memory_space<vmem>>
        tpu.vector_store_idx %parallel_loop3A_704[%select_n3A_60, %broadcast_in_dim3A_227, %select_n3A_176, %parallel_loop3A_680], %parallel_loop3A_697 : memref<8x1x8x129xf32, #tpu.memory_space<vmem>>[vector<16xi32>, vector<16xi32>, vector<16xi32>, vector<16xi32>], vector<16xf32>,
        %parallel_loop3A_705 = arith.constant 1 : i32
        %parallel_loop3A_706 = arith.index_cast %parallel_loop3A_705 : i32 to index
        %parallel_loop3A_707 = arith.index_cast %parallel_loop3A_679 : i32 to index
        %parallel_loop3A_708 = arith.constant 32 : index
        %parallel_loop3A_709 = tpu.vector_load %arg6[%parallel_loop3A_706, %parallel_loop3A_707, %parallel_loop3A_708] {strides = array<i32>} : memref<4x128x64xf32, #tpu.memory_space<vmem>>, vector<16xf32>,
        %parallel_loop3A_710 = arith.constant 1 : i32
        %parallel_loop3A_711 = arith.constant 0 : i32
        %parallel_loop3A_712 = arith.constant 0 : i32
        %parallel_loop3A_713 = arith.constant 0 : i32
        %parallel_loop3A_714 = arith.constant 0 : i32
        %parallel_loop3A_715 = tpu.memref_slice %arg7[%parallel_loop3A_710, %parallel_loop3A_711, %parallel_loop3A_712, %parallel_loop3A_713, %parallel_loop3A_714] : memref<4x8x1x8x129xf32, #tpu.memory_space<vmem>> -> memref<1x8x1x8x129xf32, #tpu.memory_space<vmem>>
        %parallel_loop3A_716 = tpu.memref_squeeze %parallel_loop3A_715 : memref<1x8x1x8x129xf32, #tpu.memory_space<vmem>> -> memref<8x1x8x129xf32, #tpu.memory_space<vmem>>
        tpu.vector_store_idx %parallel_loop3A_716[%select_n3A_94, %broadcast_in_dim3A_227, %select_n3A_201, %parallel_loop3A_680], %parallel_loop3A_709 : memref<8x1x8x129xf32, #tpu.memory_space<vmem>>[vector<16xi32>, vector<16xi32>, vector<16xi32>, vector<16xi32>], vector<16xf32>,
        %parallel_loop3A_717 = arith.constant 1 : i32
        %parallel_loop3A_718 = arith.index_cast %parallel_loop3A_717 : i32 to index
        %parallel_loop3A_719 = arith.index_cast %parallel_loop3A_679 : i32 to index
        %parallel_loop3A_720 = arith.constant 48 : index
        %parallel_loop3A_721 = tpu.vector_load %arg6[%parallel_loop3A_718, %parallel_loop3A_719, %parallel_loop3A_720] {strides = array<i32>} : memref<4x128x64xf32, #tpu.memory_space<vmem>>, vector<16xf32>,
        %parallel_loop3A_722 = arith.constant 1 : i32
        %parallel_loop3A_723 = arith.constant 0 : i32
        %parallel_loop3A_724 = arith.constant 0 : i32
        %parallel_loop3A_725 = arith.constant 0 : i32
        %parallel_loop3A_726 = arith.constant 0 : i32
        %parallel_loop3A_727 = tpu.memref_slice %arg7[%parallel_loop3A_722, %parallel_loop3A_723, %parallel_loop3A_724, %parallel_loop3A_725, %parallel_loop3A_726] : memref<4x8x1x8x129xf32, #tpu.memory_space<vmem>> -> memref<1x8x1x8x129xf32, #tpu.memory_space<vmem>>
        %parallel_loop3A_728 = tpu.memref_squeeze %parallel_loop3A_727 : memref<1x8x1x8x129xf32, #tpu.memory_space<vmem>> -> memref<8x1x8x129xf32, #tpu.memory_space<vmem>>
        tpu.vector_store_idx %parallel_loop3A_728[%select_n3A_128, %broadcast_in_dim3A_227, %select_n3A_226, %parallel_loop3A_680], %parallel_loop3A_721 : memref<8x1x8x129xf32, #tpu.memory_space<vmem>>[vector<16xi32>, vector<16xi32>, vector<16xi32>, vector<16xi32>], vector<16xf32>,
      } {sc.loop_unroll_factor = 4 : i64, sc.parallel_access}
      %add3A_509 = arith.constant 4 : i32
      %add3A_510 = arith.addi %add3A_477, %add3A_509 : i32
      %lt3A_511 = arith.constant 200 : i32
      %lt3A_512 = arith.cmpi slt, %add3A_510, %lt3A_511 : i32
      %convert_element_type3A_513 = arith.extui %lt3A_512 : i1 to i32
      %cond3A_514 = arith.constant 0 : i32
      %cond3A_515 = arith.cmpi ne, %convert_element_type3A_513, %cond3A_514 : i32
      scf.if %cond3A_515 {
        %add3A_679 = arith.constant 4 : i32
        %add3A_680 = arith.addi %add3A_477, %add3A_679 : i32
        %jit3A_681 = arith.constant 8 : i32
        %div3A_682 = arith.divsi %add3A_680, %jit3A_681 : i32
        %sign3A_683 = arith.constant 0 : i32
        %sign3A_684 = arith.cmpi sgt, %add3A_680, %sign3A_683 : i32
        %sign3A_685 = arith.extui %sign3A_684 : i1 to i32
        %sign3A_686 = arith.constant 0 : i32
        %sign3A_687 = arith.cmpi slt, %add3A_680, %sign3A_686 : i32
        %sign3A_688 = arith.extui %sign3A_687 : i1 to i32
        %sign3A_689 = arith.subi %sign3A_685, %sign3A_688 : i32
        %sign3A_690 = arith.constant 0 : i32
        %sign3A_691 = arith.cmpi sgt, %jit3A_681, %sign3A_690 : i32
        %sign3A_692 = arith.extui %sign3A_691 : i1 to i32
        %sign3A_693 = arith.constant 0 : i32
        %sign3A_694 = arith.cmpi slt, %jit3A_681, %sign3A_693 : i32
        %sign3A_695 = arith.extui %sign3A_694 : i1 to i32
        %sign3A_696 = arith.subi %sign3A_692, %sign3A_695 : i32
        %ne3A_697 = arith.cmpi ne, %sign3A_689, %sign3A_696 : i32
        %rem3A_698 = arith.remsi %add3A_680, %jit3A_681 : i32
        %ne3A_699 = arith.constant 0 : i32
        %ne3A_700 = arith.cmpi ne, %rem3A_698, %ne3A_699 : i32
        %and3A_701 = arith.andi %ne3A_697, %ne3A_700 : i1
        %sub3A_702 = arith.constant 1 : i32
        %sub3A_703 = arith.subi %div3A_682, %sub3A_702 : i32
        %select_n3A_704 = arith.select %and3A_701, %sub3A_703, %div3A_682 : i32
        %mul3A_705 = arith.constant 8 : i32
        %mul3A_706 = arith.muli %select_n3A_704, %mul3A_705 : i32
        %sub3A_707 = arith.subi %add3A_680, %mul3A_706 : i32
        %dma_start3A_708 = arith.constant 0 : i32
        %dma_start3A_709 = arith.constant 1 : i32
        %dma_start3A_710 = arith.constant 1 : i32
        %dma_start3A_711 = arith.constant 0 : i32
        %dma_start3A_712 = arith.constant 0 : i32
        %dma_start3A_713 = tpu.memref_slice %arg6[%dma_start3A_709, %dma_start3A_711, %dma_start3A_712] : memref<4x128x64xf32, #tpu.memory_space<vmem>> -> memref<1x128x64xf32, #tpu.memory_space<vmem>>
        %dma_start3A_714 = tpu.memref_squeeze %dma_start3A_713 : memref<1x128x64xf32, #tpu.memory_space<vmem>> -> memref<128x64xf32, #tpu.memory_space<vmem>>
        %dma_start3A_715 = arith.constant 0 : i32
        %dma_start3A_716 = tpu.memref_slice %arg5[%select_n3A_704, %dma_start3A_708, %sub3A_707, %dma_start3A_715] : memref<25x1x8x128xi32, #tpu.memory_space<vmem>> -> memref<1x1x1x128xi32, #tpu.memory_space<vmem>>
        %dma_start3A_717 = tpu.memref_squeeze %dma_start3A_716 : memref<1x1x1x128xi32, #tpu.memory_space<vmem>> -> memref<128xi32, #tpu.memory_space<vmem>>
        %dma_start3A_718 = arith.constant 0 : i32
        %dma_start3A_719 = arith.constant 0 : i32
        %dma_start3A_720 = tpu.memref_slice %arg3[%dma_start3A_718, %dma_start3A_719] : memref<100000x64xf32, #tpu.memory_space<hbm>> -> memref<100000x64xf32, #tpu.memory_space<hbm>>
        %dma_start3A_721 = tpu.memref_slice %arg8[%dma_start3A_710] : memref<4x!tpu.dma_semaphore, #tpu.memory_space<semaphore_mem>> -> memref<1x!tpu.dma_semaphore, #tpu.memory_space<semaphore_mem>>
        %dma_start3A_722 = tpu.memref_squeeze %dma_start3A_721 : memref<1x!tpu.dma_semaphore, #tpu.memory_space<semaphore_mem>> -> memref<!tpu.dma_semaphore, #tpu.memory_space<semaphore_mem>>
        tpu.enqueue_indirect_dma source(%dma_start3A_720 : memref<100000x64xf32, #tpu.memory_space<hbm>>) target(%dma_start3A_714 : memref<128x64xf32, #tpu.memory_space<vmem>>) offsets(%dma_start3A_717 : memref<128xi32, #tpu.memory_space<vmem>>) semaphore(%dma_start3A_722 : memref<!tpu.dma_semaphore, #tpu.memory_space<semaphore_mem>>)
      } else {
      }
      %dma_start3A_516 = arith.constant 1 : i32
      %dma_start3A_517 = arith.constant 1 : i32
      %dma_start3A_518 = arith.constant 0 : i32
      %dma_start3A_519 = arith.constant 0 : i32
      %dma_start3A_520 = arith.constant 0 : i32
      %dma_start3A_521 = arith.constant 0 : i32
      %dma_start3A_522 = tpu.memref_slice %arg7[%dma_start3A_516, %dma_start3A_518, %dma_start3A_519, %dma_start3A_520, %dma_start3A_521] : memref<4x8x1x8x129xf32, #tpu.memory_space<vmem>> -> memref<1x8x1x8x128xf32, #tpu.memory_space<vmem>>
      %dma_start3A_523 = tpu.memref_squeeze %dma_start3A_522 : memref<1x8x1x8x128xf32, #tpu.memory_space<vmem>> -> memref<8x1x8x128xf32, #tpu.memory_space<vmem>>
      %dma_start3A_524 = arith.constant 0 : i32
      %dma_start3A_525 = arith.constant 0 : i32
      %dma_start3A_526 = arith.constant 0 : i32
      %dma_start3A_527 = tpu.memref_slice %arg4[%add3A_477, %dma_start3A_524, %add3A, %dma_start3A_525, %dma_start3A_526] : memref<200x8x32x8x128xf32, #tpu.memory_space<hbm>> -> memref<1x8x1x8x128xf32, #tpu.memory_space<hbm>>
      %dma_start3A_528 = tpu.memref_squeeze %dma_start3A_527 : memref<1x8x1x8x128xf32, #tpu.memory_space<hbm>> -> memref<8x1x8x128xf32, #tpu.memory_space<hbm>>
      %dma_start3A_529 = tpu.memref_slice %arg9[%dma_start3A_517] : memref<4x!tpu.dma_semaphore, #tpu.memory_space<semaphore_mem>> -> memref<1x!tpu.dma_semaphore, #tpu.memory_space<semaphore_mem>>
      %dma_start3A_530 = tpu.memref_squeeze %dma_start3A_529 : memref<1x!tpu.dma_semaphore, #tpu.memory_space<semaphore_mem>> -> memref<!tpu.dma_semaphore, #tpu.memory_space<semaphore_mem>>
      %dma_start3A_531 = arith.constant 0 : i32
      %dma_start3A_532 = arith.constant 0 : i32
      %dma_start3A_533 = arith.constant 0 : i32
      %dma_start3A_534 = tpu.memref_slice %arg4[%add3A_477, %dma_start3A_531, %add3A, %dma_start3A_532, %dma_start3A_533] : memref<200x8x32x8x128xf32, #tpu.memory_space<hbm>> -> memref<1x8x1x8x128xf32, #tpu.memory_space<hbm>>
      %dma_start3A_535 = tpu.memref_squeeze %dma_start3A_534 : memref<1x8x1x8x128xf32, #tpu.memory_space<hbm>> -> memref<8x1x8x128xf32, #tpu.memory_space<hbm>>
      %dma_start3A_536 = arith.constant 0 : i32
      %dma_start3A_537 = arith.constant 0 : i32
      %dma_start3A_538 = arith.constant 0 : i32
      %dma_start3A_539 = arith.constant 0 : i32
      %dma_start3A_540 = tpu.memref_slice %arg7[%dma_start3A_516, %dma_start3A_536, %dma_start3A_537, %dma_start3A_538, %dma_start3A_539] : memref<4x8x1x8x129xf32, #tpu.memory_space<vmem>> -> memref<1x8x1x8x128xf32, #tpu.memory_space<vmem>>
      %dma_start3A_541 = tpu.memref_squeeze %dma_start3A_540 : memref<1x8x1x8x128xf32, #tpu.memory_space<vmem>> -> memref<8x1x8x128xf32, #tpu.memory_space<vmem>>
      tpu.enqueue_dma source(%dma_start3A_541 : memref<8x1x8x128xf32, #tpu.memory_space<vmem>>) target(%dma_start3A_535 : memref<8x1x8x128xf32, #tpu.memory_space<hbm>>) target_semaphore(%dma_start3A_530 : memref<!tpu.dma_semaphore, #tpu.memory_space<semaphore_mem>>)
      %mul3A_542 = arith.constant 4 : i32
      %mul3A_543 = arith.muli %scan3A_408, %mul3A_542 : i32
      %add3A_544 = arith.constant 2 : i32
      %add3A_545 = arith.addi %mul3A_543, %add3A_544 : i32
      %dma_wait3A_546 = arith.constant 0 : i32
      %dma_wait3A_547 = arith.constant 2 : i32
      %dma_wait3A_548 = arith.constant 2 : i32
      %dma_wait3A_549 = arith.constant 0 : i32
      %dma_wait3A_550 = arith.constant 0 : i32
      %dma_wait3A_551 = tpu.memref_slice %arg6[%dma_wait3A_547, %dma_wait3A_549, %dma_wait3A_550] : memref<4x128x64xf32, #tpu.memory_space<vmem>> -> memref<1x128x64xf32, #tpu.memory_space<vmem>>
      %dma_wait3A_552 = tpu.memref_squeeze %dma_wait3A_551 : memref<1x128x64xf32, #tpu.memory_space<vmem>> -> memref<128x64xf32, #tpu.memory_space<vmem>>
      %dma_wait3A_553 = arith.constant 0 : i32
      %dma_wait3A_554 = arith.constant 0 : i32
      %dma_wait3A_555 = arith.constant 0 : i32
      %dma_wait3A_556 = tpu.memref_slice %arg4[%dma_wait3A_546, %dma_wait3A_553, %add3A, %dma_wait3A_554, %dma_wait3A_555] : memref<200x8x32x8x128xf32, #tpu.memory_space<hbm>> -> memref<1x8x1x8x128xf32, #tpu.memory_space<hbm>>
      %dma_wait3A_557 = tpu.memref_squeeze %dma_wait3A_556 : memref<1x8x1x8x128xf32, #tpu.memory_space<hbm>> -> memref<8x1x8x128xf32, #tpu.memory_space<hbm>>
      %dma_wait3A_558 = tpu.memref_slice %arg8[%dma_wait3A_548] : memref<4x!tpu.dma_semaphore, #tpu.memory_space<semaphore_mem>> -> memref<1x!tpu.dma_semaphore, #tpu.memory_space<semaphore_mem>>
      %dma_wait3A_559 = tpu.memref_squeeze %dma_wait3A_558 : memref<1x!tpu.dma_semaphore, #tpu.memory_space<semaphore_mem>> -> memref<!tpu.dma_semaphore, #tpu.memory_space<semaphore_mem>>
      %dma_wait3A_560 = arith.constant 0 : i32
      %dma_wait3A_561 = arith.constant 0 : i32
      %dma_wait3A_562 = tpu.memref_slice %arg6[%dma_wait3A_547, %dma_wait3A_560, %dma_wait3A_561] : memref<4x128x64xf32, #tpu.memory_space<vmem>> -> memref<1x128x64xf32, #tpu.memory_space<vmem>>
      %dma_wait3A_563 = tpu.memref_squeeze %dma_wait3A_562 : memref<1x128x64xf32, #tpu.memory_space<vmem>> -> memref<128x64xf32, #tpu.memory_space<vmem>>
      %dma_wait3A_564 = arith.constant 0 : i32
      %dma_wait3A_565 = arith.constant 0 : i32
      %dma_wait3A_566 = arith.constant 0 : i32
      %dma_wait3A_567 = tpu.memref_slice %arg4[%dma_wait3A_546, %dma_wait3A_564, %add3A, %dma_wait3A_565, %dma_wait3A_566] : memref<200x8x32x8x128xf32, #tpu.memory_space<hbm>> -> memref<1x8x1x8x128xf32, #tpu.memory_space<hbm>>
      %dma_wait3A_568 = tpu.memref_squeeze %dma_wait3A_567 : memref<1x8x1x8x128xf32, #tpu.memory_space<hbm>> -> memref<8x1x8x128xf32, #tpu.memory_space<hbm>>
      tpu.wait_dma2 semaphore(%dma_wait3A_559 : memref<!tpu.dma_semaphore, #tpu.memory_space<semaphore_mem>>) src(%dma_wait3A_568 : memref<8x1x8x128xf32, #tpu.memory_space<hbm>>) dst(%dma_wait3A_563 : memref<128x64xf32, #tpu.memory_space<vmem>>)
      %ge3A_569 = arith.constant 1 : i32
      %ge3A_570 = arith.cmpi sge, %scan3A_408, %ge3A_569 : i32
      %convert_element_type3A_571 = arith.extui %ge3A_570 : i1 to i32
      %cond3A_572 = arith.constant 0 : i32
      %cond3A_573 = arith.cmpi ne, %convert_element_type3A_571, %cond3A_572 : i32
      scf.if %cond3A_573 {
        %dma_wait3A_679 = arith.constant 2 : i32
        %dma_wait3A_680 = arith.constant 0 : i32
        %dma_wait3A_681 = arith.constant 2 : i32
        %dma_wait3A_682 = arith.constant 0 : i32
        %dma_wait3A_683 = arith.constant 0 : i32
        %dma_wait3A_684 = arith.constant 0 : i32
        %dma_wait3A_685 = arith.constant 0 : i32
        %dma_wait3A_686 = tpu.memref_slice %arg7[%dma_wait3A_679, %dma_wait3A_682, %dma_wait3A_683, %dma_wait3A_684, %dma_wait3A_685] : memref<4x8x1x8x129xf32, #tpu.memory_space<vmem>> -> memref<1x8x1x8x128xf32, #tpu.memory_space<vmem>>
        %dma_wait3A_687 = tpu.memref_squeeze %dma_wait3A_686 : memref<1x8x1x8x128xf32, #tpu.memory_space<vmem>> -> memref<8x1x8x128xf32, #tpu.memory_space<vmem>>
        %dma_wait3A_688 = arith.constant 0 : i32
        %dma_wait3A_689 = arith.constant 0 : i32
        %dma_wait3A_690 = arith.constant 0 : i32
        %dma_wait3A_691 = tpu.memref_slice %arg4[%dma_wait3A_680, %dma_wait3A_688, %add3A, %dma_wait3A_689, %dma_wait3A_690] : memref<200x8x32x8x128xf32, #tpu.memory_space<hbm>> -> memref<1x8x1x8x128xf32, #tpu.memory_space<hbm>>
        %dma_wait3A_692 = tpu.memref_squeeze %dma_wait3A_691 : memref<1x8x1x8x128xf32, #tpu.memory_space<hbm>> -> memref<8x1x8x128xf32, #tpu.memory_space<hbm>>
        %dma_wait3A_693 = tpu.memref_slice %arg9[%dma_wait3A_681] : memref<4x!tpu.dma_semaphore, #tpu.memory_space<semaphore_mem>> -> memref<1x!tpu.dma_semaphore, #tpu.memory_space<semaphore_mem>>
        %dma_wait3A_694 = tpu.memref_squeeze %dma_wait3A_693 : memref<1x!tpu.dma_semaphore, #tpu.memory_space<semaphore_mem>> -> memref<!tpu.dma_semaphore, #tpu.memory_space<semaphore_mem>>
        %dma_wait3A_695 = arith.constant 0 : i32
        %dma_wait3A_696 = arith.constant 0 : i32
        %dma_wait3A_697 = arith.constant 0 : i32
        %dma_wait3A_698 = tpu.memref_slice %arg4[%dma_wait3A_680, %dma_wait3A_695, %add3A, %dma_wait3A_696, %dma_wait3A_697] : memref<200x8x32x8x128xf32, #tpu.memory_space<hbm>> -> memref<1x8x1x8x128xf32, #tpu.memory_space<hbm>>
        %dma_wait3A_699 = tpu.memref_squeeze %dma_wait3A_698 : memref<1x8x1x8x128xf32, #tpu.memory_space<hbm>> -> memref<8x1x8x128xf32, #tpu.memory_space<hbm>>
        %dma_wait3A_700 = arith.constant 0 : i32
        %dma_wait3A_701 = arith.constant 0 : i32
        %dma_wait3A_702 = arith.constant 0 : i32
        %dma_wait3A_703 = arith.constant 0 : i32
        %dma_wait3A_704 = tpu.memref_slice %arg7[%dma_wait3A_679, %dma_wait3A_700, %dma_wait3A_701, %dma_wait3A_702, %dma_wait3A_703] : memref<4x8x1x8x129xf32, #tpu.memory_space<vmem>> -> memref<1x8x1x8x128xf32, #tpu.memory_space<vmem>>
        %dma_wait3A_705 = tpu.memref_squeeze %dma_wait3A_704 : memref<1x8x1x8x128xf32, #tpu.memory_space<vmem>> -> memref<8x1x8x128xf32, #tpu.memory_space<vmem>>
        tpu.wait_dma2 semaphore(%dma_wait3A_694 : memref<!tpu.dma_semaphore, #tpu.memory_space<semaphore_mem>>) src(%dma_wait3A_705 : memref<8x1x8x128xf32, #tpu.memory_space<vmem>>) dst(%dma_wait3A_699 : memref<8x1x8x128xf32, #tpu.memory_space<hbm>>)
      } else {
      }
      %parallel_loop3A_574 = arith.constant 0 : i32
      %parallel_loop3A_575 = arith.constant 128 : i32
      %parallel_loop3A_576 = arith.constant 1 : i32
      scf.for %parallel_loop3A_679 = %parallel_loop3A_574 to %parallel_loop3A_575 step %parallel_loop3A_576  : i32 {
        %parallel_loop3A_680 = vector.broadcast %parallel_loop3A_679 : i32 to vector<16xi32>
        %parallel_loop3A_681 = arith.constant 2 : i32
        %parallel_loop3A_682 = arith.index_cast %parallel_loop3A_681 : i32 to index
        %parallel_loop3A_683 = arith.index_cast %parallel_loop3A_679 : i32 to index
        %parallel_loop3A_684 = arith.constant 0 : index
        %parallel_loop3A_685 = tpu.vector_load %arg6[%parallel_loop3A_682, %parallel_loop3A_683, %parallel_loop3A_684] {strides = array<i32>} : memref<4x128x64xf32, #tpu.memory_space<vmem>>, vector<16xf32>,
        %parallel_loop3A_686 = arith.constant 2 : i32
        %parallel_loop3A_687 = arith.constant 0 : i32
        %parallel_loop3A_688 = arith.constant 0 : i32
        %parallel_loop3A_689 = arith.constant 0 : i32
        %parallel_loop3A_690 = arith.constant 0 : i32
        %parallel_loop3A_691 = tpu.memref_slice %arg7[%parallel_loop3A_686, %parallel_loop3A_687, %parallel_loop3A_688, %parallel_loop3A_689, %parallel_loop3A_690] : memref<4x8x1x8x129xf32, #tpu.memory_space<vmem>> -> memref<1x8x1x8x129xf32, #tpu.memory_space<vmem>>
        %parallel_loop3A_692 = tpu.memref_squeeze %parallel_loop3A_691 : memref<1x8x1x8x129xf32, #tpu.memory_space<vmem>> -> memref<8x1x8x129xf32, #tpu.memory_space<vmem>>
        tpu.vector_store_idx %parallel_loop3A_692[%select_n3A, %broadcast_in_dim3A_227, %select_n3A_151, %parallel_loop3A_680], %parallel_loop3A_685 : memref<8x1x8x129xf32, #tpu.memory_space<vmem>>[vector<16xi32>, vector<16xi32>, vector<16xi32>, vector<16xi32>], vector<16xf32>,
        %parallel_loop3A_693 = arith.constant 2 : i32
        %parallel_loop3A_694 = arith.index_cast %parallel_loop3A_693 : i32 to index
        %parallel_loop3A_695 = arith.index_cast %parallel_loop3A_679 : i32 to index
        %parallel_loop3A_696 = arith.constant 16 : index
        %parallel_loop3A_697 = tpu.vector_load %arg6[%parallel_loop3A_694, %parallel_loop3A_695, %parallel_loop3A_696] {strides = array<i32>} : memref<4x128x64xf32, #tpu.memory_space<vmem>>, vector<16xf32>,
        %parallel_loop3A_698 = arith.constant 2 : i32
        %parallel_loop3A_699 = arith.constant 0 : i32
        %parallel_loop3A_700 = arith.constant 0 : i32
        %parallel_loop3A_701 = arith.constant 0 : i32
        %parallel_loop3A_702 = arith.constant 0 : i32
        %parallel_loop3A_703 = tpu.memref_slice %arg7[%parallel_loop3A_698, %parallel_loop3A_699, %parallel_loop3A_700, %parallel_loop3A_701, %parallel_loop3A_702] : memref<4x8x1x8x129xf32, #tpu.memory_space<vmem>> -> memref<1x8x1x8x129xf32, #tpu.memory_space<vmem>>
        %parallel_loop3A_704 = tpu.memref_squeeze %parallel_loop3A_703 : memref<1x8x1x8x129xf32, #tpu.memory_space<vmem>> -> memref<8x1x8x129xf32, #tpu.memory_space<vmem>>
        tpu.vector_store_idx %parallel_loop3A_704[%select_n3A_60, %broadcast_in_dim3A_227, %select_n3A_176, %parallel_loop3A_680], %parallel_loop3A_697 : memref<8x1x8x129xf32, #tpu.memory_space<vmem>>[vector<16xi32>, vector<16xi32>, vector<16xi32>, vector<16xi32>], vector<16xf32>,
        %parallel_loop3A_705 = arith.constant 2 : i32
        %parallel_loop3A_706 = arith.index_cast %parallel_loop3A_705 : i32 to index
        %parallel_loop3A_707 = arith.index_cast %parallel_loop3A_679 : i32 to index
        %parallel_loop3A_708 = arith.constant 32 : index
        %parallel_loop3A_709 = tpu.vector_load %arg6[%parallel_loop3A_706, %parallel_loop3A_707, %parallel_loop3A_708] {strides = array<i32>} : memref<4x128x64xf32, #tpu.memory_space<vmem>>, vector<16xf32>,
        %parallel_loop3A_710 = arith.constant 2 : i32
        %parallel_loop3A_711 = arith.constant 0 : i32
        %parallel_loop3A_712 = arith.constant 0 : i32
        %parallel_loop3A_713 = arith.constant 0 : i32
        %parallel_loop3A_714 = arith.constant 0 : i32
        %parallel_loop3A_715 = tpu.memref_slice %arg7[%parallel_loop3A_710, %parallel_loop3A_711, %parallel_loop3A_712, %parallel_loop3A_713, %parallel_loop3A_714] : memref<4x8x1x8x129xf32, #tpu.memory_space<vmem>> -> memref<1x8x1x8x129xf32, #tpu.memory_space<vmem>>
        %parallel_loop3A_716 = tpu.memref_squeeze %parallel_loop3A_715 : memref<1x8x1x8x129xf32, #tpu.memory_space<vmem>> -> memref<8x1x8x129xf32, #tpu.memory_space<vmem>>
        tpu.vector_store_idx %parallel_loop3A_716[%select_n3A_94, %broadcast_in_dim3A_227, %select_n3A_201, %parallel_loop3A_680], %parallel_loop3A_709 : memref<8x1x8x129xf32, #tpu.memory_space<vmem>>[vector<16xi32>, vector<16xi32>, vector<16xi32>, vector<16xi32>], vector<16xf32>,
        %parallel_loop3A_717 = arith.constant 2 : i32
        %parallel_loop3A_718 = arith.index_cast %parallel_loop3A_717 : i32 to index
        %parallel_loop3A_719 = arith.index_cast %parallel_loop3A_679 : i32 to index
        %parallel_loop3A_720 = arith.constant 48 : index
        %parallel_loop3A_721 = tpu.vector_load %arg6[%parallel_loop3A_718, %parallel_loop3A_719, %parallel_loop3A_720] {strides = array<i32>} : memref<4x128x64xf32, #tpu.memory_space<vmem>>, vector<16xf32>,
        %parallel_loop3A_722 = arith.constant 2 : i32
        %parallel_loop3A_723 = arith.constant 0 : i32
        %parallel_loop3A_724 = arith.constant 0 : i32
        %parallel_loop3A_725 = arith.constant 0 : i32
        %parallel_loop3A_726 = arith.constant 0 : i32
        %parallel_loop3A_727 = tpu.memref_slice %arg7[%parallel_loop3A_722, %parallel_loop3A_723, %parallel_loop3A_724, %parallel_loop3A_725, %parallel_loop3A_726] : memref<4x8x1x8x129xf32, #tpu.memory_space<vmem>> -> memref<1x8x1x8x129xf32, #tpu.memory_space<vmem>>
        %parallel_loop3A_728 = tpu.memref_squeeze %parallel_loop3A_727 : memref<1x8x1x8x129xf32, #tpu.memory_space<vmem>> -> memref<8x1x8x129xf32, #tpu.memory_space<vmem>>
        tpu.vector_store_idx %parallel_loop3A_728[%select_n3A_128, %broadcast_in_dim3A_227, %select_n3A_226, %parallel_loop3A_680], %parallel_loop3A_721 : memref<8x1x8x129xf32, #tpu.memory_space<vmem>>[vector<16xi32>, vector<16xi32>, vector<16xi32>, vector<16xi32>], vector<16xf32>,
      } {sc.loop_unroll_factor = 4 : i64, sc.parallel_access}
      %add3A_577 = arith.constant 4 : i32
      %add3A_578 = arith.addi %add3A_545, %add3A_577 : i32
      %lt3A_579 = arith.constant 200 : i32
      %lt3A_580 = arith.cmpi slt, %add3A_578, %lt3A_579 : i32
      %convert_element_type3A_581 = arith.extui %lt3A_580 : i1 to i32
      %cond3A_582 = arith.constant 0 : i32
      %cond3A_583 = arith.cmpi ne, %convert_element_type3A_581, %cond3A_582 : i32
      scf.if %cond3A_583 {
        %add3A_679 = arith.constant 4 : i32
        %add3A_680 = arith.addi %add3A_545, %add3A_679 : i32
        %jit3A_681 = arith.constant 8 : i32
        %div3A_682 = arith.divsi %add3A_680, %jit3A_681 : i32
        %sign3A_683 = arith.constant 0 : i32
        %sign3A_684 = arith.cmpi sgt, %add3A_680, %sign3A_683 : i32
        %sign3A_685 = arith.extui %sign3A_684 : i1 to i32
        %sign3A_686 = arith.constant 0 : i32
        %sign3A_687 = arith.cmpi slt, %add3A_680, %sign3A_686 : i32
        %sign3A_688 = arith.extui %sign3A_687 : i1 to i32
        %sign3A_689 = arith.subi %sign3A_685, %sign3A_688 : i32
        %sign3A_690 = arith.constant 0 : i32
        %sign3A_691 = arith.cmpi sgt, %jit3A_681, %sign3A_690 : i32
        %sign3A_692 = arith.extui %sign3A_691 : i1 to i32
        %sign3A_693 = arith.constant 0 : i32
        %sign3A_694 = arith.cmpi slt, %jit3A_681, %sign3A_693 : i32
        %sign3A_695 = arith.extui %sign3A_694 : i1 to i32
        %sign3A_696 = arith.subi %sign3A_692, %sign3A_695 : i32
        %ne3A_697 = arith.cmpi ne, %sign3A_689, %sign3A_696 : i32
        %rem3A_698 = arith.remsi %add3A_680, %jit3A_681 : i32
        %ne3A_699 = arith.constant 0 : i32
        %ne3A_700 = arith.cmpi ne, %rem3A_698, %ne3A_699 : i32
        %and3A_701 = arith.andi %ne3A_697, %ne3A_700 : i1
        %sub3A_702 = arith.constant 1 : i32
        %sub3A_703 = arith.subi %div3A_682, %sub3A_702 : i32
        %select_n3A_704 = arith.select %and3A_701, %sub3A_703, %div3A_682 : i32
        %mul3A_705 = arith.constant 8 : i32
        %mul3A_706 = arith.muli %select_n3A_704, %mul3A_705 : i32
        %sub3A_707 = arith.subi %add3A_680, %mul3A_706 : i32
        %dma_start3A_708 = arith.constant 0 : i32
        %dma_start3A_709 = arith.constant 2 : i32
        %dma_start3A_710 = arith.constant 2 : i32
        %dma_start3A_711 = arith.constant 0 : i32
        %dma_start3A_712 = arith.constant 0 : i32
        %dma_start3A_713 = tpu.memref_slice %arg6[%dma_start3A_709, %dma_start3A_711, %dma_start3A_712] : memref<4x128x64xf32, #tpu.memory_space<vmem>> -> memref<1x128x64xf32, #tpu.memory_space<vmem>>
        %dma_start3A_714 = tpu.memref_squeeze %dma_start3A_713 : memref<1x128x64xf32, #tpu.memory_space<vmem>> -> memref<128x64xf32, #tpu.memory_space<vmem>>
        %dma_start3A_715 = arith.constant 0 : i32
        %dma_start3A_716 = tpu.memref_slice %arg5[%select_n3A_704, %dma_start3A_708, %sub3A_707, %dma_start3A_715] : memref<25x1x8x128xi32, #tpu.memory_space<vmem>> -> memref<1x1x1x128xi32, #tpu.memory_space<vmem>>
        %dma_start3A_717 = tpu.memref_squeeze %dma_start3A_716 : memref<1x1x1x128xi32, #tpu.memory_space<vmem>> -> memref<128xi32, #tpu.memory_space<vmem>>
        %dma_start3A_718 = arith.constant 0 : i32
        %dma_start3A_719 = arith.constant 0 : i32
        %dma_start3A_720 = tpu.memref_slice %arg3[%dma_start3A_718, %dma_start3A_719] : memref<100000x64xf32, #tpu.memory_space<hbm>> -> memref<100000x64xf32, #tpu.memory_space<hbm>>
        %dma_start3A_721 = tpu.memref_slice %arg8[%dma_start3A_710] : memref<4x!tpu.dma_semaphore, #tpu.memory_space<semaphore_mem>> -> memref<1x!tpu.dma_semaphore, #tpu.memory_space<semaphore_mem>>
        %dma_start3A_722 = tpu.memref_squeeze %dma_start3A_721 : memref<1x!tpu.dma_semaphore, #tpu.memory_space<semaphore_mem>> -> memref<!tpu.dma_semaphore, #tpu.memory_space<semaphore_mem>>
        tpu.enqueue_indirect_dma source(%dma_start3A_720 : memref<100000x64xf32, #tpu.memory_space<hbm>>) target(%dma_start3A_714 : memref<128x64xf32, #tpu.memory_space<vmem>>) offsets(%dma_start3A_717 : memref<128xi32, #tpu.memory_space<vmem>>) semaphore(%dma_start3A_722 : memref<!tpu.dma_semaphore, #tpu.memory_space<semaphore_mem>>)
      } else {
      }
      %dma_start3A_584 = arith.constant 2 : i32
      %dma_start3A_585 = arith.constant 2 : i32
      %dma_start3A_586 = arith.constant 0 : i32
      %dma_start3A_587 = arith.constant 0 : i32
      %dma_start3A_588 = arith.constant 0 : i32
      %dma_start3A_589 = arith.constant 0 : i32
      %dma_start3A_590 = tpu.memref_slice %arg7[%dma_start3A_584, %dma_start3A_586, %dma_start3A_587, %dma_start3A_588, %dma_start3A_589] : memref<4x8x1x8x129xf32, #tpu.memory_space<vmem>> -> memref<1x8x1x8x128xf32, #tpu.memory_space<vmem>>
      %dma_start3A_591 = tpu.memref_squeeze %dma_start3A_590 : memref<1x8x1x8x128xf32, #tpu.memory_space<vmem>> -> memref<8x1x8x128xf32, #tpu.memory_space<vmem>>
      %dma_start3A_592 = arith.constant 0 : i32
      %dma_start3A_593 = arith.constant 0 : i32
      %dma_start3A_594 = arith.constant 0 : i32
      %dma_start3A_595 = tpu.memref_slice %arg4[%add3A_545, %dma_start3A_592, %add3A, %dma_start3A_593, %dma_start3A_594] : memref<200x8x32x8x128xf32, #tpu.memory_space<hbm>> -> memref<1x8x1x8x128xf32, #tpu.memory_space<hbm>>
      %dma_start3A_596 = tpu.memref_squeeze %dma_start3A_595 : memref<1x8x1x8x128xf32, #tpu.memory_space<hbm>> -> memref<8x1x8x128xf32, #tpu.memory_space<hbm>>
      %dma_start3A_597 = tpu.memref_slice %arg9[%dma_start3A_585] : memref<4x!tpu.dma_semaphore, #tpu.memory_space<semaphore_mem>> -> memref<1x!tpu.dma_semaphore, #tpu.memory_space<semaphore_mem>>
      %dma_start3A_598 = tpu.memref_squeeze %dma_start3A_597 : memref<1x!tpu.dma_semaphore, #tpu.memory_space<semaphore_mem>> -> memref<!tpu.dma_semaphore, #tpu.memory_space<semaphore_mem>>
      %dma_start3A_599 = arith.constant 0 : i32
      %dma_start3A_600 = arith.constant 0 : i32
      %dma_start3A_601 = arith.constant 0 : i32
      %dma_start3A_602 = tpu.memref_slice %arg4[%add3A_545, %dma_start3A_599, %add3A, %dma_start3A_600, %dma_start3A_601] : memref<200x8x32x8x128xf32, #tpu.memory_space<hbm>> -> memref<1x8x1x8x128xf32, #tpu.memory_space<hbm>>
      %dma_start3A_603 = tpu.memref_squeeze %dma_start3A_602 : memref<1x8x1x8x128xf32, #tpu.memory_space<hbm>> -> memref<8x1x8x128xf32, #tpu.memory_space<hbm>>
      %dma_start3A_604 = arith.constant 0 : i32
      %dma_start3A_605 = arith.constant 0 : i32
      %dma_start3A_606 = arith.constant 0 : i32
      %dma_start3A_607 = arith.constant 0 : i32
      %dma_start3A_608 = tpu.memref_slice %arg7[%dma_start3A_584, %dma_start3A_604, %dma_start3A_605, %dma_start3A_606, %dma_start3A_607] : memref<4x8x1x8x129xf32, #tpu.memory_space<vmem>> -> memref<1x8x1x8x128xf32, #tpu.memory_space<vmem>>
      %dma_start3A_609 = tpu.memref_squeeze %dma_start3A_608 : memref<1x8x1x8x128xf32, #tpu.memory_space<vmem>> -> memref<8x1x8x128xf32, #tpu.memory_space<vmem>>
      tpu.enqueue_dma source(%dma_start3A_609 : memref<8x1x8x128xf32, #tpu.memory_space<vmem>>) target(%dma_start3A_603 : memref<8x1x8x128xf32, #tpu.memory_space<hbm>>) target_semaphore(%dma_start3A_598 : memref<!tpu.dma_semaphore, #tpu.memory_space<semaphore_mem>>)
      %mul3A_610 = arith.constant 4 : i32
      %mul3A_611 = arith.muli %scan3A_408, %mul3A_610 : i32
      %add3A_612 = arith.constant 3 : i32
      %add3A_613 = arith.addi %mul3A_611, %add3A_612 : i32
      %dma_wait3A_614 = arith.constant 0 : i32
      %dma_wait3A_615 = arith.constant 3 : i32
      %dma_wait3A_616 = arith.constant 3 : i32
      %dma_wait3A_617 = arith.constant 0 : i32
      %dma_wait3A_618 = arith.constant 0 : i32
      %dma_wait3A_619 = tpu.memref_slice %arg6[%dma_wait3A_615, %dma_wait3A_617, %dma_wait3A_618] : memref<4x128x64xf32, #tpu.memory_space<vmem>> -> memref<1x128x64xf32, #tpu.memory_space<vmem>>
      %dma_wait3A_620 = tpu.memref_squeeze %dma_wait3A_619 : memref<1x128x64xf32, #tpu.memory_space<vmem>> -> memref<128x64xf32, #tpu.memory_space<vmem>>
      %dma_wait3A_621 = arith.constant 0 : i32
      %dma_wait3A_622 = arith.constant 0 : i32
      %dma_wait3A_623 = arith.constant 0 : i32
      %dma_wait3A_624 = tpu.memref_slice %arg4[%dma_wait3A_614, %dma_wait3A_621, %add3A, %dma_wait3A_622, %dma_wait3A_623] : memref<200x8x32x8x128xf32, #tpu.memory_space<hbm>> -> memref<1x8x1x8x128xf32, #tpu.memory_space<hbm>>
      %dma_wait3A_625 = tpu.memref_squeeze %dma_wait3A_624 : memref<1x8x1x8x128xf32, #tpu.memory_space<hbm>> -> memref<8x1x8x128xf32, #tpu.memory_space<hbm>>
      %dma_wait3A_626 = tpu.memref_slice %arg8[%dma_wait3A_616] : memref<4x!tpu.dma_semaphore, #tpu.memory_space<semaphore_mem>> -> memref<1x!tpu.dma_semaphore, #tpu.memory_space<semaphore_mem>>
      %dma_wait3A_627 = tpu.memref_squeeze %dma_wait3A_626 : memref<1x!tpu.dma_semaphore, #tpu.memory_space<semaphore_mem>> -> memref<!tpu.dma_semaphore, #tpu.memory_space<semaphore_mem>>
      %dma_wait3A_628 = arith.constant 0 : i32
      %dma_wait3A_629 = arith.constant 0 : i32
      %dma_wait3A_630 = tpu.memref_slice %arg6[%dma_wait3A_615, %dma_wait3A_628, %dma_wait3A_629] : memref<4x128x64xf32, #tpu.memory_space<vmem>> -> memref<1x128x64xf32, #tpu.memory_space<vmem>>
      %dma_wait3A_631 = tpu.memref_squeeze %dma_wait3A_630 : memref<1x128x64xf32, #tpu.memory_space<vmem>> -> memref<128x64xf32, #tpu.memory_space<vmem>>
      %dma_wait3A_632 = arith.constant 0 : i32
      %dma_wait3A_633 = arith.constant 0 : i32
      %dma_wait3A_634 = arith.constant 0 : i32
      %dma_wait3A_635 = tpu.memref_slice %arg4[%dma_wait3A_614, %dma_wait3A_632, %add3A, %dma_wait3A_633, %dma_wait3A_634] : memref<200x8x32x8x128xf32, #tpu.memory_space<hbm>> -> memref<1x8x1x8x128xf32, #tpu.memory_space<hbm>>
      %dma_wait3A_636 = tpu.memref_squeeze %dma_wait3A_635 : memref<1x8x1x8x128xf32, #tpu.memory_space<hbm>> -> memref<8x1x8x128xf32, #tpu.memory_space<hbm>>
      tpu.wait_dma2 semaphore(%dma_wait3A_627 : memref<!tpu.dma_semaphore, #tpu.memory_space<semaphore_mem>>) src(%dma_wait3A_636 : memref<8x1x8x128xf32, #tpu.memory_space<hbm>>) dst(%dma_wait3A_631 : memref<128x64xf32, #tpu.memory_space<vmem>>)
      %ge3A_637 = arith.constant 1 : i32
      %ge3A_638 = arith.cmpi sge, %scan3A_408, %ge3A_637 : i32
      %convert_element_type3A_639 = arith.extui %ge3A_638 : i1 to i32
      %cond3A_640 = arith.constant 0 : i32
      %cond3A_641 = arith.cmpi ne, %convert_element_type3A_639, %cond3A_640 : i32
      scf.if %cond3A_641 {
        %dma_wait3A_679 = arith.constant 3 : i32
        %dma_wait3A_680 = arith.constant 0 : i32
        %dma_wait3A_681 = arith.constant 3 : i32
        %dma_wait3A_682 = arith.constant 0 : i32
        %dma_wait3A_683 = arith.constant 0 : i32
        %dma_wait3A_684 = arith.constant 0 : i32
        %dma_wait3A_685 = arith.constant 0 : i32
        %dma_wait3A_686 = tpu.memref_slice %arg7[%dma_wait3A_679, %dma_wait3A_682, %dma_wait3A_683, %dma_wait3A_684, %dma_wait3A_685] : memref<4x8x1x8x129xf32, #tpu.memory_space<vmem>> -> memref<1x8x1x8x128xf32, #tpu.memory_space<vmem>>
        %dma_wait3A_687 = tpu.memref_squeeze %dma_wait3A_686 : memref<1x8x1x8x128xf32, #tpu.memory_space<vmem>> -> memref<8x1x8x128xf32, #tpu.memory_space<vmem>>
        %dma_wait3A_688 = arith.constant 0 : i32
        %dma_wait3A_689 = arith.constant 0 : i32
        %dma_wait3A_690 = arith.constant 0 : i32
        %dma_wait3A_691 = tpu.memref_slice %arg4[%dma_wait3A_680, %dma_wait3A_688, %add3A, %dma_wait3A_689, %dma_wait3A_690] : memref<200x8x32x8x128xf32, #tpu.memory_space<hbm>> -> memref<1x8x1x8x128xf32, #tpu.memory_space<hbm>>
        %dma_wait3A_692 = tpu.memref_squeeze %dma_wait3A_691 : memref<1x8x1x8x128xf32, #tpu.memory_space<hbm>> -> memref<8x1x8x128xf32, #tpu.memory_space<hbm>>
        %dma_wait3A_693 = tpu.memref_slice %arg9[%dma_wait3A_681] : memref<4x!tpu.dma_semaphore, #tpu.memory_space<semaphore_mem>> -> memref<1x!tpu.dma_semaphore, #tpu.memory_space<semaphore_mem>>
        %dma_wait3A_694 = tpu.memref_squeeze %dma_wait3A_693 : memref<1x!tpu.dma_semaphore, #tpu.memory_space<semaphore_mem>> -> memref<!tpu.dma_semaphore, #tpu.memory_space<semaphore_mem>>
        %dma_wait3A_695 = arith.constant 0 : i32
        %dma_wait3A_696 = arith.constant 0 : i32
        %dma_wait3A_697 = arith.constant 0 : i32
        %dma_wait3A_698 = tpu.memref_slice %arg4[%dma_wait3A_680, %dma_wait3A_695, %add3A, %dma_wait3A_696, %dma_wait3A_697] : memref<200x8x32x8x128xf32, #tpu.memory_space<hbm>> -> memref<1x8x1x8x128xf32, #tpu.memory_space<hbm>>
        %dma_wait3A_699 = tpu.memref_squeeze %dma_wait3A_698 : memref<1x8x1x8x128xf32, #tpu.memory_space<hbm>> -> memref<8x1x8x128xf32, #tpu.memory_space<hbm>>
        %dma_wait3A_700 = arith.constant 0 : i32
        %dma_wait3A_701 = arith.constant 0 : i32
        %dma_wait3A_702 = arith.constant 0 : i32
        %dma_wait3A_703 = arith.constant 0 : i32
        %dma_wait3A_704 = tpu.memref_slice %arg7[%dma_wait3A_679, %dma_wait3A_700, %dma_wait3A_701, %dma_wait3A_702, %dma_wait3A_703] : memref<4x8x1x8x129xf32, #tpu.memory_space<vmem>> -> memref<1x8x1x8x128xf32, #tpu.memory_space<vmem>>
        %dma_wait3A_705 = tpu.memref_squeeze %dma_wait3A_704 : memref<1x8x1x8x128xf32, #tpu.memory_space<vmem>> -> memref<8x1x8x128xf32, #tpu.memory_space<vmem>>
        tpu.wait_dma2 semaphore(%dma_wait3A_694 : memref<!tpu.dma_semaphore, #tpu.memory_space<semaphore_mem>>) src(%dma_wait3A_705 : memref<8x1x8x128xf32, #tpu.memory_space<vmem>>) dst(%dma_wait3A_699 : memref<8x1x8x128xf32, #tpu.memory_space<hbm>>)
      } else {
      }
      %parallel_loop3A_642 = arith.constant 0 : i32
      %parallel_loop3A_643 = arith.constant 128 : i32
      %parallel_loop3A_644 = arith.constant 1 : i32
      scf.for %parallel_loop3A_679 = %parallel_loop3A_642 to %parallel_loop3A_643 step %parallel_loop3A_644  : i32 {
        %parallel_loop3A_680 = vector.broadcast %parallel_loop3A_679 : i32 to vector<16xi32>
        %parallel_loop3A_681 = arith.constant 3 : i32
        %parallel_loop3A_682 = arith.index_cast %parallel_loop3A_681 : i32 to index
        %parallel_loop3A_683 = arith.index_cast %parallel_loop3A_679 : i32 to index
        %parallel_loop3A_684 = arith.constant 0 : index
        %parallel_loop3A_685 = tpu.vector_load %arg6[%parallel_loop3A_682, %parallel_loop3A_683, %parallel_loop3A_684] {strides = array<i32>} : memref<4x128x64xf32, #tpu.memory_space<vmem>>, vector<16xf32>,
        %parallel_loop3A_686 = arith.constant 3 : i32
        %parallel_loop3A_687 = arith.constant 0 : i32
        %parallel_loop3A_688 = arith.constant 0 : i32
        %parallel_loop3A_689 = arith.constant 0 : i32
        %parallel_loop3A_690 = arith.constant 0 : i32
        %parallel_loop3A_691 = tpu.memref_slice %arg7[%parallel_loop3A_686, %parallel_loop3A_687, %parallel_loop3A_688, %parallel_loop3A_689, %parallel_loop3A_690] : memref<4x8x1x8x129xf32, #tpu.memory_space<vmem>> -> memref<1x8x1x8x129xf32, #tpu.memory_space<vmem>>
        %parallel_loop3A_692 = tpu.memref_squeeze %parallel_loop3A_691 : memref<1x8x1x8x129xf32, #tpu.memory_space<vmem>> -> memref<8x1x8x129xf32, #tpu.memory_space<vmem>>
        tpu.vector_store_idx %parallel_loop3A_692[%select_n3A, %broadcast_in_dim3A_227, %select_n3A_151, %parallel_loop3A_680], %parallel_loop3A_685 : memref<8x1x8x129xf32, #tpu.memory_space<vmem>>[vector<16xi32>, vector<16xi32>, vector<16xi32>, vector<16xi32>], vector<16xf32>,
        %parallel_loop3A_693 = arith.constant 3 : i32
        %parallel_loop3A_694 = arith.index_cast %parallel_loop3A_693 : i32 to index
        %parallel_loop3A_695 = arith.index_cast %parallel_loop3A_679 : i32 to index
        %parallel_loop3A_696 = arith.constant 16 : index
        %parallel_loop3A_697 = tpu.vector_load %arg6[%parallel_loop3A_694, %parallel_loop3A_695, %parallel_loop3A_696] {strides = array<i32>} : memref<4x128x64xf32, #tpu.memory_space<vmem>>, vector<16xf32>,
        %parallel_loop3A_698 = arith.constant 3 : i32
        %parallel_loop3A_699 = arith.constant 0 : i32
        %parallel_loop3A_700 = arith.constant 0 : i32
        %parallel_loop3A_701 = arith.constant 0 : i32
        %parallel_loop3A_702 = arith.constant 0 : i32
        %parallel_loop3A_703 = tpu.memref_slice %arg7[%parallel_loop3A_698, %parallel_loop3A_699, %parallel_loop3A_700, %parallel_loop3A_701, %parallel_loop3A_702] : memref<4x8x1x8x129xf32, #tpu.memory_space<vmem>> -> memref<1x8x1x8x129xf32, #tpu.memory_space<vmem>>
        %parallel_loop3A_704 = tpu.memref_squeeze %parallel_loop3A_703 : memref<1x8x1x8x129xf32, #tpu.memory_space<vmem>> -> memref<8x1x8x129xf32, #tpu.memory_space<vmem>>
        tpu.vector_store_idx %parallel_loop3A_704[%select_n3A_60, %broadcast_in_dim3A_227, %select_n3A_176, %parallel_loop3A_680], %parallel_loop3A_697 : memref<8x1x8x129xf32, #tpu.memory_space<vmem>>[vector<16xi32>, vector<16xi32>, vector<16xi32>, vector<16xi32>], vector<16xf32>,
        %parallel_loop3A_705 = arith.constant 3 : i32
        %parallel_loop3A_706 = arith.index_cast %parallel_loop3A_705 : i32 to index
        %parallel_loop3A_707 = arith.index_cast %parallel_loop3A_679 : i32 to index
        %parallel_loop3A_708 = arith.constant 32 : index
        %parallel_loop3A_709 = tpu.vector_load %arg6[%parallel_loop3A_706, %parallel_loop3A_707, %parallel_loop3A_708] {strides = array<i32>} : memref<4x128x64xf32, #tpu.memory_space<vmem>>, vector<16xf32>,
        %parallel_loop3A_710 = arith.constant 3 : i32
        %parallel_loop3A_711 = arith.constant 0 : i32
        %parallel_loop3A_712 = arith.constant 0 : i32
        %parallel_loop3A_713 = arith.constant 0 : i32
        %parallel_loop3A_714 = arith.constant 0 : i32
        %parallel_loop3A_715 = tpu.memref_slice %arg7[%parallel_loop3A_710, %parallel_loop3A_711, %parallel_loop3A_712, %parallel_loop3A_713, %parallel_loop3A_714] : memref<4x8x1x8x129xf32, #tpu.memory_space<vmem>> -> memref<1x8x1x8x129xf32, #tpu.memory_space<vmem>>
        %parallel_loop3A_716 = tpu.memref_squeeze %parallel_loop3A_715 : memref<1x8x1x8x129xf32, #tpu.memory_space<vmem>> -> memref<8x1x8x129xf32, #tpu.memory_space<vmem>>
        tpu.vector_store_idx %parallel_loop3A_716[%select_n3A_94, %broadcast_in_dim3A_227, %select_n3A_201, %parallel_loop3A_680], %parallel_loop3A_709 : memref<8x1x8x129xf32, #tpu.memory_space<vmem>>[vector<16xi32>, vector<16xi32>, vector<16xi32>, vector<16xi32>], vector<16xf32>,
        %parallel_loop3A_717 = arith.constant 3 : i32
        %parallel_loop3A_718 = arith.index_cast %parallel_loop3A_717 : i32 to index
        %parallel_loop3A_719 = arith.index_cast %parallel_loop3A_679 : i32 to index
        %parallel_loop3A_720 = arith.constant 48 : index
        %parallel_loop3A_721 = tpu.vector_load %arg6[%parallel_loop3A_718, %parallel_loop3A_719, %parallel_loop3A_720] {strides = array<i32>} : memref<4x128x64xf32, #tpu.memory_space<vmem>>, vector<16xf32>,
        %parallel_loop3A_722 = arith.constant 3 : i32
        %parallel_loop3A_723 = arith.constant 0 : i32
        %parallel_loop3A_724 = arith.constant 0 : i32
        %parallel_loop3A_725 = arith.constant 0 : i32
        %parallel_loop3A_726 = arith.constant 0 : i32
        %parallel_loop3A_727 = tpu.memref_slice %arg7[%parallel_loop3A_722, %parallel_loop3A_723, %parallel_loop3A_724, %parallel_loop3A_725, %parallel_loop3A_726] : memref<4x8x1x8x129xf32, #tpu.memory_space<vmem>> -> memref<1x8x1x8x129xf32, #tpu.memory_space<vmem>>
        %parallel_loop3A_728 = tpu.memref_squeeze %parallel_loop3A_727 : memref<1x8x1x8x129xf32, #tpu.memory_space<vmem>> -> memref<8x1x8x129xf32, #tpu.memory_space<vmem>>
        tpu.vector_store_idx %parallel_loop3A_728[%select_n3A_128, %broadcast_in_dim3A_227, %select_n3A_226, %parallel_loop3A_680], %parallel_loop3A_721 : memref<8x1x8x129xf32, #tpu.memory_space<vmem>>[vector<16xi32>, vector<16xi32>, vector<16xi32>, vector<16xi32>], vector<16xf32>,
      } {sc.loop_unroll_factor = 4 : i64, sc.parallel_access}
      %add3A_645 = arith.constant 4 : i32
      %add3A_646 = arith.addi %add3A_613, %add3A_645 : i32
      %lt3A_647 = arith.constant 200 : i32
      %lt3A_648 = arith.cmpi slt, %add3A_646, %lt3A_647 : i32
      %convert_element_type3A_649 = arith.extui %lt3A_648 : i1 to i32
      %cond3A_650 = arith.constant 0 : i32
      %cond3A_651 = arith.cmpi ne, %convert_element_type3A_649, %cond3A_650 : i32
      scf.if %cond3A_651 {
        %add3A_679 = arith.constant 4 : i32
        %add3A_680 = arith.addi %add3A_613, %add3A_679 : i32
        %jit3A_681 = arith.constant 8 : i32
        %div3A_682 = arith.divsi %add3A_680, %jit3A_681 : i32
        %sign3A_683 = arith.constant 0 : i32
        %sign3A_684 = arith.cmpi sgt, %add3A_680, %sign3A_683 : i32
        %sign3A_685 = arith.extui %sign3A_684 : i1 to i32
        %sign3A_686 = arith.constant 0 : i32
        %sign3A_687 = arith.cmpi slt, %add3A_680, %sign3A_686 : i32
        %sign3A_688 = arith.extui %sign3A_687 : i1 to i32
        %sign3A_689 = arith.subi %sign3A_685, %sign3A_688 : i32
        %sign3A_690 = arith.constant 0 : i32
        %sign3A_691 = arith.cmpi sgt, %jit3A_681, %sign3A_690 : i32
        %sign3A_692 = arith.extui %sign3A_691 : i1 to i32
        %sign3A_693 = arith.constant 0 : i32
        %sign3A_694 = arith.cmpi slt, %jit3A_681, %sign3A_693 : i32
        %sign3A_695 = arith.extui %sign3A_694 : i1 to i32
        %sign3A_696 = arith.subi %sign3A_692, %sign3A_695 : i32
        %ne3A_697 = arith.cmpi ne, %sign3A_689, %sign3A_696 : i32
        %rem3A_698 = arith.remsi %add3A_680, %jit3A_681 : i32
        %ne3A_699 = arith.constant 0 : i32
        %ne3A_700 = arith.cmpi ne, %rem3A_698, %ne3A_699 : i32
        %and3A_701 = arith.andi %ne3A_697, %ne3A_700 : i1
        %sub3A_702 = arith.constant 1 : i32
        %sub3A_703 = arith.subi %div3A_682, %sub3A_702 : i32
        %select_n3A_704 = arith.select %and3A_701, %sub3A_703, %div3A_682 : i32
        %mul3A_705 = arith.constant 8 : i32
        %mul3A_706 = arith.muli %select_n3A_704, %mul3A_705 : i32
        %sub3A_707 = arith.subi %add3A_680, %mul3A_706 : i32
        %dma_start3A_708 = arith.constant 0 : i32
        %dma_start3A_709 = arith.constant 3 : i32
        %dma_start3A_710 = arith.constant 3 : i32
        %dma_start3A_711 = arith.constant 0 : i32
        %dma_start3A_712 = arith.constant 0 : i32
        %dma_start3A_713 = tpu.memref_slice %arg6[%dma_start3A_709, %dma_start3A_711, %dma_start3A_712] : memref<4x128x64xf32, #tpu.memory_space<vmem>> -> memref<1x128x64xf32, #tpu.memory_space<vmem>>
        %dma_start3A_714 = tpu.memref_squeeze %dma_start3A_713 : memref<1x128x64xf32, #tpu.memory_space<vmem>> -> memref<128x64xf32, #tpu.memory_space<vmem>>
        %dma_start3A_715 = arith.constant 0 : i32
        %dma_start3A_716 = tpu.memref_slice %arg5[%select_n3A_704, %dma_start3A_708, %sub3A_707, %dma_start3A_715] : memref<25x1x8x128xi32, #tpu.memory_space<vmem>> -> memref<1x1x1x128xi32, #tpu.memory_space<vmem>>
        %dma_start3A_717 = tpu.memref_squeeze %dma_start3A_716 : memref<1x1x1x128xi32, #tpu.memory_space<vmem>> -> memref<128xi32, #tpu.memory_space<vmem>>
        %dma_start3A_718 = arith.constant 0 : i32
        %dma_start3A_719 = arith.constant 0 : i32
        %dma_start3A_720 = tpu.memref_slice %arg3[%dma_start3A_718, %dma_start3A_719] : memref<100000x64xf32, #tpu.memory_space<hbm>> -> memref<100000x64xf32, #tpu.memory_space<hbm>>
        %dma_start3A_721 = tpu.memref_slice %arg8[%dma_start3A_710] : memref<4x!tpu.dma_semaphore, #tpu.memory_space<semaphore_mem>> -> memref<1x!tpu.dma_semaphore, #tpu.memory_space<semaphore_mem>>
        %dma_start3A_722 = tpu.memref_squeeze %dma_start3A_721 : memref<1x!tpu.dma_semaphore, #tpu.memory_space<semaphore_mem>> -> memref<!tpu.dma_semaphore, #tpu.memory_space<semaphore_mem>>
        tpu.enqueue_indirect_dma source(%dma_start3A_720 : memref<100000x64xf32, #tpu.memory_space<hbm>>) target(%dma_start3A_714 : memref<128x64xf32, #tpu.memory_space<vmem>>) offsets(%dma_start3A_717 : memref<128xi32, #tpu.memory_space<vmem>>) semaphore(%dma_start3A_722 : memref<!tpu.dma_semaphore, #tpu.memory_space<semaphore_mem>>)
      } else {
      }
      %dma_start3A_652 = arith.constant 3 : i32
      %dma_start3A_653 = arith.constant 3 : i32
      %dma_start3A_654 = arith.constant 0 : i32
      %dma_start3A_655 = arith.constant 0 : i32
      %dma_start3A_656 = arith.constant 0 : i32
      %dma_start3A_657 = arith.constant 0 : i32
      %dma_start3A_658 = tpu.memref_slice %arg7[%dma_start3A_652, %dma_start3A_654, %dma_start3A_655, %dma_start3A_656, %dma_start3A_657] : memref<4x8x1x8x129xf32, #tpu.memory_space<vmem>> -> memref<1x8x1x8x128xf32, #tpu.memory_space<vmem>>
      %dma_start3A_659 = tpu.memref_squeeze %dma_start3A_658 : memref<1x8x1x8x128xf32, #tpu.memory_space<vmem>> -> memref<8x1x8x128xf32, #tpu.memory_space<vmem>>
      %dma_start3A_660 = arith.constant 0 : i32
      %dma_start3A_661 = arith.constant 0 : i32
      %dma_start3A_662 = arith.constant 0 : i32
      %dma_start3A_663 = tpu.memref_slice %arg4[%add3A_613, %dma_start3A_660, %add3A, %dma_start3A_661, %dma_start3A_662] : memref<200x8x32x8x128xf32, #tpu.memory_space<hbm>> -> memref<1x8x1x8x128xf32, #tpu.memory_space<hbm>>
      %dma_start3A_664 = tpu.memref_squeeze %dma_start3A_663 : memref<1x8x1x8x128xf32, #tpu.memory_space<hbm>> -> memref<8x1x8x128xf32, #tpu.memory_space<hbm>>
      %dma_start3A_665 = tpu.memref_slice %arg9[%dma_start3A_653] : memref<4x!tpu.dma_semaphore, #tpu.memory_space<semaphore_mem>> -> memref<1x!tpu.dma_semaphore, #tpu.memory_space<semaphore_mem>>
      %dma_start3A_666 = tpu.memref_squeeze %dma_start3A_665 : memref<1x!tpu.dma_semaphore, #tpu.memory_space<semaphore_mem>> -> memref<!tpu.dma_semaphore, #tpu.memory_space<semaphore_mem>>
      %dma_start3A_667 = arith.constant 0 : i32
      %dma_start3A_668 = arith.constant 0 : i32
      %dma_start3A_669 = arith.constant 0 : i32
      %dma_start3A_670 = tpu.memref_slice %arg4[%add3A_613, %dma_start3A_667, %add3A, %dma_start3A_668, %dma_start3A_669] : memref<200x8x32x8x128xf32, #tpu.memory_space<hbm>> -> memref<1x8x1x8x128xf32, #tpu.memory_space<hbm>>
      %dma_start3A_671 = tpu.memref_squeeze %dma_start3A_670 : memref<1x8x1x8x128xf32, #tpu.memory_space<hbm>> -> memref<8x1x8x128xf32, #tpu.memory_space<hbm>>
      %dma_start3A_672 = arith.constant 0 : i32
      %dma_start3A_673 = arith.constant 0 : i32
      %dma_start3A_674 = arith.constant 0 : i32
      %dma_start3A_675 = arith.constant 0 : i32
      %dma_start3A_676 = tpu.memref_slice %arg7[%dma_start3A_652, %dma_start3A_672, %dma_start3A_673, %dma_start3A_674, %dma_start3A_675] : memref<4x8x1x8x129xf32, #tpu.memory_space<vmem>> -> memref<1x8x1x8x128xf32, #tpu.memory_space<vmem>>
      %dma_start3A_677 = tpu.memref_squeeze %dma_start3A_676 : memref<1x8x1x8x128xf32, #tpu.memory_space<vmem>> -> memref<8x1x8x128xf32, #tpu.memory_space<vmem>>
      tpu.enqueue_dma source(%dma_start3A_677 : memref<8x1x8x128xf32, #tpu.memory_space<vmem>>) target(%dma_start3A_671 : memref<8x1x8x128xf32, #tpu.memory_space<hbm>>) target_semaphore(%dma_start3A_666 : memref<!tpu.dma_semaphore, #tpu.memory_space<semaphore_mem>>)
      %scan3A_678 = arith.constant 0 : i32
      scf.yield %scan3A_678 : i32
    }
    %scan3A_300 = arith.constant 50 : i32
    %dma_wait3A = arith.constant 0 : i32
    %dma_wait3A_301 = arith.constant 0 : i32
    %dma_wait3A_302 = arith.constant 0 : i32
    %dma_wait3A_303 = arith.constant 0 : i32
    %dma_wait3A_304 = arith.constant 0 : i32
    %dma_wait3A_305 = arith.constant 0 : i32
    %dma_wait3A_306 = arith.constant 0 : i32
    %dma_wait3A_307 = tpu.memref_slice %arg7[%dma_wait3A, %dma_wait3A_303, %dma_wait3A_304, %dma_wait3A_305, %dma_wait3A_306] : memref<4x8x1x8x129xf32, #tpu.memory_space<vmem>> -> memref<1x8x1x8x128xf32, #tpu.memory_space<vmem>>
    %dma_wait3A_308 = tpu.memref_squeeze %dma_wait3A_307 : memref<1x8x1x8x128xf32, #tpu.memory_space<vmem>> -> memref<8x1x8x128xf32, #tpu.memory_space<vmem>>
    %dma_wait3A_309 = arith.constant 0 : i32
    %dma_wait3A_310 = arith.constant 0 : i32
    %dma_wait3A_311 = arith.constant 0 : i32
    %dma_wait3A_312 = tpu.memref_slice %arg4[%dma_wait3A_301, %dma_wait3A_309, %add3A, %dma_wait3A_310, %dma_wait3A_311] : memref<200x8x32x8x128xf32, #tpu.memory_space<hbm>> -> memref<1x8x1x8x128xf32, #tpu.memory_space<hbm>>
    %dma_wait3A_313 = tpu.memref_squeeze %dma_wait3A_312 : memref<1x8x1x8x128xf32, #tpu.memory_space<hbm>> -> memref<8x1x8x128xf32, #tpu.memory_space<hbm>>
    %dma_wait3A_314 = tpu.memref_slice %arg9[%dma_wait3A_302] : memref<4x!tpu.dma_semaphore, #tpu.memory_space<semaphore_mem>> -> memref<1x!tpu.dma_semaphore, #tpu.memory_space<semaphore_mem>>
    %dma_wait3A_315 = tpu.memref_squeeze %dma_wait3A_314 : memref<1x!tpu.dma_semaphore, #tpu.memory_space<semaphore_mem>> -> memref<!tpu.dma_semaphore, #tpu.memory_space<semaphore_mem>>
    %dma_wait3A_316 = arith.constant 0 : i32
    %dma_wait3A_317 = arith.constant 0 : i32
    %dma_wait3A_318 = arith.constant 0 : i32
    %dma_wait3A_319 = tpu.memref_slice %arg4[%dma_wait3A_301, %dma_wait3A_316, %add3A, %dma_wait3A_317, %dma_wait3A_318] : memref<200x8x32x8x128xf32, #tpu.memory_space<hbm>> -> memref<1x8x1x8x128xf32, #tpu.memory_space<hbm>>
    %dma_wait3A_320 = tpu.memref_squeeze %dma_wait3A_319 : memref<1x8x1x8x128xf32, #tpu.memory_space<hbm>> -> memref<8x1x8x128xf32, #tpu.memory_space<hbm>>
    %dma_wait3A_321 = arith.constant 0 : i32
    %dma_wait3A_322 = arith.constant 0 : i32
    %dma_wait3A_323 = arith.constant 0 : i32
    %dma_wait3A_324 = arith.constant 0 : i32
    %dma_wait3A_325 = tpu.memref_slice %arg7[%dma_wait3A, %dma_wait3A_321, %dma_wait3A_322, %dma_wait3A_323, %dma_wait3A_324] : memref<4x8x1x8x129xf32, #tpu.memory_space<vmem>> -> memref<1x8x1x8x128xf32, #tpu.memory_space<vmem>>
    %dma_wait3A_326 = tpu.memref_squeeze %dma_wait3A_325 : memref<1x8x1x8x128xf32, #tpu.memory_space<vmem>> -> memref<8x1x8x128xf32, #tpu.memory_space<vmem>>
    tpu.wait_dma2 semaphore(%dma_wait3A_315 : memref<!tpu.dma_semaphore, #tpu.memory_space<semaphore_mem>>) src(%dma_wait3A_326 : memref<8x1x8x128xf32, #tpu.memory_space<vmem>>) dst(%dma_wait3A_320 : memref<8x1x8x128xf32, #tpu.memory_space<hbm>>)
    %dma_wait3A_327 = arith.constant 1 : i32
    %dma_wait3A_328 = arith.constant 0 : i32
    %dma_wait3A_329 = arith.constant 1 : i32
    %dma_wait3A_330 = arith.constant 0 : i32
    %dma_wait3A_331 = arith.constant 0 : i32
    %dma_wait3A_332 = arith.constant 0 : i32
    %dma_wait3A_333 = arith.constant 0 : i32
    %dma_wait3A_334 = tpu.memref_slice %arg7[%dma_wait3A_327, %dma_wait3A_330, %dma_wait3A_331, %dma_wait3A_332, %dma_wait3A_333] : memref<4x8x1x8x129xf32, #tpu.memory_space<vmem>> -> memref<1x8x1x8x128xf32, #tpu.memory_space<vmem>>
    %dma_wait3A_335 = tpu.memref_squeeze %dma_wait3A_334 : memref<1x8x1x8x128xf32, #tpu.memory_space<vmem>> -> memref<8x1x8x128xf32, #tpu.memory_space<vmem>>
    %dma_wait3A_336 = arith.constant 0 : i32
    %dma_wait3A_337 = arith.constant 0 : i32
    %dma_wait3A_338 = arith.constant 0 : i32
    %dma_wait3A_339 = tpu.memref_slice %arg4[%dma_wait3A_328, %dma_wait3A_336, %add3A, %dma_wait3A_337, %dma_wait3A_338] : memref<200x8x32x8x128xf32, #tpu.memory_space<hbm>> -> memref<1x8x1x8x128xf32, #tpu.memory_space<hbm>>
    %dma_wait3A_340 = tpu.memref_squeeze %dma_wait3A_339 : memref<1x8x1x8x128xf32, #tpu.memory_space<hbm>> -> memref<8x1x8x128xf32, #tpu.memory_space<hbm>>
    %dma_wait3A_341 = tpu.memref_slice %arg9[%dma_wait3A_329] : memref<4x!tpu.dma_semaphore, #tpu.memory_space<semaphore_mem>> -> memref<1x!tpu.dma_semaphore, #tpu.memory_space<semaphore_mem>>
    %dma_wait3A_342 = tpu.memref_squeeze %dma_wait3A_341 : memref<1x!tpu.dma_semaphore, #tpu.memory_space<semaphore_mem>> -> memref<!tpu.dma_semaphore, #tpu.memory_space<semaphore_mem>>
    %dma_wait3A_343 = arith.constant 0 : i32
    %dma_wait3A_344 = arith.constant 0 : i32
    %dma_wait3A_345 = arith.constant 0 : i32
    %dma_wait3A_346 = tpu.memref_slice %arg4[%dma_wait3A_328, %dma_wait3A_343, %add3A, %dma_wait3A_344, %dma_wait3A_345] : memref<200x8x32x8x128xf32, #tpu.memory_space<hbm>> -> memref<1x8x1x8x128xf32, #tpu.memory_space<hbm>>
    %dma_wait3A_347 = tpu.memref_squeeze %dma_wait3A_346 : memref<1x8x1x8x128xf32, #tpu.memory_space<hbm>> -> memref<8x1x8x128xf32, #tpu.memory_space<hbm>>
    %dma_wait3A_348 = arith.constant 0 : i32
    %dma_wait3A_349 = arith.constant 0 : i32
    %dma_wait3A_350 = arith.constant 0 : i32
    %dma_wait3A_351 = arith.constant 0 : i32
    %dma_wait3A_352 = tpu.memref_slice %arg7[%dma_wait3A_327, %dma_wait3A_348, %dma_wait3A_349, %dma_wait3A_350, %dma_wait3A_351] : memref<4x8x1x8x129xf32, #tpu.memory_space<vmem>> -> memref<1x8x1x8x128xf32, #tpu.memory_space<vmem>>
    %dma_wait3A_353 = tpu.memref_squeeze %dma_wait3A_352 : memref<1x8x1x8x128xf32, #tpu.memory_space<vmem>> -> memref<8x1x8x128xf32, #tpu.memory_space<vmem>>
    tpu.wait_dma2 semaphore(%dma_wait3A_342 : memref<!tpu.dma_semaphore, #tpu.memory_space<semaphore_mem>>) src(%dma_wait3A_353 : memref<8x1x8x128xf32, #tpu.memory_space<vmem>>) dst(%dma_wait3A_347 : memref<8x1x8x128xf32, #tpu.memory_space<hbm>>)
    %dma_wait3A_354 = arith.constant 2 : i32
    %dma_wait3A_355 = arith.constant 0 : i32
    %dma_wait3A_356 = arith.constant 2 : i32
    %dma_wait3A_357 = arith.constant 0 : i32
    %dma_wait3A_358 = arith.constant 0 : i32
    %dma_wait3A_359 = arith.constant 0 : i32
    %dma_wait3A_360 = arith.constant 0 : i32
    %dma_wait3A_361 = tpu.memref_slice %arg7[%dma_wait3A_354, %dma_wait3A_357, %dma_wait3A_358, %dma_wait3A_359, %dma_wait3A_360] : memref<4x8x1x8x129xf32, #tpu.memory_space<vmem>> -> memref<1x8x1x8x128xf32, #tpu.memory_space<vmem>>
    %dma_wait3A_362 = tpu.memref_squeeze %dma_wait3A_361 : memref<1x8x1x8x128xf32, #tpu.memory_space<vmem>> -> memref<8x1x8x128xf32, #tpu.memory_space<vmem>>
    %dma_wait3A_363 = arith.constant 0 : i32
    %dma_wait3A_364 = arith.constant 0 : i32
    %dma_wait3A_365 = arith.constant 0 : i32
    %dma_wait3A_366 = tpu.memref_slice %arg4[%dma_wait3A_355, %dma_wait3A_363, %add3A, %dma_wait3A_364, %dma_wait3A_365] : memref<200x8x32x8x128xf32, #tpu.memory_space<hbm>> -> memref<1x8x1x8x128xf32, #tpu.memory_space<hbm>>
    %dma_wait3A_367 = tpu.memref_squeeze %dma_wait3A_366 : memref<1x8x1x8x128xf32, #tpu.memory_space<hbm>> -> memref<8x1x8x128xf32, #tpu.memory_space<hbm>>
    %dma_wait3A_368 = tpu.memref_slice %arg9[%dma_wait3A_356] : memref<4x!tpu.dma_semaphore, #tpu.memory_space<semaphore_mem>> -> memref<1x!tpu.dma_semaphore, #tpu.memory_space<semaphore_mem>>
    %dma_wait3A_369 = tpu.memref_squeeze %dma_wait3A_368 : memref<1x!tpu.dma_semaphore, #tpu.memory_space<semaphore_mem>> -> memref<!tpu.dma_semaphore, #tpu.memory_space<semaphore_mem>>
    %dma_wait3A_370 = arith.constant 0 : i32
    %dma_wait3A_371 = arith.constant 0 : i32
    %dma_wait3A_372 = arith.constant 0 : i32
    %dma_wait3A_373 = tpu.memref_slice %arg4[%dma_wait3A_355, %dma_wait3A_370, %add3A, %dma_wait3A_371, %dma_wait3A_372] : memref<200x8x32x8x128xf32, #tpu.memory_space<hbm>> -> memref<1x8x1x8x128xf32, #tpu.memory_space<hbm>>
    %dma_wait3A_374 = tpu.memref_squeeze %dma_wait3A_373 : memref<1x8x1x8x128xf32, #tpu.memory_space<hbm>> -> memref<8x1x8x128xf32, #tpu.memory_space<hbm>>
    %dma_wait3A_375 = arith.constant 0 : i32
    %dma_wait3A_376 = arith.constant 0 : i32
    %dma_wait3A_377 = arith.constant 0 : i32
    %dma_wait3A_378 = arith.constant 0 : i32
    %dma_wait3A_379 = tpu.memref_slice %arg7[%dma_wait3A_354, %dma_wait3A_375, %dma_wait3A_376, %dma_wait3A_377, %dma_wait3A_378] : memref<4x8x1x8x129xf32, #tpu.memory_space<vmem>> -> memref<1x8x1x8x128xf32, #tpu.memory_space<vmem>>
    %dma_wait3A_380 = tpu.memref_squeeze %dma_wait3A_379 : memref<1x8x1x8x128xf32, #tpu.memory_space<vmem>> -> memref<8x1x8x128xf32, #tpu.memory_space<vmem>>
    tpu.wait_dma2 semaphore(%dma_wait3A_369 : memref<!tpu.dma_semaphore, #tpu.memory_space<semaphore_mem>>) src(%dma_wait3A_380 : memref<8x1x8x128xf32, #tpu.memory_space<vmem>>) dst(%dma_wait3A_374 : memref<8x1x8x128xf32, #tpu.memory_space<hbm>>)
    %dma_wait3A_381 = arith.constant 3 : i32
    %dma_wait3A_382 = arith.constant 0 : i32
    %dma_wait3A_383 = arith.constant 3 : i32
    %dma_wait3A_384 = arith.constant 0 : i32
    %dma_wait3A_385 = arith.constant 0 : i32
    %dma_wait3A_386 = arith.constant 0 : i32
    %dma_wait3A_387 = arith.constant 0 : i32
    %dma_wait3A_388 = tpu.memref_slice %arg7[%dma_wait3A_381, %dma_wait3A_384, %dma_wait3A_385, %dma_wait3A_386, %dma_wait3A_387] : memref<4x8x1x8x129xf32, #tpu.memory_space<vmem>> -> memref<1x8x1x8x128xf32, #tpu.memory_space<vmem>>
    %dma_wait3A_389 = tpu.memref_squeeze %dma_wait3A_388 : memref<1x8x1x8x128xf32, #tpu.memory_space<vmem>> -> memref<8x1x8x128xf32, #tpu.memory_space<vmem>>
    %dma_wait3A_390 = arith.constant 0 : i32
    %dma_wait3A_391 = arith.constant 0 : i32
    %dma_wait3A_392 = arith.constant 0 : i32
    %dma_wait3A_393 = tpu.memref_slice %arg4[%dma_wait3A_382, %dma_wait3A_390, %add3A, %dma_wait3A_391, %dma_wait3A_392] : memref<200x8x32x8x128xf32, #tpu.memory_space<hbm>> -> memref<1x8x1x8x128xf32, #tpu.memory_space<hbm>>
    %dma_wait3A_394 = tpu.memref_squeeze %dma_wait3A_393 : memref<1x8x1x8x128xf32, #tpu.memory_space<hbm>> -> memref<8x1x8x128xf32, #tpu.memory_space<hbm>>
    %dma_wait3A_395 = tpu.memref_slice %arg9[%dma_wait3A_383] : memref<4x!tpu.dma_semaphore, #tpu.memory_space<semaphore_mem>> -> memref<1x!tpu.dma_semaphore, #tpu.memory_space<semaphore_mem>>
    %dma_wait3A_396 = tpu.memref_squeeze %dma_wait3A_395 : memref<1x!tpu.dma_semaphore, #tpu.memory_space<semaphore_mem>> -> memref<!tpu.dma_semaphore, #tpu.memory_space<semaphore_mem>>
    %dma_wait3A_397 = arith.constant 0 : i32
    %dma_wait3A_398 = arith.constant 0 : i32
    %dma_wait3A_399 = arith.constant 0 : i32
    %dma_wait3A_400 = tpu.memref_slice %arg4[%dma_wait3A_382, %dma_wait3A_397, %add3A, %dma_wait3A_398, %dma_wait3A_399] : memref<200x8x32x8x128xf32, #tpu.memory_space<hbm>> -> memref<1x8x1x8x128xf32, #tpu.memory_space<hbm>>
    %dma_wait3A_401 = tpu.memref_squeeze %dma_wait3A_400 : memref<1x8x1x8x128xf32, #tpu.memory_space<hbm>> -> memref<8x1x8x128xf32, #tpu.memory_space<hbm>>
    %dma_wait3A_402 = arith.constant 0 : i32
    %dma_wait3A_403 = arith.constant 0 : i32
    %dma_wait3A_404 = arith.constant 0 : i32
    %dma_wait3A_405 = arith.constant 0 : i32
    %dma_wait3A_406 = tpu.memref_slice %arg7[%dma_wait3A_381, %dma_wait3A_402, %dma_wait3A_403, %dma_wait3A_404, %dma_wait3A_405] : memref<4x8x1x8x129xf32, #tpu.memory_space<vmem>> -> memref<1x8x1x8x128xf32, #tpu.memory_space<vmem>>
    %dma_wait3A_407 = tpu.memref_squeeze %dma_wait3A_406 : memref<1x8x1x8x128xf32, #tpu.memory_space<vmem>> -> memref<8x1x8x128xf32, #tpu.memory_space<vmem>>
    tpu.wait_dma2 semaphore(%dma_wait3A_396 : memref<!tpu.dma_semaphore, #tpu.memory_space<semaphore_mem>>) src(%dma_wait3A_407 : memref<8x1x8x128xf32, #tpu.memory_space<vmem>>) dst(%dma_wait3A_401 : memref<8x1x8x128xf32, #tpu.memory_space<hbm>>)
    return
  }
}

</mosaic_0001>

<sc_bundles>
// kernel: kernel.3.cloned.1.call-start
scs
__scs_entry_jumppad:
0x0: {  	(pc) =	sbr.rel $0x88, $3  }
0x1: {  	(tag) =	ssettag $0x0;
	lr =	simm.s32 $0x1  }
0x2: {  	[smem:$0x3F9F] =	sst lr;
	_ =	strace $0xD0000000  }
0x3: {  	_ = 	snop  }
0x4: {  	_ = 	snop  }
0x5: {  	_ = 	snop  }
0x6: {  	_ = 	snop  }
0x7: {  	_ = 	snop  }
__scs_overlays_trampoline_lowered:
0x8: {  	[smem:$0x3FAE] =	sst s0  }
0x9: {  	[smem:$0x3FAF] =	sst s1  }
0xa: {  	[smem:$0x3FB0] =	sst s2  }
0xb: {  	[smem:$0x3FB1] =	sst s3  }
0xc: {  	[smem:$0x3FB2] =	sst s4  }
0xd: {  	[smem:$0x3FB3] =	sst s5  }
0xe: {  	[smem:$0x3FB4] =	sst s6  }
0xf: {  	[smem:$0x3FB5] =	sst s7  }
0x10: {  	[smem:$0x3FB6] =	sst s8  }
0x11: {  	[smem:$0x3FB7] =	sst s9;
	s0 =	simm.s32 @!p0 $0x0  }
0x12: {  	s1 =	sld [smem:$0x3F9D];
	s0 =	simm.s32 @p0 $0x1  }
0x13: {  	[smem:$0x3FB8] =	sst s0;
	s0 =	simm.s32 @!p1 $0x0  }
0x14: {  	s2 =	sld [smem:$0x3F9C];
	s0 =	simm.s32 @p1 $0x1  }
0x15: {  	[smem:$0x3FB9] =	sst s0;
	s0 =	simm.s32 @!p2 $0x0  }
0x16: {  	s3 =	sld [smem:$0x3FDB];
	s0 =	simm.s32 @p2 $0x1  }
0x17: {  	s4 =	simm.s32 $0x1BF5;
	[smem:$0x3FBB] =	sst s0  }
0x18: {  	s0 =	sld [smem:$0x3F9E];
	_ =	swait.ge [sflag:s4], $0x0  }
0x19: {  	s7 =	sld [smem:$0x3F9F]  }
0x1a: {  	s8 =	sadd.s32 $0xFFFFE003, lr  }
0x1b: {  	s9 =	sadd.s32 $0xFFFFFEF7, lr;
	s5 =	simm.s32 $0xFFFFFFFF;
	p2 =	slt.u32 s8, $0xFFFFF086  }
0x1c: {  	p1 =	slt.u32 s9, $0xF7A;
	s5 =	simm.s32 @!p2 $0x0  }
0x1d: {  	s5 =	simm.s32 @p1 $0x1;
	p0 =	seq.s32 s7, s2  }
0x1e: {  	s7 =	smul.u32 @!p0 $0xF7A, s2;
	p2 =	seq.s32 @!p0 s5, $0x0  }
0x1f: {  	s9 =	smul.u32 $0xF7A, s1;
	s8 =	simm.s32 @!p0 $0x1BF5;
	p2 =	por !p2, p0  }
0x20: {  	[sflag:s8] =	ssyncset.s32 @!p0 $0xFFFFF086;
	s6 =	sadd.s32 @!p0 s3, s7;
	s7 =	simm.s32 @!p0 $0x108  }
0x21: {  	s3 =	sadd.s32 s3, s9;
	s6 =	sadd.s32 @!p0 $0x88, s6;
	s7 =	simm.s32 @p2 $0x1082  }
0x22: {  	[simem:s7], [sflag:s8] =	dma.local @!p0 [hbm:s6], $0xF7A  }
0x23: {  	s9 =	sor.u32 $0xD0000000, s2;
	s6 =	simm.s32 $0x108;
	_ =	swait.ge @!p0 [sflag:s8], $0x0  }
0x24: {  	s3 =	sadd.s32 $0x88, s3;
	s6 =	simm.s32 @!p1 $0x1082;
	[sflag:s4] =	ssyncset.s32 $0xFFFFF086  }
0x25: {  	[simem:s6], [sflag:s4] =	dma.local [hbm:s3], $0xF7A  }
0x26: {  	[smem:$0x3F9F] =	sst s1;
	(tag) =	ssettag s2;
	_ =	strace s9  }
0x27: {  	s1 =	sld [smem:$0x3FAF]  }
0x28: {  	s2 =	sld [smem:$0x3FB0]  }
0x29: {  	s4 =	sld [smem:$0x3FB2]  }
0x2a: {  	p0 =	seq.s32 s5, $0x0;
	s5 =	sld [smem:$0x3FB3]  }
0x2b: {  	s6 =	sld [smem:$0x3FB4]  }
0x2c: {  	s7 =	sld [smem:$0x3FB5]  }
0x2d: {  	s3 =	simm.s32 $0x108;
	s8 =	sld [smem:$0x3FB6]  }
0x2e: {  	s3 =	simm.s32 @!p0 $0x1082;
	s9 =	sld [smem:$0x3FB7]  }
0x2f: {  	lr =	sadd.s32 s0, s3;
	s0 =	sld [smem:$0x3FAE]  }
0x30: {  	s3 =	sld [smem:$0x3FB1]  }
0x31: {  	[smem:$0x3FBA] =	sst s10  }
0x32: {  	s10 =	sld [smem:$0x3FB8];
	_ =	sdelay $0x3  }
0x33: {  	p0 =	seq.s32 s10, $0x1;
	s10 =	sld [smem:$0x3FBA];
	_ =	sdelay $0x3  }
0x34: {  	[smem:$0x3FBA] =	sst s10  }
0x35: {  	s10 =	sld [smem:$0x3FB9];
	_ =	sdelay $0x3  }
0x36: {  	p1 =	seq.s32 s10, $0x1;
	s10 =	sld [smem:$0x3FBA];
	_ =	sdelay $0x3  }
0x37: {  	[smem:$0x3FBA] =	sst s10  }
0x38: {  	s10 =	sld [smem:$0x3FBB]  }
0x39: {  	_ = 	snop;
	(pc) =	sbr.ind lr, $3  }
0x3a: {  	_ = 	snop  }
0x3b: {  	_ = 	snop  }
0x3c: {  	p2 =	seq.s32 s10, $0x1;
	s10 =	sld [smem:$0x3FBA]  }
0x3d: {  	_ =	shalt  }
0x3e: {  	_ =	shalt  }
0x3f: {  	_ =	shalt  }
0x40: {  	_ =	shalt  }
0x41: {  	_ =	shalt  }
0x42: {  	_ =	shalt  }
0x43: {  	_ =	shalt  }
0x44: {  	_ =	shalt  }
0x45: {  	_ =	shalt  }
0x46: {  	_ =	shalt  }
0x47: {  	_ =	shalt  }
0x48: {  	_ =	shalt  }
0x49: {  	_ =	shalt  }
0x4a: {  	_ =	shalt  }
0x4b: {  	_ =	shalt  }
0x4c: {  	_ =	shalt  }
0x4d: {  	_ =	shalt  }
0x4e: {  	_ =	shalt  }
0x4f: {  	_ =	shalt  }
0x50: {  	_ =	shalt  }
0x51: {  	_ =	shalt  }
0x52: {  	_ =	shalt  }
0x53: {  	_ =	shalt  }
0x54: {  	_ =	shalt  }
0x55: {  	_ =	shalt  }
0x56: {  	_ =	shalt  }
0x57: {  	_ =	shalt  }
0x58: {  	_ =	shalt  }
0x59: {  	_ =	shalt  }
0x5a: {  	_ =	shalt  }
0x5b: {  	_ =	shalt  }
0x5c: {  	_ =	shalt  }
0x5d: {  	_ =	shalt  }
0x5e: {  	_ =	shalt  }
0x5f: {  	_ =	shalt  }
0x60: {  	_ =	shalt  }
0x61: {  	_ =	shalt  }
0x62: {  	_ =	shalt  }
0x63: {  	_ =	shalt  }
0x64: {  	_ =	shalt  }
0x65: {  	_ =	shalt  }
0x66: {  	_ =	shalt  }
0x67: {  	_ =	shalt  }
0x68: {  	_ =	shalt  }
0x69: {  	_ =	shalt  }
0x6a: {  	_ =	shalt  }
0x6b: {  	_ =	shalt  }
0x6c: {  	_ =	shalt  }
0x6d: {  	_ =	shalt  }
0x6e: {  	_ =	shalt  }
0x6f: {  	_ =	shalt  }
0x70: {  	_ =	shalt  }
0x71: {  	_ =	shalt  }
0x72: {  	_ =	shalt  }
0x73: {  	_ =	shalt  }
0x74: {  	_ =	shalt  }
0x75: {  	_ =	shalt  }
0x76: {  	_ =	shalt  }
0x77: {  	_ =	shalt  }
0x78: {  	_ =	shalt  }
0x79: {  	_ =	shalt  }
0x7a: {  	_ =	shalt  }
0x7b: {  	_ =	shalt  }
0x7c: {  	_ =	shalt  }
0x7d: {  	_ =	shalt  }
0x7e: {  	_ =	shalt  }
0x7f: {  	_ =	shalt  }
0x80: {  	_ =	shalt  }
0x81: {  	_ =	shalt  }
0x82: {  	_ =	shalt  }
0x83: {  	_ =	shalt  }
0x84: {  	_ =	shalt  }
0x85: {  	_ =	shalt  }
0x86: {  	_ =	shalt  }
0x87: {  	_ =	shalt  }
.Lfunc_end0:
.L_simem_size_0:
called_computation_lowered:
.L_overlay_start_0:
0x88: {  	s2 =	sld [smem:$0x3FD9]  }
0x89: {  	s3 =	sld [smem:$0x3FFE];
	_ =	sdelay $0x1  }
0x8a: {  	s1 =	srdreg.scid  }
0x8b: {  	s0 =	sand.u32 $0x1, s1  }
0x8c: {  	s17 =	sshll.u32 s0, $0xA;
	s2 =	sadd.s32 s3, s2  }
0x8d: {  	s2 =	sadd.s32 s2, s17  }
0x8e: {  	[smem:$0x3FC6] =	sst s2  }
0x8f: {  	_ = 	snop  }
0x90: {  	s2 =	sld [smem:$0x3FC9]  }
0x91: {  	s18 =	sld [smem:$0x3FD0];
	(tm) =	ssettm $0x1  }
0x92: {  	s4 =	sld [smem:$0x3FFB];
	_ =	sdelay $0x3  }
0x93: {  	_ =	strace s4  }
0x94: {  	s4 =	sld [smem:$0x3FFC];
	_ =	sdelay $0x3  }
0x95: {  	_ =	strace s4  }
0x96: {  	s4 =	sld [smem:$0x3FFD];
	_ =	sdelay $0x3  }
0x97: {  	_ =	strace s4  }
0x98: {  	_ =	strace $0x8FFFFFFF  }
0x99: {  	s19 =	sld [smem:$0x3FDB];
	_ =	sdelay $0x1  }
0x9a: {  	s5 =	simm.s32 $_scs_section_size  }
0x9b: {  	s6 =	simm.s32 $_size__tile_overlayer_lowered;
	s7 =	simm.s32 $_tile_overlayer_lowered  }
0x9c: {  	s22 =	simm.s32 $0x1BFF;
	s21 =	sshll.u32 s7, $0x1;
	s4 =	sadd.s32 s5, s19  }
0x9d: {  	s8 =	simm.s32 $0x0;
	s20 =	sshll.u32 s6, $0x1;
	s6 =	sadd.s32 s21, s4  }
0x9e: {  	[timem:s8], [sflag:s22] =	dma.local [hbm:s6], s20  }
0x9f: {  	_ =	swait.ge [sflag:s22], s20  }
0xa0: {  	s5 =	ssub.s32 $0x0, s20;
	[sflag:s22] =	ssyncset.done $0x0  }
0xa1: {  	[sflag:s22] =	ssyncadd.s32 s5;
	_ =	sdelay $0x1  }
0xa2: {  	s23 =	simm.s32 $0x1B8B  }
0xa3: {  	_ =	swait.ge [sflag:s23], $0x1  }
0xa4: {  	[sflag:s23] =	ssyncset.done $0x0  }
0xa5: {  	s25 =	simm.s32 $0x1B8E;
	s24 =	sld [smem:$0x3FFE];
	[sflag:s23] =	ssyncadd.s32 $0xFFFFFFFF  }
0xa6: {  	s26 =	simm.s32 $execute0_lowered;
	[smem:$0x3FD2] =	sst s25  }
0xa7: {  	s6 =	sshll.u32 s26, $0x1;
	_ =	strace $0x80000046;
	[dreg:$0x1] =	wrdreg $0xFFFFFFFF  }
0xa8: {  	s28 =	simm.s32 $_size_execute0_lowered;
	s4 =	sadd.s32 s4, s6;
	[dreg:$0x0] =	wrdreg $0x0  }
0xa9: {  	s6 =	sshll.u32 s28, $0x1;
	[dreg:$0x2] =	wrdreg s4  }
0xaa: {  	[dreg:$0x3] =	wrdreg s6  }
0xab: {  	[dreg:$0x4] =	wrdreg $0xC0  }
0xac: {  	_ =	task [dreg:s8], $0x5FFFF  }
0xad: {  	[dreg:$0x1] =	wrdreg $0xFFFFFFFF  }
0xae: {  	[dreg:$0x0] =	wrdreg $0x60  }
0xaf: {  	[dreg:$0x2] =	wrdreg s2  }
0xb0: {  	[dreg:$0x3] =	wrdreg s24  }
0xb1: {  	[dreg:$0x4] =	wrdreg s18  }
0xb2: {  	[dreg:$0x5] =	wrdreg $0x9  }
0xb3: {  	_ =	task.clear_ibuf [dreg:s8], $0x6FFFF;
	_ =	strace $0x90000046  }
0xb4: {  	s29 =	simm.s32 $0x9;
	_ =	strace $0x80000048  }
0xb5: {  	_ =	swait.ge [sflag:s29], $0x1  }
0xb6: {  	[sflag:s29] =	ssyncadd.s32 $0xFFFFFFFF  }
0xb7: {  	_ =	strace $0x90000048  }
0xb8: {  	_ =	sfence  }
0xb9: {  	s30 =	sld [smem:$0x0];
	_ =	sdelay $0x2  }
0xba: {  	s31 =	sshll.u32 s1, $0xD;
	s1 =	sshrl.u32 s1, $0x2  }
0xbb: {  	s3 =	sand.u32 $0x4000, s31;
	s1 =	sadd.s32 s1, s30  }
0xbc: {  	s0 =	sor.u32 s3, s0;
	s1 =	sshll.u32 s1, $0x11  }
0xbd: {  	s0 =	sor.u32 s1, s0  }
0xbe: {  	s0 =	sadd.s32 $0x8F2B, s0  }
0xbf: {  	[sflag:s0] =	ssyncadd.remote.s32 $0x1  }
0xc0: {  	_ =	sfence.sel $0xFFFF  }
0xc1: {  	[dreg:$0x0] =	wrdreg $0xFFFFFFFF;
	(pc) =	sbr.abs _section_cstart, $3  }
0xc2: {  	[dreg:$0x1] =	wrdreg $0xFFFFFFFF  }
0xc3: {  	_ =	task.clear_ibuf [dreg:s8], $0x2FFFF;
	_ =	strace $0x9FFFFFFF  }
0xc4: {  	(tm) =	ssettm $0x7FFFFFFF  }
0xc5: {  	_ =	shalt  }
tec
execute0_lowered:
.L_overlay_start_1:
0x0: {  	(tag) =	ssettag $0x1  }
0x1: {  	s0 =	rddreg [dreg:$0x0]  }
0x2: {  	s1 =	rddreg [dreg:$0x1]  }
0x3: {  	s2 =	rddreg [dreg:$0x2]  }
0x4: {  	s3 =	srdreg.scid;
	s5 =	stileid.u32;
	s13 =	simm.s32 $0x9  }
0x5: {  	s14 =	simm.s32 $0x80;
	s21 =	simm.s32 $0x1;
	s22 =	simm.s32 $0xE400  }
0x6: {  	s23 =	simm.s32 $0x2;
	s28 =	simm.s32 $0x4;
	s29 =	simm.s32 $0x14A00  }
0x7: {  	s30 =	simm.s32 $0x5;
	s31 =	simm.s32 $0x6;
	s11 =	simm.s32 $0x0  }
0x8: {  	s4 =	sand.u32 $0x1, s3;
	s3 =	simm.s32 $0x0;
	s5 =	sshll.u32 s5, $0xB  }
0x9: {  	s9 =	sadd.s32 $0x18000, s2;
	s6 =	sshll.u32 s4, $0xA;
	[smem:$0x7FF] =	sst s3  }
0xa: {  	s7 =	ssub.s32 $0x2, s4;
	s4 =	sor.u32 s6, s5;
	_ =	strace $0x80000047  }
0xb: {  	s24 =	sshrl.u32 s7, $0x1;
	s5 =	sadd.s32 $0x400, s1;
	s1 =	simm.s32 $0x8  }
0xc: {  	v0 =	vlaneseq.u32;
	s8 =	sshrl.u32 s4, $0x3;
	s25 =	ssub.s32 s7, s24;
	s7 =	sadd.s32 $0x8000, s2  }
0xd: {  	v0 =	vmul.u32 $0x88, v0;
	s24 =	simm.s32 $0x10600;
	s0 =	sadd.s32 s0, s8;
	s8 =	sadd.s32 $0x10000, s2  }
0xe: {  	s26 =	smax.u32 s25, $0x1;
	s25 =	simm.s32 $0x3;
	[dreg:$0x4] =	wrdreg s0  }
0xf: {  	v1 =	vadd.s32 $0x880, v0;
	v2 =	vadd.s32 $0x1100, v0;
	v3 =	vadd.s32 $0x1980, v0;
	[dreg:$0x5] =	wrdreg s26;
	s26 =	simm.s32 $0x12800;
	s0 =	simm.s32 $0x7  }
.LBB2_1:
0x10: {  	s6 =	rddreg [dreg:$0x4];
	s10 =	simm.s32 $0x400;
	s12 =	simm.s32 $0x8000  }
0x11: {  	[tilespmem:s3], [sflag:$0x9] =	stream.strided.gather [hbm4b:s6+s10], $0x6400, s12, s10, $0x38;
	[tilespmem:$0x16C00] =	vst v63  }
0x12: {  	_ =	swait.ge [sflag:s13], $0x6400  }
0x13: {  	[sflag:s13] =	ssyncset.done $0x0  }
0x14: {  	s15 =	simm.s32 $0x6400;
	[sflag:s13] =	ssyncadd.s32 $0xFFFF9C00  }
0x15: {  	[tilespmem:s15], [sflag:$0x1] =	stream.indirect.gather [hbm4b:s5+s14], $0x40, s3, s14, $0xb8;
	[tilespmem:$0x16C00] =	vst v63  }
0x16: {  	s16 =	simm.s32 $0x8400  }
0x17: {  	[tilespmem:s16], [sflag:$0x2] =	stream.indirect.gather [hbm4b:s5+s14], $0x40, s14, s14, $0xb8;
	[tilespmem:$0x16C00] =	vst v63  }
0x18: {  	s17 =	simm.s32 $0x100;
	s18 =	simm.s32 $0xA400  }
0x19: {  	[tilespmem:s18], [sflag:$0x3] =	stream.indirect.gather [hbm4b:s5+s14], $0x40, s17, s14, $0xb8;
	[tilespmem:$0x16C00] =	vst v63  }
0x1a: {  	s19 =	simm.s32 $0x180;
	s20 =	simm.s32 $0xC400;
	s12 =	simm.s32 $0x0  }
0x1b: {  	[tilespmem:s20], [sflag:$0x4] =	stream.indirect.gather [hbm4b:s5+s14], $0x40, s19, s14, $0xb8;
	[tilespmem:$0x16C00] =	vst v63  }
.LBB2_2:
0x1c: {  	_ =	swait.ge [sflag:s21], $0x2000  }
0x1d: {  	p0 =	seq.s32 s12, $0x0;
	[sflag:s21] =	ssyncset.done $0x0  }
0x1e: {  	s6 =	simm.s32 @!p0 $0x5;
	[sflag:s21] =	ssyncadd.s32 $0xFFFFE000  }
0x1f: {  	s15 =	simm.s32 $0x3;
	_ =	swait.ge @!p0 [sflag:s6], $0x2000  }
0x20: {  	s20 =	simm.s32 $0x0;
	v4 =	vmov s15;
	[sflag:s6] =	ssyncset.done @!p0 $0x0  }
0x21: {  	s16 =	simm.s32 $0x6480;
	s10 =	simm.s32 $0x1;
	v5 =	vand.u32 $0x7F, v4;
	v4 =	vmov s20;
	[sflag:s6] =	ssyncadd.s32 @!p0 $0xFFFFE000  }
0x22: {  	v8 =	vadd.s32 v0, v5;
	v6 =	vand.u32 $0x7C, v4;
	v4 =	vmov s10;
	v7 =	vld [tilespmem:s16+$0x40]  }
0x23: {  	v10 =	vadd.s32 v0, v6;
	v11 =	vand.u32 $0x7D, v4;
	v9 =	vld [tilespmem:s16+$0xFFFFFF80]  }
0x24: {  	s15 =	simm.s32 $0x2;
	v12 =	vadd.s32 v0, v11;
	v4 =	vld [tilespmem:s16+$0xFFFFFFC0]  }
0x25: {  	v13 =	vmov s15  }
0x26: {  	v13 =	vand.u32 $0x7E, v13  }
0x27: {  	v15 =	vadd.s32 v0, v13;
	v14 =	vld [tilespmem:s16+$0x0];
	[tilespmem:v8+s22+$0x0] =	vst.idx.msk $0xffff, v7  }
0x28: {  	v8 =	vadd.s32 v1, v5;
	[tilespmem:v10+s22+$0x0] =	vst.idx.msk $0xffff, v9;
	v7 =	vld [tilespmem:s16+$0x50]  }
0x29: {  	v10 =	vadd.s32 v1, v6;
	[tilespmem:v12+s22+$0x0] =	vst.idx.msk $0xffff, v4;
	v9 =	vld [tilespmem:s16+$0xFFFFFF90]  }
0x2a: {  	v12 =	vadd.s32 v1, v11;
	v4 =	vld [tilespmem:s16+$0xFFFFFFD0];
	_ =	sdelay $0x1  }
0x2b: {  	[tilespmem:v15+s22+$0x0] =	vst.idx.msk $0xffff, v14  }
0x2c: {  	v16 =	vadd.s32 v1, v13;
	v15 =	vld [tilespmem:s16+$0x10];
	[tilespmem:v8+s22+$0x0] =	vst.idx.msk $0xffff, v7  }
0x2d: {  	s17 =	simm.s32 $0x7;
	v14 =	vadd.s32 v2, v5;
	[tilespmem:v10+s22+$0x0] =	vst.idx.msk $0xffff, v9;
	v7 =	vld [tilespmem:s16+$0x60]  }
0x2e: {  	v10 =	vadd.s32 v2, v6;
	v8 =	vmov s17;
	[tilespmem:v12+s22+$0x0] =	vst.idx.msk $0xffff, v4;
	v9 =	vld [tilespmem:s16+$0xFFFFFFA0]  }
0x2f: {  	s15 =	simm.s32 $0x6580;
	v17 =	vadd.s32 v2, v11;
	v8 =	vand.u32 $0x7F, v8;
	v12 =	vld [tilespmem:s16+$0xFFFFFFE0]  }
0x30: {  	s18 =	simm.s32 $0x4;
	v18 =	vld [tilespmem:s15+$0x40];
	v19 =	vadd.s32 v0, v8  }
0x31: {  	s19 =	simm.s32 $0x5;
	v4 =	vmov s18;
	[tilespmem:v16+s22+$0x0] =	vst.idx.msk $0xffff, v15  }
0x32: {  	v22 =	vmov s19;
	v4 =	vand.u32 $0x7C, v4;
	[tilespmem:v14+s22+$0x0] =	vst.idx.msk $0xffff, v7  }
0x33: {  	s20 =	simm.s32 $0x6;
	v20 =	vld [tilespmem:s15+$0xFFFFFF80];
	v21 =	vadd.s32 v0, v4;
	v7 =	vand.u32 $0x7D, v22;
	[tilespmem:v10+s22+$0x0] =	vst.idx.msk $0xffff, v9  }
0x34: {  	v14 =	vmov s20;
	v9 =	vld [tilespmem:s15+$0xFFFFFFC0];
	[tilespmem:v17+s22+$0x0] =	vst.idx.msk $0xffff, v12;
	v10 =	vadd.s32 v0, v7  }
0x35: {  	v16 =	vadd.s32 v3, v5;
	v12 =	vld [tilespmem:s16+$0x20];
	v5 =	vand.u32 $0x7E, v14;
	[tilespmem:v19+s22+$0x0] =	vst.idx.msk $0xffff, v18;
	v18 =	vadd.s32 v2, v13  }
0x36: {  	v14 =	vld [tilespmem:s15+$0x0];
	v63 =	vadd.s32 v0, v5  }
0x37: {  	v15 =	vld [tilespmem:s16+$0x70]  }
0x38: {  	[tilespmem:v21+s22+$0x0] =	vst.idx.msk $0xffff, v20;
	v20 =	vadd.s32 v1, v8;
	v19 =	vld [tilespmem:s15+$0x50]  }
0x39: {  	v23 =	vadd.s32 v1, v4;
	v21 =	vld [tilespmem:s15+$0xFFFFFF90];
	[tilespmem:v10+s22+$0x0] =	vst.idx.msk $0xffff, v9  }
0x3a: {  	v25 =	vadd.s32 v3, v11;
	v24 =	vld [tilespmem:s16+$0xFFFFFFF0];
	[tilespmem:v18+s22+$0x0] =	vst.idx.msk $0xffff, v12  }
0x3b: {  	v18 =	vadd.s32 v1, v7;
	v17 =	vld [tilespmem:s15+$0xFFFFFFD0];
	[tilespmem:v63+s22+$0x0] =	vst.idx.msk $0xffff, v14  }
0x3c: {  	[tilespmem:v16+s22+$0x0] =	vst.idx.msk $0xffff, v15;
	v16 =	vadd.s32 v1, v5;
	v14 =	vld [tilespmem:s15+$0x10]  }
0x3d: {  	v15 =	vadd.s32 v3, v13;
	[tilespmem:v20+s22+$0x0] =	vst.idx.msk $0xffff, v19;
	v10 =	vld [tilespmem:s16+$0x30]  }
0x3e: {  	s19 =	simm.s32 $0xC;
	v12 =	vadd.s32 v2, v8;
	[tilespmem:v23+s22+$0x0] =	vst.idx.msk $0xffff, v21;
	v9 =	vld [tilespmem:s15+$0x60]  }
0x3f: {  	s17 =	sshll.u32 s12, $0x2;
	s18 =	simm.s32 $0x8;
	s20 =	simm.s32 $0xB;
	v13 =	vadd.s32 v2, v4;
	[tilespmem:v25+s22+$0x0] =	vst.idx.msk $0xffff, v24;
	v11 =	vld [tilespmem:s15+$0xFFFFFFA0]  }
.LBB2_3:
0x40: {  	p1 =	slt.u32 s19, $0x7C;
	v19 =	vmov s20;
	[tilespmem:v18+s22+$0x0] =	vst.idx.msk $0xffff, v17;
	v17 =	vld [tilespmem:s16+$0xFFFFFFB0];
	v18 =	vadd.s32 v3, v6;
	v6 =	vmov v4;
	s16 =	smov.u32 s15  }
0x41: {  	v4 =	vmov s18;
	v21 =	vadd.s32 v2, v7;
	s15 =	sadd.s32 $0x100, s15;
	v19 =	vand.u32 $0x7F, v19;
	v20 =	vld [tilespmem:s16+$0xFFFFFFE0];
	[tilespmem:v16+s22+$0x0] =	vst.idx.msk $0xffff, v14  }
0x42: {  	s6 =	sadd.s32 $0x1, s18;
	v4 =	vand.u32 $0x7C, v4;
	v14 =	vld [tilespmem:s15+$0x40];
	v16 =	vadd.s32 v0, v19;
	[tilespmem:v15+s22+$0x0] =	vst.idx.msk $0xffff, v10  }
0x43: {  	v22 =	vmov s6;
	s6 =	sadd.s32 $0x2, s18;
	s18 =	smov.u32 s19;
	v15 =	vadd.s32 v0, v4;
	v10 =	vld [tilespmem:s15+$0xFFFFFF80];
	[tilespmem:v12+s22+$0x0] =	vst.idx.msk $0xffff, v9  }
0x44: {  	v9 =	vand.u32 $0x7D, v22;
	v12 =	vmov s6;
	[tilespmem:v13+s22+$0x0] =	vst.idx.msk $0xffff, v11;
	v11 =	vld [tilespmem:s16+$0x70];
	v13 =	vadd.s32 v3, v8;
	v8 =	vmovc v19  }
0x45: {  	v22 =	vadd.s32 v0, v9;
	v12 =	vand.u32 $0x7E, v12;
	v19 =	vld [tilespmem:s15+$0xFFFFFFC0];
	[tilespmem:v18+s22+$0x0] =	vst.idx.msk $0xffff, v17  }
0x46: {  	v24 =	vadd.s32 v0, v12;
	v23 =	vld [tilespmem:s15+$0x0];
	[tilespmem:v21+s22+$0x0] =	vst.idx.msk $0xffff, v20  }
0x47: {  	v21 =	vadd.s32 v2, v5;
	[tilespmem:v16+s22+$0x0] =	vst.idx.msk $0xffff, v14;
	v20 =	vld [tilespmem:s16+$0x20]  }
0x48: {  	[tilespmem:v15+s22+$0x0] =	vst.idx.msk $0xffff, v10;
	v10 =	vld [tilespmem:s15+$0x50];
	v15 =	vadd.s32 v1, v8  }
0x49: {  	v26 =	vadd.s32 v1, v4;
	v25 =	vld [tilespmem:s15+$0xFFFFFF90];
	[tilespmem:v13+s22+$0x0] =	vst.idx.msk $0xffff, v11  }
0x4a: {  	[tilespmem:v22+s22+$0x0] =	vst.idx.msk $0xffff, v19;
	v19 =	vld [tilespmem:s16+$0xFFFFFFF0];
	v22 =	vadd.s32 v3, v7;
	v7 =	vmov v9  }
.Ltmp0:
0x4b: {  	v17 =	vld [tilespmem:s15+$0xFFFFFFD0];
	v18 =	vadd.s32 v1, v7;
	[tilespmem:v24+s22+$0x0] =	vst.idx.msk $0xffff, v23;
	(pc) =	sbr.rel @p1 .LBB2_3-.Ltmp0, $4  }
0x4c: {  	v16 =	vadd.s32 v1, v12;
	v14 =	vld [tilespmem:s15+$0x10];
	[tilespmem:v21+s22+$0x0] =	vst.idx.msk $0xffff, v20  }
0x4d: {  	[tilespmem:v15+s22+$0x0] =	vst.idx.msk $0xffff, v10;
	v10 =	vld [tilespmem:s16+$0x30];
	v15 =	vadd.s32 v3, v5;
	v5 =	vmov v12  }
0x4e: {  	v12 =	vadd.s32 v2, v8;
	[tilespmem:v26+s22+$0x0] =	vst.idx.msk $0xffff, v25;
	v9 =	vld [tilespmem:s15+$0x60]  }
0x4f: {  	s19 =	sadd.s32 $0x4, s19;
	s20 =	sadd.s32 $0x3, s18;
	v13 =	vadd.s32 v2, v4;
	v11 =	vld [tilespmem:s15+$0xFFFFFFA0];
	[tilespmem:v22+s22+$0x0] =	vst.idx.msk $0xffff, v19  }
0x50: {  	_ =	sdelay $0x2  }
0x51: {  	v19 =	vmov s20  }
0x52: {  	s6 =	sadd.s32 $0x1, s18;
	[tilespmem:v18+s22+$0x0] =	vst.idx.msk $0xffff, v17;
	v30 =	vld [tilespmem:s16+$0xFFFFFFB0];
	v6 =	vadd.s32 v3, v6;
	s20 =	sadd.s32 $0x100, s15;
	v21 =	vmov s18;
	v31 =	vand.u32 $0x7F, v19  }
0x53: {  	s10 =	sadd.s32 $0x2, s18;
	v32 =	vmov s6;
	[tilespmem:v16+s22+$0x0] =	vst.idx.msk $0xffff, v14;
	v33 =	vld [tilespmem:s20+$0x40];
	v21 =	vand.u32 $0x7C, v21;
	v34 =	vadd.s32 v0, v31  }
0x54: {  	v20 =	vmov s10;
	v22 =	vld [tilespmem:s20+$0xFFFFFF80];
	v19 =	vand.u32 $0x7D, v32;
	[tilespmem:v15+s22+$0x0] =	vst.idx.msk $0xffff, v10;
	v39 =	vadd.s32 v0, v21  }
0x55: {  	v35 =	vld [tilespmem:s20+$0xFFFFFFC0];
	v20 =	vand.u32 $0x7E, v20;
	v36 =	vadd.s32 v0, v19;
	[tilespmem:v12+s22+$0x0] =	vst.idx.msk $0xffff, v9  }
0x56: {  	v37 =	vld [tilespmem:s20+$0x0];
	v38 =	vadd.s32 v0, v20;
	[tilespmem:v13+s22+$0x0] =	vst.idx.msk $0xffff, v11  }
0x57: {  	v41 =	vadd.s32 v2, v7;
	v40 =	vld [tilespmem:s15+$0xFFFFFFE0];
	[tilespmem:v6+s22+$0x0] =	vst.idx.msk $0xffff, v30  }
0x58: {  	v49 =	vadd.s32 v2, v5;
	v48 =	vld [tilespmem:s15+$0x20];
	[tilespmem:v34+s22+$0x0] =	vst.idx.msk $0xffff, v33  }
0x59: {  	v43 =	vadd.s32 v1, v31;
	[tilespmem:v39+s22+$0x0] =	vst.idx.msk $0xffff, v22;
	v14 =	vld [tilespmem:s20+$0x50]  }
0x5a: {  	v47 =	vadd.s32 v1, v21;
	[tilespmem:v36+s22+$0x0] =	vst.idx.msk $0xffff, v35;
	v46 =	vld [tilespmem:s20+$0xFFFFFF90]  }
0x5b: {  	v44 =	vadd.s32 v1, v19;
	[tilespmem:v38+s22+$0x0] =	vst.idx.msk $0xffff, v37;
	v10 =	vld [tilespmem:s20+$0xFFFFFFD0]  }
0x5c: {  	v45 =	vadd.s32 v1, v20;
	[tilespmem:v41+s22+$0x0] =	vst.idx.msk $0xffff, v40;
	v9 =	vld [tilespmem:s20+$0x10]  }
0x5d: {  	v8 =	vadd.s32 v3, v8;
	v42 =	vld [tilespmem:s15+$0x70];
	[tilespmem:v49+s22+$0x0] =	vst.idx.msk $0xffff, v48  }
0x5e: {  	v5 =	vadd.s32 v3, v5;
	v13 =	vld [tilespmem:s15+$0x30];
	[tilespmem:v43+s22+$0x0] =	vst.idx.msk $0xffff, v14  }
0x5f: {  	v52 =	vadd.s32 v2, v31;
	[tilespmem:v47+s22+$0x0] =	vst.idx.msk $0xffff, v46;
	v14 =	vld [tilespmem:s20+$0x60]  }
0x60: {  	v57 =	vadd.s32 v2, v21;
	[tilespmem:v44+s22+$0x0] =	vst.idx.msk $0xffff, v10;
	v56 =	vld [tilespmem:s20+$0xFFFFFFA0]  }
0x61: {  	v53 =	vadd.s32 v2, v19;
	[tilespmem:v45+s22+$0x0] =	vst.idx.msk $0xffff, v9;
	v10 =	vld [tilespmem:s20+$0xFFFFFFE0]  }
0x62: {  	v55 =	vadd.s32 v2, v20;
	[tilespmem:v8+s22+$0x0] =	vst.idx.msk $0xffff, v42;
	v54 =	vld [tilespmem:s20+$0x20]  }
0x63: {  	v4 =	vadd.s32 v3, v4;
	v58 =	vld [tilespmem:s15+$0xFFFFFFB0];
	[tilespmem:v5+s22+$0x0] =	vst.idx.msk $0xffff, v13  }
0x64: {  	v51 =	vadd.s32 v3, v7;
	v50 =	vld [tilespmem:s15+$0xFFFFFFF0];
	[tilespmem:v52+s22+$0x0] =	vst.idx.msk $0xffff, v14  }
0x65: {  	v60 =	vadd.s32 v3, v31;
	[tilespmem:v57+s22+$0x0] =	vst.idx.msk $0xffff, v56;
	v59 =	vld [tilespmem:s20+$0x70]  }
0x66: {  	v63 =	vadd.s32 v3, v21;
	[tilespmem:v53+s22+$0x0] =	vst.idx.msk $0xffff, v10;
	v5 =	vld [tilespmem:s20+$0xFFFFFFB0]  }
0x67: {  	v61 =	vadd.s32 v3, v19;
	[tilespmem:v55+s22+$0x0] =	vst.idx.msk $0xffff, v54;
	v10 =	vld [tilespmem:s20+$0xFFFFFFF0]  }
0x68: {  	v62 =	vadd.s32 v3, v20;
	[tilespmem:v4+s22+$0x0] =	vst.idx.msk $0xffff, v58;
	v6 =	vld [tilespmem:s20+$0x30]  }
0x69: {  	[tilespmem:v51+s22+$0x0] =	vst.idx.msk $0xffff, v50  }
0x6a: {  	p1 =	seq.s32 s12, $0x31;
	[tilespmem:v60+s22+$0x0] =	vst.idx.msk $0xffff, v59  }
0x6b: {  	s15 =	sshll.u32 @!p1 s17, $0x7;
	[tilespmem:v63+s22+$0x0] =	vst.idx.msk $0xffff, v5  }
0x6c: {  	s18 =	sshll.u32 s12, $0x14;
	s6 =	sadd.s32 @!p1 $0x200, s15;
	[tilespmem:v61+s22+$0x0] =	vst.idx.msk $0xffff, v10  }
0x6d: {  	s16 =	simm.s32 @!p1 $0x80;
	s17 =	simm.s32 @!p1 $0x6400;
	s6 =	sand.u32 @!p1 $0x3FFFFF80, s6;
	[tilespmem:v62+s22+$0x0] =	vst.idx.msk $0xffff, v6  }
0x6e: {  	[tilespmem:s17], [sflag:$0x1] =	stream.indirect.gather @!p1 [hbm4b:s5+s16], $0x40, s6, s16, $0xb8;
	[tilespmem:$0x16C00] =	vst v63  }
0x6f: {  	s6 =	sor.u32 s4, s18  }
0x70: {  	s16 =	sshrl.u32 s6, $0x3  }
0x71: {  	s19 =	simm.s32 $0xE400;
	s18 =	sadd.s32 s2, s16  }
0x72: {  	[hbm4b:s18+s3] =	stream.linear.scatter [tilespmem:s19], [sflag:$0x5], $0x80, $0x38;
	[tilespmem:$0x16C00] =	vst v63  }
0x73: {  	s20 =	simm.s32 $0xE488;
	s10 =	sadd.s32 $0x10, s18  }
0x74: {  	[hbm4b:s10+s3] =	stream.linear.scatter [tilespmem:s20], [sflag:$0x5], $0x80, $0x38;
	[tilespmem:$0x16C00] =	vst v63  }
0x75: {  	s17 =	simm.s32 $0xE510;
	s19 =	sadd.s32 $0x20, s18  }
0x76: {  	[hbm4b:s19+s3] =	stream.linear.scatter [tilespmem:s17], [sflag:$0x5], $0x80, $0x38;
	[tilespmem:$0x16C00] =	vst v63  }
0x77: {  	s20 =	simm.s32 $0xE598;
	s10 =	sadd.s32 $0x30, s18  }
0x78: {  	[hbm4b:s10+s3] =	stream.linear.scatter [tilespmem:s20], [sflag:$0x5], $0x80, $0x38;
	[tilespmem:$0x16C00] =	vst v63  }
0x79: {  	s17 =	simm.s32 $0xE620;
	s19 =	sadd.s32 $0x40, s18  }
0x7a: {  	[hbm4b:s19+s3] =	stream.linear.scatter [tilespmem:s17], [sflag:$0x5], $0x80, $0x38;
	[tilespmem:$0x16C00] =	vst v63  }
0x7b: {  	s6 =	simm.s32 $0xE7B8;
	s20 =	simm.s32 $0xE6A8;
	s10 =	sadd.s32 $0x50, s18  }
0x7c: {  	[hbm4b:s10+s3] =	stream.linear.scatter [tilespmem:s20], [sflag:$0x5], $0x80, $0x38;
	[tilespmem:$0x16C00] =	vst v63  }
0x7d: {  	s19 =	simm.s32 $0xE730;
	s17 =	simm.s32 $0x440;
	s20 =	sadd.s32 $0x60, s18  }
0x7e: {  	[hbm4b:s20+s3] =	stream.linear.scatter [tilespmem:s19], [sflag:$0x5], $0x80, $0x38;
	[tilespmem:$0x16C00] =	vst v63  }
0x7f: {  	s19 =	simm.s32 $0x2200;
	s20 =	sadd.s32 $0x70, s18;
	s18 =	sadd.s32 $0x1000, s18  }
.LBB2_5:
0x80: {  	[hbm4b:s20+s3] =	stream.linear.scatter [tilespmem:s6], [sflag:$0x5], $0x80, $0x38;
	[tilespmem:$0x16C00] =	vst v63  }
0x81: {  	s6 =	smov.u32 s17;
	s17 =	smov.u32 s19  }
0x82: {  	s10 =	sadd.s32 $0x1100, s19;
	s17 =	sshra.s32 s17, $0x2;
	s20 =	sadd.s32 $0xE400, s6  }
0x83: {  	[hbm4b:s18+s3] =	stream.linear.scatter [tilespmem:s20], [sflag:$0x5], $0x80, $0x38;
	[tilespmem:$0x16C00] =	vst v63  }
0x84: {  	p2 =	sne.s32 s19, $0x7700;
	s19 =	sadd.s32 $0xE488, s6;
	s20 =	sadd.s32 $0x10, s18  }
0x85: {  	[hbm4b:s20+s3] =	stream.linear.scatter [tilespmem:s19], [sflag:$0x5], $0x80, $0x38;
	[tilespmem:$0x16C00] =	vst v63  }
0x86: {  	s19 =	sadd.s32 $0xE510, s6;
	s20 =	sadd.s32 $0x20, s18  }
0x87: {  	[hbm4b:s20+s3] =	stream.linear.scatter [tilespmem:s19], [sflag:$0x5], $0x80, $0x38;
	[tilespmem:$0x16C00] =	vst v63  }
0x88: {  	s19 =	sadd.s32 $0xE598, s6;
	s20 =	sadd.s32 $0x30, s18  }
0x89: {  	[hbm4b:s20+s3] =	stream.linear.scatter [tilespmem:s19], [sflag:$0x5], $0x80, $0x38;
	[tilespmem:$0x16C00] =	vst v63  }
0x8a: {  	s19 =	sadd.s32 $0xE620, s6;
	s20 =	sadd.s32 $0x40, s18  }
0x8b: {  	[hbm4b:s20+s3] =	stream.linear.scatter [tilespmem:s19], [sflag:$0x5], $0x80, $0x38;
	[tilespmem:$0x16C00] =	vst v63  }
.Ltmp1:
0x8c: {  	s19 =	sadd.s32 $0xE6A8, s6;
	s20 =	sadd.s32 $0x50, s18;
	(pc) =	sbr.rel @p2 .LBB2_5-.Ltmp1, $4  }
0x8d: {  	[hbm4b:s20+s3] =	stream.linear.scatter [tilespmem:s19], [sflag:$0x5], $0x80, $0x38;
	[tilespmem:$0x16C00] =	vst v63  }
0x8e: {  	s19 =	sadd.s32 $0xE730, s6;
	s20 =	sadd.s32 $0x60, s18;
	s6 =	sadd.s32 $0xE7B8, s6  }
0x8f: {  	[hbm4b:s20+s3] =	stream.linear.scatter [tilespmem:s19], [sflag:$0x5], $0x80, $0x38;
	[tilespmem:$0x16C00] =	vst v63  }
0x90: {  	s20 =	sadd.s32 $0x70, s18;
	s18 =	sadd.s32 $0x1000, s18;
	s19 =	smov.u32 s10  }
0x91: {  	[hbm4b:s20+s3] =	stream.linear.scatter [tilespmem:s6], [sflag:$0x5], $0x80, $0x38;
	[tilespmem:$0x16C00] =	vst v63  }
0x92: {  	s19 =	sadd.s32 $0xE400, s17  }
0x93: {  	[hbm4b:s18+s3] =	stream.linear.scatter [tilespmem:s19], [sflag:$0x5], $0x80, $0x38;
	[tilespmem:$0x16C00] =	vst v63  }
0x94: {  	s20 =	sadd.s32 $0xE488, s17;
	s10 =	sadd.s32 $0x10, s18  }
0x95: {  	[hbm4b:s10+s3] =	stream.linear.scatter [tilespmem:s20], [sflag:$0x5], $0x80, $0x38;
	[tilespmem:$0x16C00] =	vst v63  }
0x96: {  	s19 =	sadd.s32 $0xE510, s17;
	s20 =	sadd.s32 $0x20, s18  }
0x97: {  	[hbm4b:s20+s3] =	stream.linear.scatter [tilespmem:s19], [sflag:$0x5], $0x80, $0x38;
	[tilespmem:$0x16C00] =	vst v63  }
0x98: {  	s19 =	sadd.s32 $0xE598, s17;
	s20 =	sadd.s32 $0x30, s18  }
0x99: {  	[hbm4b:s20+s3] =	stream.linear.scatter [tilespmem:s19], [sflag:$0x5], $0x80, $0x38;
	[tilespmem:$0x16C00] =	vst v63  }
0x9a: {  	s19 =	sadd.s32 $0xE620, s17;
	s20 =	sadd.s32 $0x40, s18  }
0x9b: {  	[hbm4b:s20+s3] =	stream.linear.scatter [tilespmem:s19], [sflag:$0x5], $0x80, $0x38;
	[tilespmem:$0x16C00] =	vst v63  }
0x9c: {  	s19 =	sadd.s32 $0xE6A8, s17;
	s20 =	sadd.s32 $0x50, s18  }
0x9d: {  	[hbm4b:s20+s3] =	stream.linear.scatter [tilespmem:s19], [sflag:$0x5], $0x80, $0x38;
	[tilespmem:$0x16C00] =	vst v63  }
0x9e: {  	s19 =	sadd.s32 $0xE730, s17;
	s20 =	sadd.s32 $0x60, s18  }
0x9f: {  	[hbm4b:s20+s3] =	stream.linear.scatter [tilespmem:s19], [sflag:$0x5], $0x80, $0x38;
	[tilespmem:$0x16C00] =	vst v63  }
0xa0: {  	s17 =	sadd.s32 $0xE7B8, s17;
	s19 =	sadd.s32 $0x70, s18  }
0xa1: {  	[hbm4b:s19+s3] =	stream.linear.scatter [tilespmem:s17], [sflag:$0x5], $0x80, $0x38;
	[tilespmem:$0x16C00] =	vst v63  }
0xa2: {  	_ =	swait.ge [sflag:s23], $0x2000  }
0xa3: {  	[sflag:s23] =	ssyncset.done $0x0  }
0xa4: {  	s6 =	simm.s32 @!p0 $0x6;
	[sflag:s23] =	ssyncadd.s32 $0xFFFFE000  }
0xa5: {  	s20 =	simm.s32 $0x3;
	_ =	swait.ge @!p0 [sflag:s6], $0x2000  }
0xa6: {  	v4 =	vmov s20;
	s17 =	simm.s32 $0x0;
	[sflag:s6] =	ssyncset.done @!p0 $0x0  }
0xa7: {  	s18 =	simm.s32 $0x84F0;
	v5 =	vand.u32 $0x7F, v4;
	s19 =	simm.s32 $0x1;
	v4 =	vmov s17;
	[sflag:s6] =	ssyncadd.s32 @!p0 $0xFFFFE000  }
0xa8: {  	v8 =	vadd.s32 v0, v5;
	v6 =	vand.u32 $0x7C, v4;
	v4 =	vmov s19;
	v7 =	vld [tilespmem:s18+$0xFFFFFFD0]  }
0xa9: {  	v10 =	vadd.s32 v0, v6;
	v11 =	vand.u32 $0x7D, v4;
	v9 =	vld [tilespmem:s18+$0xFFFFFF10]  }
0xaa: {  	s20 =	simm.s32 $0x2;
	v12 =	vadd.s32 v0, v11;
	v4 =	vld [tilespmem:s18+$0xFFFFFF50]  }
0xab: {  	v13 =	vmov s20  }
0xac: {  	v13 =	vand.u32 $0x7E, v13  }
0xad: {  	v15 =	vadd.s32 v0, v13;
	v14 =	vld [tilespmem:s18+$0xFFFFFF90];
	[tilespmem:v8+s24+$0x0] =	vst.idx.msk $0xffff, v7  }
0xae: {  	v8 =	vadd.s32 v1, v5;
	[tilespmem:v10+s24+$0x0] =	vst.idx.msk $0xffff, v9;
	v7 =	vld [tilespmem:s18+$0xFFFFFFE0]  }
0xaf: {  	v10 =	vadd.s32 v1, v6;
	[tilespmem:v12+s24+$0x0] =	vst.idx.msk $0xffff, v4;
	v9 =	vld [tilespmem:s18+$0xFFFFFF20]  }
0xb0: {  	v12 =	vadd.s32 v1, v11;
	v4 =	vld [tilespmem:s18+$0xFFFFFF60];
	_ =	sdelay $0x1  }
0xb1: {  	[tilespmem:v15+s24+$0x0] =	vst.idx.msk $0xffff, v14  }
0xb2: {  	v16 =	vadd.s32 v1, v13;
	v15 =	vld [tilespmem:s18+$0xFFFFFFA0];
	[tilespmem:v8+s24+$0x0] =	vst.idx.msk $0xffff, v7  }
0xb3: {  	s10 =	simm.s32 $0x7;
	v14 =	vadd.s32 v2, v5;
	[tilespmem:v10+s24+$0x0] =	vst.idx.msk $0xffff, v9;
	v7 =	vld [tilespmem:s18+$0xFFFFFFF0]  }
0xb4: {  	s17 =	simm.s32 $0x4;
	v10 =	vadd.s32 v2, v6;
	v8 =	vmov s10;
	[tilespmem:v12+s24+$0x0] =	vst.idx.msk $0xffff, v4;
	v9 =	vld [tilespmem:s18+$0xFFFFFF30]  }
0xb5: {  	v17 =	vadd.s32 v2, v11;
	v4 =	vmov s17;
	s17 =	simm.s32 $0x85F0;
	v8 =	vand.u32 $0x7F, v8;
	v12 =	vld [tilespmem:s18+$0xFFFFFF70]  }
0xb6: {  	v18 =	vld [tilespmem:s17+$0xFFFFFFD0];
	v19 =	vadd.s32 v0, v8  }
0xb7: {  	s19 =	simm.s32 $0x5;
	[tilespmem:v16+s24+$0x0] =	vst.idx.msk $0xffff, v15  }
0xb8: {  	v22 =	vmov s19;
	v4 =	vand.u32 $0x7C, v4;
	[tilespmem:v14+s24+$0x0] =	vst.idx.msk $0xffff, v7  }
0xb9: {  	s20 =	simm.s32 $0x6;
	v20 =	vld [tilespmem:s17+$0xFFFFFF10];
	v21 =	vadd.s32 v0, v4;
	v7 =	vand.u32 $0x7D, v22;
	[tilespmem:v10+s24+$0x0] =	vst.idx.msk $0xffff, v9  }
0xba: {  	v14 =	vmov s20;
	v9 =	vld [tilespmem:s17+$0xFFFFFF50];
	[tilespmem:v17+s24+$0x0] =	vst.idx.msk $0xffff, v12;
	v10 =	vadd.s32 v0, v7  }
0xbb: {  	v16 =	vadd.s32 v3, v5;
	v12 =	vld [tilespmem:s18+$0xFFFFFFB0];
	v5 =	vand.u32 $0x7E, v14;
	[tilespmem:v19+s24+$0x0] =	vst.idx.msk $0xffff, v18;
	v18 =	vadd.s32 v2, v13  }
0xbc: {  	v14 =	vld [tilespmem:s17+$0xFFFFFF90];
	v63 =	vadd.s32 v0, v5  }
0xbd: {  	v15 =	vld [tilespmem:s18+$0x0]  }
0xbe: {  	[tilespmem:v21+s24+$0x0] =	vst.idx.msk $0xffff, v20;
	v20 =	vadd.s32 v1, v8;
	v19 =	vld [tilespmem:s17+$0xFFFFFFE0]  }
0xbf: {  	v23 =	vadd.s32 v1, v4;
	v21 =	vld [tilespmem:s17+$0xFFFFFF20];
	[tilespmem:v10+s24+$0x0] =	vst.idx.msk $0xffff, v9  }
0xc0: {  	v25 =	vadd.s32 v3, v11;
	v24 =	vld [tilespmem:s18+$0xFFFFFF80];
	[tilespmem:v18+s24+$0x0] =	vst.idx.msk $0xffff, v12  }
0xc1: {  	v18 =	vadd.s32 v1, v7;
	v17 =	vld [tilespmem:s17+$0xFFFFFF60];
	[tilespmem:v63+s24+$0x0] =	vst.idx.msk $0xffff, v14  }
0xc2: {  	[tilespmem:v16+s24+$0x0] =	vst.idx.msk $0xffff, v15;
	v16 =	vadd.s32 v1, v5;
	v15 =	vld [tilespmem:s17+$0xFFFFFFA0]  }
0xc3: {  	[tilespmem:v20+s24+$0x0] =	vst.idx.msk $0xffff, v19;
	v11 =	vld [tilespmem:s18+$0xFFFFFFC0];
	v14 =	vadd.s32 v3, v13  }
0xc4: {  	v12 =	vadd.s32 v2, v8;
	[tilespmem:v23+s24+$0x0] =	vst.idx.msk $0xffff, v21;
	v9 =	vld [tilespmem:s17+$0xFFFFFFF0]  }
0xc5: {  	s19 =	simm.s32 $0x8;
	s6 =	simm.s32 $0xB;
	s20 =	simm.s32 $0xC;
	[tilespmem:v25+s24+$0x0] =	vst.idx.msk $0xffff, v24;
	v13 =	vadd.s32 v2, v4;
	v10 =	vld [tilespmem:s17+$0xFFFFFF30]  }
.LBB2_7:
0xc6: {  	p2 =	slt.u32 s20, $0x7C;
	v19 =	vmov s6;
	[tilespmem:v18+s24+$0x0] =	vst.idx.msk $0xffff, v17;
	v17 =	vld [tilespmem:s18+$0xFFFFFF40];
	v18 =	vadd.s32 v3, v6;
	v6 =	vmov v4;
	s18 =	smov.u32 s17  }
0xc7: {  	v4 =	vmov s19;
	v21 =	vadd.s32 v2, v7;
	s17 =	sadd.s32 $0x100, s17;
	v19 =	vand.u32 $0x7F, v19;
	v20 =	vld [tilespmem:s18+$0xFFFFFF70];
	[tilespmem:v16+s24+$0x0] =	vst.idx.msk $0xffff, v15  }
0xc8: {  	s6 =	sadd.s32 $0x1, s19;
	v4 =	vand.u32 $0x7C, v4;
	v15 =	vld [tilespmem:s17+$0xFFFFFFD0];
	v16 =	vadd.s32 v0, v19;
	[tilespmem:v14+s24+$0x0] =	vst.idx.msk $0xffff, v11  }
0xc9: {  	v22 =	vmov s6;
	s6 =	sadd.s32 $0x2, s19;
	s19 =	smov.u32 s20;
	v14 =	vadd.s32 v0, v4;
	v11 =	vld [tilespmem:s17+$0xFFFFFF10];
	[tilespmem:v12+s24+$0x0] =	vst.idx.msk $0xffff, v9  }
0xca: {  	v9 =	vand.u32 $0x7D, v22;
	v12 =	vmov s6;
	[tilespmem:v13+s24+$0x0] =	vst.idx.msk $0xffff, v10;
	v10 =	vld [tilespmem:s18+$0x0];
	v13 =	vadd.s32 v3, v8;
	v8 =	vmovc v19  }
0xcb: {  	v22 =	vadd.s32 v0, v9;
	v12 =	vand.u32 $0x7E, v12;
	v19 =	vld [tilespmem:s17+$0xFFFFFF50];
	[tilespmem:v18+s24+$0x0] =	vst.idx.msk $0xffff, v17  }
0xcc: {  	v24 =	vadd.s32 v0, v12;
	v23 =	vld [tilespmem:s17+$0xFFFFFF90];
	[tilespmem:v21+s24+$0x0] =	vst.idx.msk $0xffff, v20  }
0xcd: {  	v21 =	vadd.s32 v2, v5;
	[tilespmem:v16+s24+$0x0] =	vst.idx.msk $0xffff, v15;
	v20 =	vld [tilespmem:s18+$0xFFFFFFB0]  }
0xce: {  	[tilespmem:v14+s24+$0x0] =	vst.idx.msk $0xffff, v11;
	v11 =	vld [tilespmem:s17+$0xFFFFFFE0];
	v14 =	vadd.s32 v1, v8  }
0xcf: {  	v26 =	vadd.s32 v1, v4;
	v25 =	vld [tilespmem:s17+$0xFFFFFF20];
	[tilespmem:v13+s24+$0x0] =	vst.idx.msk $0xffff, v10  }
0xd0: {  	[tilespmem:v22+s24+$0x0] =	vst.idx.msk $0xffff, v19;
	v19 =	vld [tilespmem:s18+$0xFFFFFF80];
	v22 =	vadd.s32 v3, v7;
	v7 =	vmov v9  }
.Ltmp2:
0xd1: {  	v17 =	vld [tilespmem:s17+$0xFFFFFF60];
	v18 =	vadd.s32 v1, v7;
	[tilespmem:v24+s24+$0x0] =	vst.idx.msk $0xffff, v23;
	(pc) =	sbr.rel @p2 .LBB2_7-.Ltmp2, $4  }
0xd2: {  	v16 =	vadd.s32 v1, v12;
	v15 =	vld [tilespmem:s17+$0xFFFFFFA0];
	[tilespmem:v21+s24+$0x0] =	vst.idx.msk $0xffff, v20  }
0xd3: {  	[tilespmem:v14+s24+$0x0] =	vst.idx.msk $0xffff, v11;
	v11 =	vld [tilespmem:s18+$0xFFFFFFC0];
	v14 =	vadd.s32 v3, v5;
	v5 =	vmov v12  }
0xd4: {  	v12 =	vadd.s32 v2, v8;
	[tilespmem:v26+s24+$0x0] =	vst.idx.msk $0xffff, v25;
	v9 =	vld [tilespmem:s17+$0xFFFFFFF0]  }
0xd5: {  	s20 =	sadd.s32 $0x4, s20;
	s6 =	sadd.s32 $0x3, s19;
	v13 =	vadd.s32 v2, v4;
	v10 =	vld [tilespmem:s17+$0xFFFFFF30];
	[tilespmem:v22+s24+$0x0] =	vst.idx.msk $0xffff, v19  }
0xd6: {  	_ =	sdelay $0x2  }
0xd7: {  	v19 =	vmov s6  }
0xd8: {  	s10 =	sadd.s32 $0x1, s19;
	[tilespmem:v18+s24+$0x0] =	vst.idx.msk $0xffff, v17;
	v30 =	vld [tilespmem:s18+$0xFFFFFF40];
	v6 =	vadd.s32 v3, v6;
	s20 =	sadd.s32 $0x100, s17;
	v21 =	vmov s19;
	v31 =	vand.u32 $0x7F, v19  }
0xd9: {  	v32 =	vmov s10;
	s10 =	sadd.s32 $0x2, s19;
	[tilespmem:v16+s24+$0x0] =	vst.idx.msk $0xffff, v15;
	v33 =	vld [tilespmem:s20+$0xFFFFFFD0];
	v21 =	vand.u32 $0x7C, v21;
	v34 =	vadd.s32 v0, v31  }
0xda: {  	v22 =	vld [tilespmem:s20+$0xFFFFFF10];
	v19 =	vand.u32 $0x7D, v32;
	v20 =	vmov s10;
	[tilespmem:v14+s24+$0x0] =	vst.idx.msk $0xffff, v11;
	v39 =	vadd.s32 v0, v21  }
0xdb: {  	v35 =	vld [tilespmem:s20+$0xFFFFFF50];
	v36 =	vadd.s32 v0, v19;
	v20 =	vand.u32 $0x7E, v20;
	[tilespmem:v12+s24+$0x0] =	vst.idx.msk $0xffff, v9  }
0xdc: {  	v37 =	vld [tilespmem:s20+$0xFFFFFF90];
	v38 =	vadd.s32 v0, v20;
	[tilespmem:v13+s24+$0x0] =	vst.idx.msk $0xffff, v10  }
0xdd: {  	v41 =	vadd.s32 v2, v7;
	v40 =	vld [tilespmem:s17+$0xFFFFFF70];
	[tilespmem:v6+s24+$0x0] =	vst.idx.msk $0xffff, v30  }
0xde: {  	v49 =	vadd.s32 v2, v5;
	v48 =	vld [tilespmem:s17+$0xFFFFFFB0];
	[tilespmem:v34+s24+$0x0] =	vst.idx.msk $0xffff, v33  }
0xdf: {  	v43 =	vadd.s32 v1, v31;
	[tilespmem:v39+s24+$0x0] =	vst.idx.msk $0xffff, v22;
	v15 =	vld [tilespmem:s20+$0xFFFFFFE0]  }
0xe0: {  	v47 =	vadd.s32 v1, v21;
	[tilespmem:v36+s24+$0x0] =	vst.idx.msk $0xffff, v35;
	v46 =	vld [tilespmem:s20+$0xFFFFFF20]  }
0xe1: {  	v44 =	vadd.s32 v1, v19;
	v11 =	vld [tilespmem:s20+$0xFFFFFF60];
	[tilespmem:v38+s24+$0x0] =	vst.idx.msk $0xffff, v37  }
0xe2: {  	v45 =	vadd.s32 v1, v20;
	[tilespmem:v41+s24+$0x0] =	vst.idx.msk $0xffff, v40;
	v9 =	vld [tilespmem:s20+$0xFFFFFFA0]  }
0xe3: {  	v8 =	vadd.s32 v3, v8;
	v42 =	vld [tilespmem:s17+$0x0];
	[tilespmem:v49+s24+$0x0] =	vst.idx.msk $0xffff, v48  }
0xe4: {  	v5 =	vadd.s32 v3, v5;
	v13 =	vld [tilespmem:s17+$0xFFFFFFC0];
	[tilespmem:v43+s24+$0x0] =	vst.idx.msk $0xffff, v15  }
0xe5: {  	v52 =	vadd.s32 v2, v31;
	[tilespmem:v47+s24+$0x0] =	vst.idx.msk $0xffff, v46;
	v15 =	vld [tilespmem:s20+$0xFFFFFFF0]  }
0xe6: {  	v57 =	vadd.s32 v2, v21;
	[tilespmem:v44+s24+$0x0] =	vst.idx.msk $0xffff, v11;
	v56 =	vld [tilespmem:s20+$0xFFFFFF30]  }
0xe7: {  	v53 =	vadd.s32 v2, v19;
	v11 =	vld [tilespmem:s20+$0xFFFFFF70];
	[tilespmem:v45+s24+$0x0] =	vst.idx.msk $0xffff, v9  }
0xe8: {  	v55 =	vadd.s32 v2, v20;
	[tilespmem:v8+s24+$0x0] =	vst.idx.msk $0xffff, v42;
	v54 =	vld [tilespmem:s20+$0xFFFFFFB0]  }
0xe9: {  	v4 =	vadd.s32 v3, v4;
	v58 =	vld [tilespmem:s17+$0xFFFFFF40];
	[tilespmem:v5+s24+$0x0] =	vst.idx.msk $0xffff, v13  }
0xea: {  	v51 =	vadd.s32 v3, v7;
	v50 =	vld [tilespmem:s17+$0xFFFFFF80];
	[tilespmem:v52+s24+$0x0] =	vst.idx.msk $0xffff, v15  }
0xeb: {  	v60 =	vadd.s32 v3, v31;
	[tilespmem:v57+s24+$0x0] =	vst.idx.msk $0xffff, v56;
	v59 =	vld [tilespmem:s20+$0x0]  }
0xec: {  	v63 =	vadd.s32 v3, v21;
	[tilespmem:v53+s24+$0x0] =	vst.idx.msk $0xffff, v11;
	v5 =	vld [tilespmem:s20+$0xFFFFFF40]  }
0xed: {  	v61 =	vadd.s32 v3, v19;
	v11 =	vld [tilespmem:s20+$0xFFFFFF80];
	[tilespmem:v55+s24+$0x0] =	vst.idx.msk $0xffff, v54  }
0xee: {  	v62 =	vadd.s32 v3, v20;
	[tilespmem:v4+s24+$0x0] =	vst.idx.msk $0xffff, v58;
	v6 =	vld [tilespmem:s20+$0xFFFFFFC0]  }
0xef: {  	[tilespmem:v51+s24+$0x0] =	vst.idx.msk $0xffff, v50  }
0xf0: {  	[tilespmem:v60+s24+$0x0] =	vst.idx.msk $0xffff, v59  }
0xf1: {  	[tilespmem:v63+s24+$0x0] =	vst.idx.msk $0xffff, v5  }
0xf2: {  	s6 =	sadd.s32 @!p1 $0x280, s15;
	[tilespmem:v61+s24+$0x0] =	vst.idx.msk $0xffff, v11  }
0xf3: {  	s6 =	sand.u32 @!p1 $0x3FFFFF80, s6;
	s10 =	simm.s32 @!p1 $0x80;
	s17 =	simm.s32 @!p1 $0x8400;
	[tilespmem:v62+s24+$0x0] =	vst.idx.msk $0xffff, v6  }
0xf4: {  	[tilespmem:s17], [sflag:$0x2] =	stream.indirect.gather @!p1 [hbm4b:s5+s10], $0x40, s6, s10, $0xb8;
	[tilespmem:$0x16C00] =	vst v63  }
0xf5: {  	s20 =	simm.s32 $0x10600;
	s10 =	sadd.s32 s16, s7  }
0xf6: {  	[hbm4b:s10+s3] =	stream.linear.scatter [tilespmem:s20], [sflag:$0x6], $0x80, $0x38;
	[tilespmem:$0x16C00] =	vst v63  }
0xf7: {  	s17 =	simm.s32 $0x10688;
	s18 =	sadd.s32 $0x10, s10  }
0xf8: {  	[hbm4b:s18+s3] =	stream.linear.scatter [tilespmem:s17], [sflag:$0x6], $0x80, $0x38;
	[tilespmem:$0x16C00] =	vst v63  }
0xf9: {  	s19 =	simm.s32 $0x10710;
	s20 =	sadd.s32 $0x20, s10  }
0xfa: {  	[hbm4b:s20+s3] =	stream.linear.scatter [tilespmem:s19], [sflag:$0x6], $0x80, $0x38;
	[tilespmem:$0x16C00] =	vst v63  }
0xfb: {  	s17 =	simm.s32 $0x10798;
	s18 =	sadd.s32 $0x30, s10  }
0xfc: {  	[hbm4b:s18+s3] =	stream.linear.scatter [tilespmem:s17], [sflag:$0x6], $0x80, $0x38;
	[tilespmem:$0x16C00] =	vst v63  }
0xfd: {  	s19 =	simm.s32 $0x10820;
	s20 =	sadd.s32 $0x40, s10  }
0xfe: {  	[hbm4b:s20+s3] =	stream.linear.scatter [tilespmem:s19], [sflag:$0x6], $0x80, $0x38;
	[tilespmem:$0x16C00] =	vst v63  }
0xff: {  	s6 =	simm.s32 $0x109B8;
	s17 =	simm.s32 $0x108A8;
	s18 =	sadd.s32 $0x50, s10  }
0x100: {  	[hbm4b:s18+s3] =	stream.linear.scatter [tilespmem:s17], [sflag:$0x6], $0x80, $0x38;
	[tilespmem:$0x16C00] =	vst v63  }
0x101: {  	s19 =	simm.s32 $0x10930;
	s20 =	sadd.s32 $0x60, s10;
	s17 =	simm.s32 $0x440  }
0x102: {  	[hbm4b:s20+s3] =	stream.linear.scatter [tilespmem:s19], [sflag:$0x6], $0x80, $0x38;
	[tilespmem:$0x16C00] =	vst v63  }
0x103: {  	s18 =	sadd.s32 $0x1000, s10;
	s19 =	simm.s32 $0x2200;
	s20 =	sadd.s32 $0x70, s10  }
.LBB2_9:
0x104: {  	[hbm4b:s20+s3] =	stream.linear.scatter [tilespmem:s6], [sflag:$0x6], $0x80, $0x38;
	[tilespmem:$0x16C00] =	vst v63  }
0x105: {  	s6 =	smov.u32 s17;
	s10 =	smov.u32 s19  }
0x106: {  	s17 =	sshra.s32 s10, $0x2;
	s10 =	sadd.s32 $0x1100, s19;
	s20 =	sadd.s32 $0x10600, s6  }
0x107: {  	[hbm4b:s18+s3] =	stream.linear.scatter [tilespmem:s20], [sflag:$0x6], $0x80, $0x38;
	[tilespmem:$0x16C00] =	vst v63  }
0x108: {  	p2 =	sne.s32 s19, $0x7700;
	s19 =	sadd.s32 $0x10688, s6;
	s20 =	sadd.s32 $0x10, s18  }
0x109: {  	[hbm4b:s20+s3] =	stream.linear.scatter [tilespmem:s19], [sflag:$0x6], $0x80, $0x38;
	[tilespmem:$0x16C00] =	vst v63  }
0x10a: {  	s19 =	sadd.s32 $0x10710, s6;
	s20 =	sadd.s32 $0x20, s18  }
0x10b: {  	[hbm4b:s20+s3] =	stream.linear.scatter [tilespmem:s19], [sflag:$0x6], $0x80, $0x38;
	[tilespmem:$0x16C00] =	vst v63  }
0x10c: {  	s19 =	sadd.s32 $0x10798, s6;
	s20 =	sadd.s32 $0x30, s18  }
0x10d: {  	[hbm4b:s20+s3] =	stream.linear.scatter [tilespmem:s19], [sflag:$0x6], $0x80, $0x38;
	[tilespmem:$0x16C00] =	vst v63  }
0x10e: {  	s19 =	sadd.s32 $0x10820, s6;
	s20 =	sadd.s32 $0x40, s18  }
0x10f: {  	[hbm4b:s20+s3] =	stream.linear.scatter [tilespmem:s19], [sflag:$0x6], $0x80, $0x38;
	[tilespmem:$0x16C00] =	vst v63  }
.Ltmp3:
0x110: {  	s19 =	sadd.s32 $0x108A8, s6;
	s20 =	sadd.s32 $0x50, s18;
	(pc) =	sbr.rel @p2 .LBB2_9-.Ltmp3, $4  }
0x111: {  	[hbm4b:s20+s3] =	stream.linear.scatter [tilespmem:s19], [sflag:$0x6], $0x80, $0x38;
	[tilespmem:$0x16C00] =	vst v63  }
0x112: {  	s19 =	sadd.s32 $0x10930, s6;
	s20 =	sadd.s32 $0x60, s18;
	s6 =	sadd.s32 $0x109B8, s6  }
0x113: {  	[hbm4b:s20+s3] =	stream.linear.scatter [tilespmem:s19], [sflag:$0x6], $0x80, $0x38;
	[tilespmem:$0x16C00] =	vst v63  }
0x114: {  	s20 =	sadd.s32 $0x70, s18;
	s18 =	sadd.s32 $0x1000, s18;
	s19 =	smov.u32 s10  }
0x115: {  	[hbm4b:s20+s3] =	stream.linear.scatter [tilespmem:s6], [sflag:$0x6], $0x80, $0x38;
	[tilespmem:$0x16C00] =	vst v63  }
0x116: {  	s19 =	sadd.s32 $0x10600, s17  }
0x117: {  	[hbm4b:s18+s3] =	stream.linear.scatter [tilespmem:s19], [sflag:$0x6], $0x80, $0x38;
	[tilespmem:$0x16C00] =	vst v63  }
0x118: {  	s20 =	sadd.s32 $0x10688, s17;
	s10 =	sadd.s32 $0x10, s18  }
0x119: {  	[hbm4b:s10+s3] =	stream.linear.scatter [tilespmem:s20], [sflag:$0x6], $0x80, $0x38;
	[tilespmem:$0x16C00] =	vst v63  }
0x11a: {  	s19 =	sadd.s32 $0x10710, s17;
	s20 =	sadd.s32 $0x20, s18  }
0x11b: {  	[hbm4b:s20+s3] =	stream.linear.scatter [tilespmem:s19], [sflag:$0x6], $0x80, $0x38;
	[tilespmem:$0x16C00] =	vst v63  }
0x11c: {  	s19 =	sadd.s32 $0x10798, s17;
	s20 =	sadd.s32 $0x30, s18  }
0x11d: {  	[hbm4b:s20+s3] =	stream.linear.scatter [tilespmem:s19], [sflag:$0x6], $0x80, $0x38;
	[tilespmem:$0x16C00] =	vst v63  }
0x11e: {  	s19 =	sadd.s32 $0x10820, s17;
	s20 =	sadd.s32 $0x40, s18  }
0x11f: {  	[hbm4b:s20+s3] =	stream.linear.scatter [tilespmem:s19], [sflag:$0x6], $0x80, $0x38;
	[tilespmem:$0x16C00] =	vst v63  }
0x120: {  	s19 =	sadd.s32 $0x108A8, s17;
	s20 =	sadd.s32 $0x50, s18  }
0x121: {  	[hbm4b:s20+s3] =	stream.linear.scatter [tilespmem:s19], [sflag:$0x6], $0x80, $0x38;
	[tilespmem:$0x16C00] =	vst v63  }
0x122: {  	s19 =	sadd.s32 $0x10930, s17;
	s20 =	sadd.s32 $0x60, s18  }
0x123: {  	[hbm4b:s20+s3] =	stream.linear.scatter [tilespmem:s19], [sflag:$0x6], $0x80, $0x38;
	[tilespmem:$0x16C00] =	vst v63  }
0x124: {  	s17 =	sadd.s32 $0x109B8, s17;
	s19 =	sadd.s32 $0x70, s18  }
0x125: {  	[hbm4b:s19+s3] =	stream.linear.scatter [tilespmem:s17], [sflag:$0x6], $0x80, $0x38;
	[tilespmem:$0x16C00] =	vst v63  }
0x126: {  	_ =	swait.ge [sflag:s25], $0x2000  }
0x127: {  	[sflag:s25] =	ssyncset.done $0x0  }
0x128: {  	s6 =	simm.s32 @!p0 $0x7;
	[sflag:s25] =	ssyncadd.s32 $0xFFFFE000  }
0x129: {  	s20 =	simm.s32 $0x3;
	_ =	swait.ge @!p0 [sflag:s6], $0x2000  }
0x12a: {  	v4 =	vmov s20;
	s17 =	simm.s32 $0x0;
	[sflag:s6] =	ssyncset.done @!p0 $0x0  }
0x12b: {  	s18 =	simm.s32 $0xA4F0;
	v5 =	vand.u32 $0x7F, v4;
	s19 =	simm.s32 $0x1;
	v4 =	vmov s17;
	[sflag:s6] =	ssyncadd.s32 @!p0 $0xFFFFE000  }
0x12c: {  	v8 =	vadd.s32 v0, v5;
	v6 =	vand.u32 $0x7C, v4;
	v4 =	vmov s19;
	v7 =	vld [tilespmem:s18+$0xFFFFFFD0]  }
0x12d: {  	v10 =	vadd.s32 v0, v6;
	v11 =	vand.u32 $0x7D, v4;
	v9 =	vld [tilespmem:s18+$0xFFFFFF10]  }
0x12e: {  	s20 =	simm.s32 $0x2;
	v12 =	vadd.s32 v0, v11;
	v4 =	vld [tilespmem:s18+$0xFFFFFF50]  }
0x12f: {  	v13 =	vmov s20  }
0x130: {  	v13 =	vand.u32 $0x7E, v13  }
0x131: {  	v15 =	vadd.s32 v0, v13;
	v14 =	vld [tilespmem:s18+$0xFFFFFF90];
	[tilespmem:v8+s26+$0x0] =	vst.idx.msk $0xffff, v7  }
0x132: {  	v8 =	vadd.s32 v1, v5;
	[tilespmem:v10+s26+$0x0] =	vst.idx.msk $0xffff, v9;
	v7 =	vld [tilespmem:s18+$0xFFFFFFE0]  }
0x133: {  	v10 =	vadd.s32 v1, v6;
	[tilespmem:v12+s26+$0x0] =	vst.idx.msk $0xffff, v4;
	v9 =	vld [tilespmem:s18+$0xFFFFFF20]  }
0x134: {  	v12 =	vadd.s32 v1, v11;
	v4 =	vld [tilespmem:s18+$0xFFFFFF60];
	_ =	sdelay $0x1  }
0x135: {  	[tilespmem:v15+s26+$0x0] =	vst.idx.msk $0xffff, v14  }
0x136: {  	v16 =	vadd.s32 v1, v13;
	v15 =	vld [tilespmem:s18+$0xFFFFFFA0];
	[tilespmem:v8+s26+$0x0] =	vst.idx.msk $0xffff, v7  }
0x137: {  	s10 =	simm.s32 $0x7;
	v14 =	vadd.s32 v2, v5;
	[tilespmem:v10+s26+$0x0] =	vst.idx.msk $0xffff, v9;
	v7 =	vld [tilespmem:s18+$0xFFFFFFF0]  }
0x138: {  	s17 =	simm.s32 $0x4;
	v10 =	vadd.s32 v2, v6;
	v8 =	vmov s10;
	[tilespmem:v12+s26+$0x0] =	vst.idx.msk $0xffff, v4;
	v9 =	vld [tilespmem:s18+$0xFFFFFF30]  }
0x139: {  	v17 =	vadd.s32 v2, v11;
	v4 =	vmov s17;
	s17 =	simm.s32 $0xA5F0;
	v8 =	vand.u32 $0x7F, v8;
	v12 =	vld [tilespmem:s18+$0xFFFFFF70]  }
0x13a: {  	v18 =	vld [tilespmem:s17+$0xFFFFFFD0];
	v19 =	vadd.s32 v0, v8  }
0x13b: {  	s19 =	simm.s32 $0x5;
	[tilespmem:v16+s26+$0x0] =	vst.idx.msk $0xffff, v15  }
0x13c: {  	v22 =	vmov s19;
	v4 =	vand.u32 $0x7C, v4;
	[tilespmem:v14+s26+$0x0] =	vst.idx.msk $0xffff, v7  }
0x13d: {  	s20 =	simm.s32 $0x6;
	v20 =	vld [tilespmem:s17+$0xFFFFFF10];
	v21 =	vadd.s32 v0, v4;
	v7 =	vand.u32 $0x7D, v22;
	[tilespmem:v10+s26+$0x0] =	vst.idx.msk $0xffff, v9  }
0x13e: {  	v14 =	vmov s20;
	v9 =	vld [tilespmem:s17+$0xFFFFFF50];
	[tilespmem:v17+s26+$0x0] =	vst.idx.msk $0xffff, v12;
	v10 =	vadd.s32 v0, v7  }
0x13f: {  	v16 =	vadd.s32 v3, v5;
	v12 =	vld [tilespmem:s18+$0xFFFFFFB0];
	v5 =	vand.u32 $0x7E, v14;
	[tilespmem:v19+s26+$0x0] =	vst.idx.msk $0xffff, v18;
	v18 =	vadd.s32 v2, v13  }
0x140: {  	v14 =	vld [tilespmem:s17+$0xFFFFFF90];
	v63 =	vadd.s32 v0, v5  }
0x141: {  	v15 =	vld [tilespmem:s18+$0x0]  }
0x142: {  	[tilespmem:v21+s26+$0x0] =	vst.idx.msk $0xffff, v20;
	v20 =	vadd.s32 v1, v8;
	v19 =	vld [tilespmem:s17+$0xFFFFFFE0]  }
0x143: {  	v23 =	vadd.s32 v1, v4;
	v21 =	vld [tilespmem:s17+$0xFFFFFF20];
	[tilespmem:v10+s26+$0x0] =	vst.idx.msk $0xffff, v9  }
0x144: {  	v25 =	vadd.s32 v3, v11;
	v24 =	vld [tilespmem:s18+$0xFFFFFF80];
	[tilespmem:v18+s26+$0x0] =	vst.idx.msk $0xffff, v12  }
0x145: {  	v18 =	vadd.s32 v1, v7;
	v17 =	vld [tilespmem:s17+$0xFFFFFF60];
	[tilespmem:v63+s26+$0x0] =	vst.idx.msk $0xffff, v14  }
0x146: {  	[tilespmem:v16+s26+$0x0] =	vst.idx.msk $0xffff, v15;
	v16 =	vadd.s32 v1, v5;
	v15 =	vld [tilespmem:s17+$0xFFFFFFA0]  }
0x147: {  	[tilespmem:v20+s26+$0x0] =	vst.idx.msk $0xffff, v19;
	v11 =	vld [tilespmem:s18+$0xFFFFFFC0];
	v14 =	vadd.s32 v3, v13  }
0x148: {  	v12 =	vadd.s32 v2, v8;
	[tilespmem:v23+s26+$0x0] =	vst.idx.msk $0xffff, v21;
	v9 =	vld [tilespmem:s17+$0xFFFFFFF0]  }
0x149: {  	s19 =	simm.s32 $0x8;
	s6 =	simm.s32 $0xB;
	s20 =	simm.s32 $0xC;
	[tilespmem:v25+s26+$0x0] =	vst.idx.msk $0xffff, v24;
	v13 =	vadd.s32 v2, v4;
	v10 =	vld [tilespmem:s17+$0xFFFFFF30]  }
.LBB2_11:
0x14a: {  	p2 =	slt.u32 s20, $0x7C;
	v19 =	vmov s6;
	[tilespmem:v18+s26+$0x0] =	vst.idx.msk $0xffff, v17;
	v17 =	vld [tilespmem:s18+$0xFFFFFF40];
	v18 =	vadd.s32 v3, v6;
	v6 =	vmov v4;
	s18 =	smov.u32 s17  }
0x14b: {  	v4 =	vmov s19;
	v21 =	vadd.s32 v2, v7;
	s17 =	sadd.s32 $0x100, s17;
	v19 =	vand.u32 $0x7F, v19;
	v20 =	vld [tilespmem:s18+$0xFFFFFF70];
	[tilespmem:v16+s26+$0x0] =	vst.idx.msk $0xffff, v15  }
0x14c: {  	s6 =	sadd.s32 $0x1, s19;
	v4 =	vand.u32 $0x7C, v4;
	v15 =	vld [tilespmem:s17+$0xFFFFFFD0];
	v16 =	vadd.s32 v0, v19;
	[tilespmem:v14+s26+$0x0] =	vst.idx.msk $0xffff, v11  }
0x14d: {  	v22 =	vmov s6;
	s6 =	sadd.s32 $0x2, s19;
	s19 =	smov.u32 s20;
	v14 =	vadd.s32 v0, v4;
	v11 =	vld [tilespmem:s17+$0xFFFFFF10];
	[tilespmem:v12+s26+$0x0] =	vst.idx.msk $0xffff, v9  }
0x14e: {  	v9 =	vand.u32 $0x7D, v22;
	v12 =	vmov s6;
	[tilespmem:v13+s26+$0x0] =	vst.idx.msk $0xffff, v10;
	v10 =	vld [tilespmem:s18+$0x0];
	v13 =	vadd.s32 v3, v8;
	v8 =	vmovc v19  }
0x14f: {  	v22 =	vadd.s32 v0, v9;
	v12 =	vand.u32 $0x7E, v12;
	v19 =	vld [tilespmem:s17+$0xFFFFFF50];
	[tilespmem:v18+s26+$0x0] =	vst.idx.msk $0xffff, v17  }
0x150: {  	v24 =	vadd.s32 v0, v12;
	v23 =	vld [tilespmem:s17+$0xFFFFFF90];
	[tilespmem:v21+s26+$0x0] =	vst.idx.msk $0xffff, v20  }
0x151: {  	v21 =	vadd.s32 v2, v5;
	[tilespmem:v16+s26+$0x0] =	vst.idx.msk $0xffff, v15;
	v20 =	vld [tilespmem:s18+$0xFFFFFFB0]  }
0x152: {  	[tilespmem:v14+s26+$0x0] =	vst.idx.msk $0xffff, v11;
	v11 =	vld [tilespmem:s17+$0xFFFFFFE0];
	v14 =	vadd.s32 v1, v8  }
0x153: {  	v26 =	vadd.s32 v1, v4;
	v25 =	vld [tilespmem:s17+$0xFFFFFF20];
	[tilespmem:v13+s26+$0x0] =	vst.idx.msk $0xffff, v10  }
0x154: {  	[tilespmem:v22+s26+$0x0] =	vst.idx.msk $0xffff, v19;
	v19 =	vld [tilespmem:s18+$0xFFFFFF80];
	v22 =	vadd.s32 v3, v7;
	v7 =	vmov v9  }
.Ltmp4:
0x155: {  	v17 =	vld [tilespmem:s17+$0xFFFFFF60];
	v18 =	vadd.s32 v1, v7;
	[tilespmem:v24+s26+$0x0] =	vst.idx.msk $0xffff, v23;
	(pc) =	sbr.rel @p2 .LBB2_11-.Ltmp4, $4  }
0x156: {  	v16 =	vadd.s32 v1, v12;
	v15 =	vld [tilespmem:s17+$0xFFFFFFA0];
	[tilespmem:v21+s26+$0x0] =	vst.idx.msk $0xffff, v20  }
0x157: {  	[tilespmem:v14+s26+$0x0] =	vst.idx.msk $0xffff, v11;
	v11 =	vld [tilespmem:s18+$0xFFFFFFC0];
	v14 =	vadd.s32 v3, v5;
	v5 =	vmov v12  }
0x158: {  	v12 =	vadd.s32 v2, v8;
	[tilespmem:v26+s26+$0x0] =	vst.idx.msk $0xffff, v25;
	v9 =	vld [tilespmem:s17+$0xFFFFFFF0]  }
0x159: {  	s20 =	sadd.s32 $0x4, s20;
	s6 =	sadd.s32 $0x3, s19;
	v13 =	vadd.s32 v2, v4;
	v10 =	vld [tilespmem:s17+$0xFFFFFF30];
	[tilespmem:v22+s26+$0x0] =	vst.idx.msk $0xffff, v19  }
0x15a: {  	_ =	sdelay $0x2  }
0x15b: {  	v19 =	vmov s6  }
0x15c: {  	s10 =	sadd.s32 $0x1, s19;
	[tilespmem:v18+s26+$0x0] =	vst.idx.msk $0xffff, v17;
	v30 =	vld [tilespmem:s18+$0xFFFFFF40];
	v6 =	vadd.s32 v3, v6;
	s20 =	sadd.s32 $0x100, s17;
	v21 =	vmov s19;
	v31 =	vand.u32 $0x7F, v19  }
0x15d: {  	v32 =	vmov s10;
	s10 =	sadd.s32 $0x2, s19;
	[tilespmem:v16+s26+$0x0] =	vst.idx.msk $0xffff, v15;
	v33 =	vld [tilespmem:s20+$0xFFFFFFD0];
	v21 =	vand.u32 $0x7C, v21;
	v34 =	vadd.s32 v0, v31  }
0x15e: {  	v22 =	vld [tilespmem:s20+$0xFFFFFF10];
	v19 =	vand.u32 $0x7D, v32;
	v20 =	vmov s10;
	[tilespmem:v14+s26+$0x0] =	vst.idx.msk $0xffff, v11;
	v39 =	vadd.s32 v0, v21  }
0x15f: {  	v35 =	vld [tilespmem:s20+$0xFFFFFF50];
	v36 =	vadd.s32 v0, v19;
	v20 =	vand.u32 $0x7E, v20;
	[tilespmem:v12+s26+$0x0] =	vst.idx.msk $0xffff, v9  }
0x160: {  	v37 =	vld [tilespmem:s20+$0xFFFFFF90];
	v38 =	vadd.s32 v0, v20;
	[tilespmem:v13+s26+$0x0] =	vst.idx.msk $0xffff, v10  }
0x161: {  	v41 =	vadd.s32 v2, v7;
	v40 =	vld [tilespmem:s17+$0xFFFFFF70];
	[tilespmem:v6+s26+$0x0] =	vst.idx.msk $0xffff, v30  }
0x162: {  	v49 =	vadd.s32 v2, v5;
	v48 =	vld [tilespmem:s17+$0xFFFFFFB0];
	[tilespmem:v34+s26+$0x0] =	vst.idx.msk $0xffff, v33  }
0x163: {  	v43 =	vadd.s32 v1, v31;
	[tilespmem:v39+s26+$0x0] =	vst.idx.msk $0xffff, v22;
	v15 =	vld [tilespmem:s20+$0xFFFFFFE0]  }
0x164: {  	v47 =	vadd.s32 v1, v21;
	[tilespmem:v36+s26+$0x0] =	vst.idx.msk $0xffff, v35;
	v46 =	vld [tilespmem:s20+$0xFFFFFF20]  }
0x165: {  	v44 =	vadd.s32 v1, v19;
	v11 =	vld [tilespmem:s20+$0xFFFFFF60];
	[tilespmem:v38+s26+$0x0] =	vst.idx.msk $0xffff, v37  }
0x166: {  	v45 =	vadd.s32 v1, v20;
	[tilespmem:v41+s26+$0x0] =	vst.idx.msk $0xffff, v40;
	v9 =	vld [tilespmem:s20+$0xFFFFFFA0]  }
0x167: {  	v8 =	vadd.s32 v3, v8;
	v42 =	vld [tilespmem:s17+$0x0];
	[tilespmem:v49+s26+$0x0] =	vst.idx.msk $0xffff, v48  }
0x168: {  	v5 =	vadd.s32 v3, v5;
	v13 =	vld [tilespmem:s17+$0xFFFFFFC0];
	[tilespmem:v43+s26+$0x0] =	vst.idx.msk $0xffff, v15  }
0x169: {  	v52 =	vadd.s32 v2, v31;
	[tilespmem:v47+s26+$0x0] =	vst.idx.msk $0xffff, v46;
	v15 =	vld [tilespmem:s20+$0xFFFFFFF0]  }
0x16a: {  	v57 =	vadd.s32 v2, v21;
	[tilespmem:v44+s26+$0x0] =	vst.idx.msk $0xffff, v11;
	v56 =	vld [tilespmem:s20+$0xFFFFFF30]  }
0x16b: {  	v53 =	vadd.s32 v2, v19;
	v11 =	vld [tilespmem:s20+$0xFFFFFF70];
	[tilespmem:v45+s26+$0x0] =	vst.idx.msk $0xffff, v9  }
0x16c: {  	v55 =	vadd.s32 v2, v20;
	[tilespmem:v8+s26+$0x0] =	vst.idx.msk $0xffff, v42;
	v54 =	vld [tilespmem:s20+$0xFFFFFFB0]  }
0x16d: {  	v4 =	vadd.s32 v3, v4;
	v58 =	vld [tilespmem:s17+$0xFFFFFF40];
	[tilespmem:v5+s26+$0x0] =	vst.idx.msk $0xffff, v13  }
0x16e: {  	v51 =	vadd.s32 v3, v7;
	v50 =	vld [tilespmem:s17+$0xFFFFFF80];
	[tilespmem:v52+s26+$0x0] =	vst.idx.msk $0xffff, v15  }
0x16f: {  	v60 =	vadd.s32 v3, v31;
	[tilespmem:v57+s26+$0x0] =	vst.idx.msk $0xffff, v56;
	v59 =	vld [tilespmem:s20+$0x0]  }
0x170: {  	v63 =	vadd.s32 v3, v21;
	[tilespmem:v53+s26+$0x0] =	vst.idx.msk $0xffff, v11;
	v5 =	vld [tilespmem:s20+$0xFFFFFF40]  }
0x171: {  	v61 =	vadd.s32 v3, v19;
	v11 =	vld [tilespmem:s20+$0xFFFFFF80];
	[tilespmem:v55+s26+$0x0] =	vst.idx.msk $0xffff, v54  }
0x172: {  	v62 =	vadd.s32 v3, v20;
	[tilespmem:v4+s26+$0x0] =	vst.idx.msk $0xffff, v58;
	v6 =	vld [tilespmem:s20+$0xFFFFFFC0]  }
0x173: {  	[tilespmem:v51+s26+$0x0] =	vst.idx.msk $0xffff, v50  }
0x174: {  	[tilespmem:v60+s26+$0x0] =	vst.idx.msk $0xffff, v59  }
0x175: {  	[tilespmem:v63+s26+$0x0] =	vst.idx.msk $0xffff, v5  }
0x176: {  	s6 =	sadd.s32 @!p1 $0x300, s15;
	[tilespmem:v61+s26+$0x0] =	vst.idx.msk $0xffff, v11  }
0x177: {  	s6 =	sand.u32 @!p1 $0x3FFFFF80, s6;
	s10 =	simm.s32 @!p1 $0x80;
	s17 =	simm.s32 @!p1 $0xA400;
	[tilespmem:v62+s26+$0x0] =	vst.idx.msk $0xffff, v6  }
0x178: {  	[tilespmem:s17], [sflag:$0x3] =	stream.indirect.gather @!p1 [hbm4b:s5+s10], $0x40, s6, s10, $0xb8;
	[tilespmem:$0x16C00] =	vst v63  }
0x179: {  	s20 =	simm.s32 $0x12800;
	s10 =	sadd.s32 s16, s8  }
0x17a: {  	[hbm4b:s10+s3] =	stream.linear.scatter [tilespmem:s20], [sflag:$0x7], $0x80, $0x38;
	[tilespmem:$0x16C00] =	vst v63  }
0x17b: {  	s17 =	simm.s32 $0x12888;
	s18 =	sadd.s32 $0x10, s10  }
0x17c: {  	[hbm4b:s18+s3] =	stream.linear.scatter [tilespmem:s17], [sflag:$0x7], $0x80, $0x38;
	[tilespmem:$0x16C00] =	vst v63  }
0x17d: {  	s19 =	simm.s32 $0x12910;
	s20 =	sadd.s32 $0x20, s10  }
0x17e: {  	[hbm4b:s20+s3] =	stream.linear.scatter [tilespmem:s19], [sflag:$0x7], $0x80, $0x38;
	[tilespmem:$0x16C00] =	vst v63  }
0x17f: {  	s17 =	simm.s32 $0x12998;
	s18 =	sadd.s32 $0x30, s10  }
0x180: {  	[hbm4b:s18+s3] =	stream.linear.scatter [tilespmem:s17], [sflag:$0x7], $0x80, $0x38;
	[tilespmem:$0x16C00] =	vst v63  }
0x181: {  	s19 =	simm.s32 $0x12A20;
	s20 =	sadd.s32 $0x40, s10  }
0x182: {  	[hbm4b:s20+s3] =	stream.linear.scatter [tilespmem:s19], [sflag:$0x7], $0x80, $0x38;
	[tilespmem:$0x16C00] =	vst v63  }
0x183: {  	s6 =	simm.s32 $0x12BB8;
	s17 =	simm.s32 $0x12AA8;
	s18 =	sadd.s32 $0x50, s10  }
0x184: {  	[hbm4b:s18+s3] =	stream.linear.scatter [tilespmem:s17], [sflag:$0x7], $0x80, $0x38;
	[tilespmem:$0x16C00] =	vst v63  }
0x185: {  	s19 =	simm.s32 $0x12B30;
	s20 =	sadd.s32 $0x60, s10;
	s17 =	simm.s32 $0x440  }
0x186: {  	[hbm4b:s20+s3] =	stream.linear.scatter [tilespmem:s19], [sflag:$0x7], $0x80, $0x38;
	[tilespmem:$0x16C00] =	vst v63  }
0x187: {  	s18 =	sadd.s32 $0x1000, s10;
	s19 =	simm.s32 $0x2200;
	s20 =	sadd.s32 $0x70, s10  }
.LBB2_13:
0x188: {  	[hbm4b:s20+s3] =	stream.linear.scatter [tilespmem:s6], [sflag:$0x7], $0x80, $0x38;
	[tilespmem:$0x16C00] =	vst v63  }
0x189: {  	s6 =	smov.u32 s17;
	s10 =	smov.u32 s19  }
0x18a: {  	s17 =	sshra.s32 s10, $0x2;
	s10 =	sadd.s32 $0x1100, s19;
	s20 =	sadd.s32 $0x12800, s6  }
0x18b: {  	[hbm4b:s18+s3] =	stream.linear.scatter [tilespmem:s20], [sflag:$0x7], $0x80, $0x38;
	[tilespmem:$0x16C00] =	vst v63  }
0x18c: {  	p2 =	sne.s32 s19, $0x7700;
	s19 =	sadd.s32 $0x12888, s6;
	s20 =	sadd.s32 $0x10, s18  }
0x18d: {  	[hbm4b:s20+s3] =	stream.linear.scatter [tilespmem:s19], [sflag:$0x7], $0x80, $0x38;
	[tilespmem:$0x16C00] =	vst v63  }
0x18e: {  	s19 =	sadd.s32 $0x12910, s6;
	s20 =	sadd.s32 $0x20, s18  }
0x18f: {  	[hbm4b:s20+s3] =	stream.linear.scatter [tilespmem:s19], [sflag:$0x7], $0x80, $0x38;
	[tilespmem:$0x16C00] =	vst v63  }
0x190: {  	s19 =	sadd.s32 $0x12998, s6;
	s20 =	sadd.s32 $0x30, s18  }
0x191: {  	[hbm4b:s20+s3] =	stream.linear.scatter [tilespmem:s19], [sflag:$0x7], $0x80, $0x38;
	[tilespmem:$0x16C00] =	vst v63  }
0x192: {  	s19 =	sadd.s32 $0x12A20, s6;
	s20 =	sadd.s32 $0x40, s18  }
0x193: {  	[hbm4b:s20+s3] =	stream.linear.scatter [tilespmem:s19], [sflag:$0x7], $0x80, $0x38;
	[tilespmem:$0x16C00] =	vst v63  }
.Ltmp5:
0x194: {  	s19 =	sadd.s32 $0x12AA8, s6;
	s20 =	sadd.s32 $0x50, s18;
	(pc) =	sbr.rel @p2 .LBB2_13-.Ltmp5, $4  }
0x195: {  	[hbm4b:s20+s3] =	stream.linear.scatter [tilespmem:s19], [sflag:$0x7], $0x80, $0x38;
	[tilespmem:$0x16C00] =	vst v63  }
0x196: {  	s19 =	sadd.s32 $0x12B30, s6;
	s20 =	sadd.s32 $0x60, s18;
	s6 =	sadd.s32 $0x12BB8, s6  }
0x197: {  	[hbm4b:s20+s3] =	stream.linear.scatter [tilespmem:s19], [sflag:$0x7], $0x80, $0x38;
	[tilespmem:$0x16C00] =	vst v63  }
0x198: {  	s20 =	sadd.s32 $0x70, s18;
	s18 =	sadd.s32 $0x1000, s18;
	s19 =	smov.u32 s10  }
0x199: {  	[hbm4b:s20+s3] =	stream.linear.scatter [tilespmem:s6], [sflag:$0x7], $0x80, $0x38;
	[tilespmem:$0x16C00] =	vst v63  }
0x19a: {  	s19 =	sadd.s32 $0x12800, s17  }
0x19b: {  	[hbm4b:s18+s3] =	stream.linear.scatter [tilespmem:s19], [sflag:$0x7], $0x80, $0x38;
	[tilespmem:$0x16C00] =	vst v63  }
0x19c: {  	s20 =	sadd.s32 $0x12888, s17;
	s10 =	sadd.s32 $0x10, s18  }
0x19d: {  	[hbm4b:s10+s3] =	stream.linear.scatter [tilespmem:s20], [sflag:$0x7], $0x80, $0x38;
	[tilespmem:$0x16C00] =	vst v63  }
0x19e: {  	s19 =	sadd.s32 $0x12910, s17;
	s20 =	sadd.s32 $0x20, s18  }
0x19f: {  	[hbm4b:s20+s3] =	stream.linear.scatter [tilespmem:s19], [sflag:$0x7], $0x80, $0x38;
	[tilespmem:$0x16C00] =	vst v63  }
0x1a0: {  	s19 =	sadd.s32 $0x12998, s17;
	s20 =	sadd.s32 $0x30, s18  }
0x1a1: {  	[hbm4b:s20+s3] =	stream.linear.scatter [tilespmem:s19], [sflag:$0x7], $0x80, $0x38;
	[tilespmem:$0x16C00] =	vst v63  }
0x1a2: {  	s19 =	sadd.s32 $0x12A20, s17;
	s20 =	sadd.s32 $0x40, s18  }
0x1a3: {  	[hbm4b:s20+s3] =	stream.linear.scatter [tilespmem:s19], [sflag:$0x7], $0x80, $0x38;
	[tilespmem:$0x16C00] =	vst v63  }
0x1a4: {  	s19 =	sadd.s32 $0x12AA8, s17;
	s20 =	sadd.s32 $0x50, s18  }
0x1a5: {  	[hbm4b:s20+s3] =	stream.linear.scatter [tilespmem:s19], [sflag:$0x7], $0x80, $0x38;
	[tilespmem:$0x16C00] =	vst v63  }
0x1a6: {  	s19 =	sadd.s32 $0x12B30, s17;
	s20 =	sadd.s32 $0x60, s18  }
0x1a7: {  	[hbm4b:s20+s3] =	stream.linear.scatter [tilespmem:s19], [sflag:$0x7], $0x80, $0x38;
	[tilespmem:$0x16C00] =	vst v63  }
0x1a8: {  	s17 =	sadd.s32 $0x12BB8, s17;
	s19 =	sadd.s32 $0x70, s18  }
0x1a9: {  	[hbm4b:s19+s3] =	stream.linear.scatter [tilespmem:s17], [sflag:$0x7], $0x80, $0x38;
	[tilespmem:$0x16C00] =	vst v63  }
0x1aa: {  	_ =	swait.ge [sflag:s28], $0x2000  }
0x1ab: {  	[sflag:s28] =	ssyncset.done $0x0  }
0x1ac: {  	s6 =	simm.s32 @!p0 $0x8;
	[sflag:s28] =	ssyncadd.s32 $0xFFFFE000  }
0x1ad: {  	s20 =	simm.s32 $0x3;
	_ =	swait.ge @!p0 [sflag:s6], $0x2000  }
0x1ae: {  	v4 =	vmov s20;
	s17 =	simm.s32 $0x0;
	[sflag:s6] =	ssyncset.done @!p0 $0x0  }
0x1af: {  	s18 =	simm.s32 $0xC4F0;
	v5 =	vand.u32 $0x7F, v4;
	s19 =	simm.s32 $0x1;
	v4 =	vmov s17;
	[sflag:s6] =	ssyncadd.s32 @!p0 $0xFFFFE000  }
0x1b0: {  	v8 =	vadd.s32 v0, v5;
	v6 =	vand.u32 $0x7C, v4;
	v4 =	vmov s19;
	v7 =	vld [tilespmem:s18+$0xFFFFFFD0]  }
0x1b1: {  	v10 =	vadd.s32 v0, v6;
	v11 =	vand.u32 $0x7D, v4;
	v9 =	vld [tilespmem:s18+$0xFFFFFF10]  }
0x1b2: {  	s20 =	simm.s32 $0x2;
	v12 =	vadd.s32 v0, v11;
	v4 =	vld [tilespmem:s18+$0xFFFFFF50]  }
0x1b3: {  	v13 =	vmov s20  }
0x1b4: {  	v13 =	vand.u32 $0x7E, v13  }
0x1b5: {  	v15 =	vadd.s32 v0, v13;
	v14 =	vld [tilespmem:s18+$0xFFFFFF90];
	[tilespmem:v8+s29+$0x0] =	vst.idx.msk $0xffff, v7  }
0x1b6: {  	v8 =	vadd.s32 v1, v5;
	[tilespmem:v10+s29+$0x0] =	vst.idx.msk $0xffff, v9;
	v7 =	vld [tilespmem:s18+$0xFFFFFFE0]  }
0x1b7: {  	v10 =	vadd.s32 v1, v6;
	[tilespmem:v12+s29+$0x0] =	vst.idx.msk $0xffff, v4;
	v9 =	vld [tilespmem:s18+$0xFFFFFF20]  }
0x1b8: {  	v12 =	vadd.s32 v1, v11;
	v4 =	vld [tilespmem:s18+$0xFFFFFF60];
	_ =	sdelay $0x1  }
0x1b9: {  	[tilespmem:v15+s29+$0x0] =	vst.idx.msk $0xffff, v14  }
0x1ba: {  	v16 =	vadd.s32 v1, v13;
	v15 =	vld [tilespmem:s18+$0xFFFFFFA0];
	[tilespmem:v8+s29+$0x0] =	vst.idx.msk $0xffff, v7  }
0x1bb: {  	s10 =	simm.s32 $0x7;
	v14 =	vadd.s32 v2, v5;
	[tilespmem:v10+s29+$0x0] =	vst.idx.msk $0xffff, v9;
	v7 =	vld [tilespmem:s18+$0xFFFFFFF0]  }
0x1bc: {  	s17 =	simm.s32 $0x4;
	v10 =	vadd.s32 v2, v6;
	v8 =	vmov s10;
	[tilespmem:v12+s29+$0x0] =	vst.idx.msk $0xffff, v4;
	v9 =	vld [tilespmem:s18+$0xFFFFFF30]  }
0x1bd: {  	v17 =	vadd.s32 v2, v11;
	v4 =	vmov s17;
	s17 =	simm.s32 $0xC5F0;
	v8 =	vand.u32 $0x7F, v8;
	v12 =	vld [tilespmem:s18+$0xFFFFFF70]  }
0x1be: {  	v18 =	vld [tilespmem:s17+$0xFFFFFFD0];
	v19 =	vadd.s32 v0, v8  }
0x1bf: {  	s19 =	simm.s32 $0x5;
	[tilespmem:v16+s29+$0x0] =	vst.idx.msk $0xffff, v15  }
0x1c0: {  	v22 =	vmov s19;
	v4 =	vand.u32 $0x7C, v4;
	[tilespmem:v14+s29+$0x0] =	vst.idx.msk $0xffff, v7  }
0x1c1: {  	s20 =	simm.s32 $0x6;
	v20 =	vld [tilespmem:s17+$0xFFFFFF10];
	v21 =	vadd.s32 v0, v4;
	v7 =	vand.u32 $0x7D, v22;
	[tilespmem:v10+s29+$0x0] =	vst.idx.msk $0xffff, v9  }
0x1c2: {  	v14 =	vmov s20;
	v9 =	vld [tilespmem:s17+$0xFFFFFF50];
	[tilespmem:v17+s29+$0x0] =	vst.idx.msk $0xffff, v12;
	v10 =	vadd.s32 v0, v7  }
0x1c3: {  	v16 =	vadd.s32 v3, v5;
	v12 =	vld [tilespmem:s18+$0xFFFFFFB0];
	v5 =	vand.u32 $0x7E, v14;
	[tilespmem:v19+s29+$0x0] =	vst.idx.msk $0xffff, v18;
	v18 =	vadd.s32 v2, v13  }
0x1c4: {  	v14 =	vld [tilespmem:s17+$0xFFFFFF90];
	v63 =	vadd.s32 v0, v5  }
0x1c5: {  	v15 =	vld [tilespmem:s18+$0x0]  }
0x1c6: {  	[tilespmem:v21+s29+$0x0] =	vst.idx.msk $0xffff, v20;
	v20 =	vadd.s32 v1, v8;
	v19 =	vld [tilespmem:s17+$0xFFFFFFE0]  }
0x1c7: {  	v23 =	vadd.s32 v1, v4;
	v21 =	vld [tilespmem:s17+$0xFFFFFF20];
	[tilespmem:v10+s29+$0x0] =	vst.idx.msk $0xffff, v9  }
0x1c8: {  	v25 =	vadd.s32 v3, v11;
	v24 =	vld [tilespmem:s18+$0xFFFFFF80];
	[tilespmem:v18+s29+$0x0] =	vst.idx.msk $0xffff, v12  }
0x1c9: {  	v18 =	vadd.s32 v1, v7;
	v17 =	vld [tilespmem:s17+$0xFFFFFF60];
	[tilespmem:v63+s29+$0x0] =	vst.idx.msk $0xffff, v14  }
0x1ca: {  	[tilespmem:v16+s29+$0x0] =	vst.idx.msk $0xffff, v15;
	v16 =	vadd.s32 v1, v5;
	v15 =	vld [tilespmem:s17+$0xFFFFFFA0]  }
0x1cb: {  	[tilespmem:v20+s29+$0x0] =	vst.idx.msk $0xffff, v19;
	v11 =	vld [tilespmem:s18+$0xFFFFFFC0];
	v14 =	vadd.s32 v3, v13  }
0x1cc: {  	v12 =	vadd.s32 v2, v8;
	[tilespmem:v23+s29+$0x0] =	vst.idx.msk $0xffff, v21;
	v9 =	vld [tilespmem:s17+$0xFFFFFFF0]  }
0x1cd: {  	s19 =	simm.s32 $0x8;
	s6 =	simm.s32 $0xB;
	s20 =	simm.s32 $0xC;
	[tilespmem:v25+s29+$0x0] =	vst.idx.msk $0xffff, v24;
	v13 =	vadd.s32 v2, v4;
	v10 =	vld [tilespmem:s17+$0xFFFFFF30]  }
.LBB2_15:
0x1ce: {  	p0 =	slt.u32 s20, $0x7C;
	v19 =	vmov s6;
	[tilespmem:v18+s29+$0x0] =	vst.idx.msk $0xffff, v17;
	v17 =	vld [tilespmem:s18+$0xFFFFFF40];
	v18 =	vadd.s32 v3, v6;
	v6 =	vmov v4;
	s18 =	smov.u32 s17  }
0x1cf: {  	v4 =	vmov s19;
	v21 =	vadd.s32 v2, v7;
	s17 =	sadd.s32 $0x100, s17;
	v19 =	vand.u32 $0x7F, v19;
	v20 =	vld [tilespmem:s18+$0xFFFFFF70];
	[tilespmem:v16+s29+$0x0] =	vst.idx.msk $0xffff, v15  }
0x1d0: {  	s6 =	sadd.s32 $0x1, s19;
	v4 =	vand.u32 $0x7C, v4;
	v15 =	vld [tilespmem:s17+$0xFFFFFFD0];
	v16 =	vadd.s32 v0, v19;
	[tilespmem:v14+s29+$0x0] =	vst.idx.msk $0xffff, v11  }
0x1d1: {  	v22 =	vmov s6;
	s6 =	sadd.s32 $0x2, s19;
	s19 =	smov.u32 s20;
	v14 =	vadd.s32 v0, v4;
	v11 =	vld [tilespmem:s17+$0xFFFFFF10];
	[tilespmem:v12+s29+$0x0] =	vst.idx.msk $0xffff, v9  }
0x1d2: {  	v9 =	vand.u32 $0x7D, v22;
	v12 =	vmov s6;
	[tilespmem:v13+s29+$0x0] =	vst.idx.msk $0xffff, v10;
	v10 =	vld [tilespmem:s18+$0x0];
	v13 =	vadd.s32 v3, v8;
	v8 =	vmovc v19  }
0x1d3: {  	v22 =	vadd.s32 v0, v9;
	v12 =	vand.u32 $0x7E, v12;
	v19 =	vld [tilespmem:s17+$0xFFFFFF50];
	[tilespmem:v18+s29+$0x0] =	vst.idx.msk $0xffff, v17  }
0x1d4: {  	v24 =	vadd.s32 v0, v12;
	v23 =	vld [tilespmem:s17+$0xFFFFFF90];
	[tilespmem:v21+s29+$0x0] =	vst.idx.msk $0xffff, v20  }
0x1d5: {  	v21 =	vadd.s32 v2, v5;
	[tilespmem:v16+s29+$0x0] =	vst.idx.msk $0xffff, v15;
	v20 =	vld [tilespmem:s18+$0xFFFFFFB0]  }
0x1d6: {  	[tilespmem:v14+s29+$0x0] =	vst.idx.msk $0xffff, v11;
	v11 =	vld [tilespmem:s17+$0xFFFFFFE0];
	v14 =	vadd.s32 v1, v8  }
0x1d7: {  	v26 =	vadd.s32 v1, v4;
	v25 =	vld [tilespmem:s17+$0xFFFFFF20];
	[tilespmem:v13+s29+$0x0] =	vst.idx.msk $0xffff, v10  }
0x1d8: {  	[tilespmem:v22+s29+$0x0] =	vst.idx.msk $0xffff, v19;
	v19 =	vld [tilespmem:s18+$0xFFFFFF80];
	v22 =	vadd.s32 v3, v7;
	v7 =	vmov v9  }
.Ltmp6:
0x1d9: {  	v17 =	vld [tilespmem:s17+$0xFFFFFF60];
	v18 =	vadd.s32 v1, v7;
	[tilespmem:v24+s29+$0x0] =	vst.idx.msk $0xffff, v23;
	(pc) =	sbr.rel @p0 .LBB2_15-.Ltmp6, $4  }
0x1da: {  	v16 =	vadd.s32 v1, v12;
	v15 =	vld [tilespmem:s17+$0xFFFFFFA0];
	[tilespmem:v21+s29+$0x0] =	vst.idx.msk $0xffff, v20  }
0x1db: {  	[tilespmem:v14+s29+$0x0] =	vst.idx.msk $0xffff, v11;
	v11 =	vld [tilespmem:s18+$0xFFFFFFC0];
	v14 =	vadd.s32 v3, v5;
	v5 =	vmov v12  }
0x1dc: {  	v12 =	vadd.s32 v2, v8;
	[tilespmem:v26+s29+$0x0] =	vst.idx.msk $0xffff, v25;
	v9 =	vld [tilespmem:s17+$0xFFFFFFF0]  }
0x1dd: {  	s20 =	sadd.s32 $0x4, s20;
	s6 =	sadd.s32 $0x3, s19;
	v13 =	vadd.s32 v2, v4;
	v10 =	vld [tilespmem:s17+$0xFFFFFF30];
	[tilespmem:v22+s29+$0x0] =	vst.idx.msk $0xffff, v19  }
0x1de: {  	_ =	sdelay $0x2  }
0x1df: {  	v19 =	vmov s6  }
0x1e0: {  	s10 =	sadd.s32 $0x1, s19;
	[tilespmem:v18+s29+$0x0] =	vst.idx.msk $0xffff, v17;
	v30 =	vld [tilespmem:s18+$0xFFFFFF40];
	v6 =	vadd.s32 v3, v6;
	s20 =	sadd.s32 $0x100, s17;
	v21 =	vmov s19;
	v31 =	vand.u32 $0x7F, v19  }
0x1e1: {  	v32 =	vmov s10;
	s10 =	sadd.s32 $0x2, s19;
	[tilespmem:v16+s29+$0x0] =	vst.idx.msk $0xffff, v15;
	v33 =	vld [tilespmem:s20+$0xFFFFFFD0];
	v21 =	vand.u32 $0x7C, v21;
	v34 =	vadd.s32 v0, v31  }
0x1e2: {  	v22 =	vld [tilespmem:s20+$0xFFFFFF10];
	v19 =	vand.u32 $0x7D, v32;
	v20 =	vmov s10;
	[tilespmem:v14+s29+$0x0] =	vst.idx.msk $0xffff, v11;
	v39 =	vadd.s32 v0, v21  }
0x1e3: {  	v35 =	vld [tilespmem:s20+$0xFFFFFF50];
	v36 =	vadd.s32 v0, v19;
	v20 =	vand.u32 $0x7E, v20;
	[tilespmem:v12+s29+$0x0] =	vst.idx.msk $0xffff, v9  }
0x1e4: {  	v37 =	vld [tilespmem:s20+$0xFFFFFF90];
	v38 =	vadd.s32 v0, v20;
	[tilespmem:v13+s29+$0x0] =	vst.idx.msk $0xffff, v10  }
0x1e5: {  	v41 =	vadd.s32 v2, v7;
	v40 =	vld [tilespmem:s17+$0xFFFFFF70];
	[tilespmem:v6+s29+$0x0] =	vst.idx.msk $0xffff, v30  }
0x1e6: {  	v49 =	vadd.s32 v2, v5;
	v48 =	vld [tilespmem:s17+$0xFFFFFFB0];
	[tilespmem:v34+s29+$0x0] =	vst.idx.msk $0xffff, v33  }
0x1e7: {  	v43 =	vadd.s32 v1, v31;
	[tilespmem:v39+s29+$0x0] =	vst.idx.msk $0xffff, v22;
	v15 =	vld [tilespmem:s20+$0xFFFFFFE0]  }
0x1e8: {  	v47 =	vadd.s32 v1, v21;
	[tilespmem:v36+s29+$0x0] =	vst.idx.msk $0xffff, v35;
	v46 =	vld [tilespmem:s20+$0xFFFFFF20]  }
0x1e9: {  	v44 =	vadd.s32 v1, v19;
	v11 =	vld [tilespmem:s20+$0xFFFFFF60];
	[tilespmem:v38+s29+$0x0] =	vst.idx.msk $0xffff, v37  }
0x1ea: {  	v45 =	vadd.s32 v1, v20;
	[tilespmem:v41+s29+$0x0] =	vst.idx.msk $0xffff, v40;
	v9 =	vld [tilespmem:s20+$0xFFFFFFA0]  }
0x1eb: {  	v8 =	vadd.s32 v3, v8;
	v42 =	vld [tilespmem:s17+$0x0];
	[tilespmem:v49+s29+$0x0] =	vst.idx.msk $0xffff, v48  }
0x1ec: {  	v5 =	vadd.s32 v3, v5;
	v13 =	vld [tilespmem:s17+$0xFFFFFFC0];
	[tilespmem:v43+s29+$0x0] =	vst.idx.msk $0xffff, v15  }
0x1ed: {  	v52 =	vadd.s32 v2, v31;
	[tilespmem:v47+s29+$0x0] =	vst.idx.msk $0xffff, v46;
	v15 =	vld [tilespmem:s20+$0xFFFFFFF0]  }
0x1ee: {  	v57 =	vadd.s32 v2, v21;
	[tilespmem:v44+s29+$0x0] =	vst.idx.msk $0xffff, v11;
	v56 =	vld [tilespmem:s20+$0xFFFFFF30]  }
0x1ef: {  	v53 =	vadd.s32 v2, v19;
	v11 =	vld [tilespmem:s20+$0xFFFFFF70];
	[tilespmem:v45+s29+$0x0] =	vst.idx.msk $0xffff, v9  }
0x1f0: {  	v55 =	vadd.s32 v2, v20;
	[tilespmem:v8+s29+$0x0] =	vst.idx.msk $0xffff, v42;
	v54 =	vld [tilespmem:s20+$0xFFFFFFB0]  }
0x1f1: {  	v4 =	vadd.s32 v3, v4;
	v58 =	vld [tilespmem:s17+$0xFFFFFF40];
	[tilespmem:v5+s29+$0x0] =	vst.idx.msk $0xffff, v13  }
0x1f2: {  	v51 =	vadd.s32 v3, v7;
	v50 =	vld [tilespmem:s17+$0xFFFFFF80];
	[tilespmem:v52+s29+$0x0] =	vst.idx.msk $0xffff, v15  }
0x1f3: {  	v60 =	vadd.s32 v3, v31;
	[tilespmem:v57+s29+$0x0] =	vst.idx.msk $0xffff, v56;
	v59 =	vld [tilespmem:s20+$0x0]  }
0x1f4: {  	v63 =	vadd.s32 v3, v21;
	[tilespmem:v53+s29+$0x0] =	vst.idx.msk $0xffff, v11;
	v5 =	vld [tilespmem:s20+$0xFFFFFF40]  }
0x1f5: {  	v61 =	vadd.s32 v3, v19;
	v11 =	vld [tilespmem:s20+$0xFFFFFF80];
	[tilespmem:v55+s29+$0x0] =	vst.idx.msk $0xffff, v54  }
0x1f6: {  	v62 =	vadd.s32 v3, v20;
	[tilespmem:v4+s29+$0x0] =	vst.idx.msk $0xffff, v58;
	v6 =	vld [tilespmem:s20+$0xFFFFFFC0]  }
0x1f7: {  	[tilespmem:v51+s29+$0x0] =	vst.idx.msk $0xffff, v50  }
0x1f8: {  	[tilespmem:v60+s29+$0x0] =	vst.idx.msk $0xffff, v59  }
0x1f9: {  	[tilespmem:v63+s29+$0x0] =	vst.idx.msk $0xffff, v5  }
0x1fa: {  	s6 =	sadd.s32 @!p1 $0x380, s15;
	[tilespmem:v61+s29+$0x0] =	vst.idx.msk $0xffff, v11  }
0x1fb: {  	s15 =	simm.s32 @!p1 $0xC400;
	s6 =	sand.u32 @!p1 $0x3FFFFF80, s6;
	s10 =	simm.s32 @!p1 $0x80;
	[tilespmem:v62+s29+$0x0] =	vst.idx.msk $0xffff, v6  }
0x1fc: {  	[tilespmem:s15], [sflag:$0x4] =	stream.indirect.gather @!p1 [hbm4b:s5+s10], $0x40, s6, s10, $0xb8;
	[tilespmem:$0x16C00] =	vst v63  }
0x1fd: {  	s20 =	simm.s32 $0x14A00;
	s10 =	sadd.s32 s16, s9  }
0x1fe: {  	[hbm4b:s10+s3] =	stream.linear.scatter [tilespmem:s20], [sflag:$0x8], $0x80, $0x38;
	[tilespmem:$0x16C00] =	vst v63  }
0x1ff: {  	s15 =	simm.s32 $0x14A88;
	s16 =	sadd.s32 $0x10, s10  }
0x200: {  	[hbm4b:s16+s3] =	stream.linear.scatter [tilespmem:s15], [sflag:$0x8], $0x80, $0x38;
	[tilespmem:$0x16C00] =	vst v63  }
0x201: {  	s19 =	simm.s32 $0x14B98;
	s17 =	simm.s32 $0x14B10;
	s18 =	sadd.s32 $0x20, s10  }
0x202: {  	[hbm4b:s18+s3] =	stream.linear.scatter [tilespmem:s17], [sflag:$0x8], $0x80, $0x38;
	[tilespmem:$0x16C00] =	vst v63  }
0x203: {  	s6 =	simm.s32 $0x14DB8;
	s20 =	sadd.s32 $0x30, s10;
	s15 =	simm.s32 $0x14C20  }
0x204: {  	[hbm4b:s20+s3] =	stream.linear.scatter [tilespmem:s19], [sflag:$0x8], $0x80, $0x38;
	[tilespmem:$0x16C00] =	vst v63  }
0x205: {  	s16 =	sadd.s32 $0x40, s10;
	s17 =	simm.s32 $0x14CA8;
	s18 =	sadd.s32 $0x50, s10  }
0x206: {  	[hbm4b:s16+s3] =	stream.linear.scatter [tilespmem:s15], [sflag:$0x8], $0x80, $0x38;
	[tilespmem:$0x16C00] =	vst v63  }
0x207: {  	s19 =	simm.s32 $0x14D30;
	s20 =	sadd.s32 $0x60, s10;
	s15 =	simm.s32 $0x440  }
0x208: {  	[hbm4b:s18+s3] =	stream.linear.scatter [tilespmem:s17], [sflag:$0x8], $0x80, $0x38;
	[tilespmem:$0x16C00] =	vst v63  }
0x209: {  	s16 =	sadd.s32 $0x1000, s10;
	s17 =	simm.s32 $0x2200;
	s18 =	sadd.s32 $0x70, s10  }
0x20a: {  	[hbm4b:s20+s3] =	stream.linear.scatter [tilespmem:s19], [sflag:$0x8], $0x80, $0x38;
	[tilespmem:$0x16C00] =	vst v63  }
.LBB2_17:
0x20b: {  	[hbm4b:s18+s3] =	stream.linear.scatter [tilespmem:s6], [sflag:$0x8], $0x80, $0x38;
	[tilespmem:$0x16C00] =	vst v63  }
0x20c: {  	s6 =	smov.u32 s15;
	s10 =	smov.u32 s17  }
0x20d: {  	s15 =	sshra.s32 s10, $0x2;
	s10 =	sadd.s32 $0x1100, s17;
	s18 =	sadd.s32 $0x14A00, s6  }
0x20e: {  	[hbm4b:s16+s3] =	stream.linear.scatter [tilespmem:s18], [sflag:$0x8], $0x80, $0x38;
	[tilespmem:$0x16C00] =	vst v63  }
0x20f: {  	p0 =	sne.s32 s17, $0x7700;
	s17 =	sadd.s32 $0x14A88, s6;
	s18 =	sadd.s32 $0x10, s16  }
0x210: {  	[hbm4b:s18+s3] =	stream.linear.scatter [tilespmem:s17], [sflag:$0x8], $0x80, $0x38;
	[tilespmem:$0x16C00] =	vst v63  }
0x211: {  	s17 =	sadd.s32 $0x14B10, s6;
	s18 =	sadd.s32 $0x20, s16  }
0x212: {  	[hbm4b:s18+s3] =	stream.linear.scatter [tilespmem:s17], [sflag:$0x8], $0x80, $0x38;
	[tilespmem:$0x16C00] =	vst v63  }
0x213: {  	s17 =	sadd.s32 $0x14B98, s6;
	s18 =	sadd.s32 $0x30, s16  }
0x214: {  	[hbm4b:s18+s3] =	stream.linear.scatter [tilespmem:s17], [sflag:$0x8], $0x80, $0x38;
	[tilespmem:$0x16C00] =	vst v63  }
0x215: {  	s17 =	sadd.s32 $0x14C20, s6;
	s18 =	sadd.s32 $0x40, s16  }
0x216: {  	[hbm4b:s18+s3] =	stream.linear.scatter [tilespmem:s17], [sflag:$0x8], $0x80, $0x38;
	[tilespmem:$0x16C00] =	vst v63  }
.Ltmp7:
0x217: {  	s17 =	sadd.s32 $0x14CA8, s6;
	s18 =	sadd.s32 $0x50, s16;
	(pc) =	sbr.rel @p0 .LBB2_17-.Ltmp7, $4  }
0x218: {  	[hbm4b:s18+s3] =	stream.linear.scatter [tilespmem:s17], [sflag:$0x8], $0x80, $0x38;
	[tilespmem:$0x16C00] =	vst v63  }
0x219: {  	s17 =	sadd.s32 $0x14D30, s6;
	s18 =	sadd.s32 $0x60, s16;
	s6 =	sadd.s32 $0x14DB8, s6  }
0x21a: {  	[hbm4b:s18+s3] =	stream.linear.scatter [tilespmem:s17], [sflag:$0x8], $0x80, $0x38;
	[tilespmem:$0x16C00] =	vst v63  }
0x21b: {  	s18 =	sadd.s32 $0x70, s16;
	s16 =	sadd.s32 $0x1000, s16;
	s17 =	smov.u32 s10  }
0x21c: {  	[hbm4b:s18+s3] =	stream.linear.scatter [tilespmem:s6], [sflag:$0x8], $0x80, $0x38;
	[tilespmem:$0x16C00] =	vst v63  }
0x21d: {  	s19 =	sadd.s32 $0x14A00, s15  }
0x21e: {  	[hbm4b:s16+s3] =	stream.linear.scatter [tilespmem:s19], [sflag:$0x8], $0x80, $0x38;
	[tilespmem:$0x16C00] =	vst v63  }
0x21f: {  	s20 =	sadd.s32 $0x14A88, s15;
	s10 =	sadd.s32 $0x10, s16  }
0x220: {  	[hbm4b:s10+s3] =	stream.linear.scatter [tilespmem:s20], [sflag:$0x8], $0x80, $0x38;
	[tilespmem:$0x16C00] =	vst v63  }
0x221: {  	s17 =	sadd.s32 $0x14B10, s15;
	s18 =	sadd.s32 $0x20, s16  }
0x222: {  	[hbm4b:s18+s3] =	stream.linear.scatter [tilespmem:s17], [sflag:$0x8], $0x80, $0x38;
	[tilespmem:$0x16C00] =	vst v63  }
0x223: {  	s19 =	sadd.s32 $0x14B98, s15;
	s20 =	sadd.s32 $0x30, s16  }
0x224: {  	[hbm4b:s20+s3] =	stream.linear.scatter [tilespmem:s19], [sflag:$0x8], $0x80, $0x38;
	[tilespmem:$0x16C00] =	vst v63  }
0x225: {  	s12 =	sadd.s32 $0x1, s12;
	s17 =	sadd.s32 $0x14C20, s15;
	s18 =	sadd.s32 $0x40, s16  }
0x226: {  	[hbm4b:s18+s3] =	stream.linear.scatter [tilespmem:s17], [sflag:$0x8], $0x80, $0x38;
	[tilespmem:$0x16C00] =	vst v63  }
0x227: {  	p0 =	sne.s32 s12, $0x32;
	s19 =	sadd.s32 $0x14CA8, s15;
	s20 =	sadd.s32 $0x50, s16  }
0x228: {  	[hbm4b:s20+s3] =	stream.linear.scatter [tilespmem:s19], [sflag:$0x8], $0x80, $0x38;
	[tilespmem:$0x16C00] =	vst v63  }
.Ltmp8:
0x229: {  	_ = 	snop;
	(pc) =	sbr.rel @p0 .LBB2_2-.Ltmp8, $4  }
0x22a: {  	s17 =	sadd.s32 $0x14D30, s15;
	s18 =	sadd.s32 $0x60, s16  }
0x22b: {  	[hbm4b:s18+s3] =	stream.linear.scatter [tilespmem:s17], [sflag:$0x8], $0x80, $0x38;
	[tilespmem:$0x16C00] =	vst v63  }
0x22c: {  	s19 =	sadd.s32 $0x14DB8, s15;
	s20 =	sadd.s32 $0x70, s16  }
0x22d: {  	[hbm4b:s20+s3] =	stream.linear.scatter [tilespmem:s19], [sflag:$0x8], $0x80, $0x38;
	[tilespmem:$0x16C00] =	vst v63  }
0x22e: {  	_ =	swait.ge [sflag:s30], $0x2000  }
0x22f: {  	[sflag:s30] =	ssyncset.done $0x0  }
0x230: {  	[sflag:s30] =	ssyncadd.s32 $0xFFFFE000  }
0x231: {  	_ =	swait.ge [sflag:s31], $0x2000  }
0x232: {  	[sflag:s31] =	ssyncset.done $0x0  }
0x233: {  	[sflag:s31] =	ssyncadd.s32 $0xFFFFE000  }
0x234: {  	_ =	swait.ge [sflag:s0], $0x2000  }
0x235: {  	[sflag:s0] =	ssyncset.done $0x0  }
0x236: {  	[sflag:s0] =	ssyncadd.s32 $0xFFFFE000  }
0x237: {  	_ =	swait.ge [sflag:s1], $0x2000  }
0x238: {  	s11 =	sadd.s32 $0x1, s11;
	s6 =	rddreg [dreg:$0x5]  }
0x239: {  	p0 =	sne.s32 s11, s6  }
.Ltmp9:
0x23a: {  	_ = 	snop;
	(pc) =	sbr.rel @p0 .LBB2_1-.Ltmp9, $3  }
0x23b: {  	_ =	sdelay $0x1  }
0x23c: {  	[sflag:s1] =	ssyncset.done $0x0  }
0x23d: {  	[sflag:s1] =	ssyncadd.s32 $0xFFFFE000  }
0x23e: {  	_ =	sfence.sel $0x180000  }
0x23f: {  	[bflag:$0x0] =	sbarrier.arrive $0xFFFF  }
0x240: {  	_ =	strace $0x90000047  }
0x241: {  	s0 =	stileid.u32;
	[bflag:$0x2] =	sbarrier.arrive $0xFFFF  }
0x242: {  	p0 =	sne.s32 s0, $0x0;
	s0 =	rddreg [dreg:$0x3]  }
0x243: {  	s0 =	sadd.s32 @!p0 $0x100000, s0  }
0x244: {  	[sflag:s0] =	ssyncadd.tile.s32 @!p0 $0x1;
	_ =	shalt  }
.Lfunc_end2:
_tile_overlayer_lowered:
.L_overlay_start_2:
0x245: {  	(tag) =	ssettag $0x2  }
0x246: {  	s0 =	rddreg [dreg:$0x0];
	s2 =	stileid.u32  }
0x247: {  	s1 =	rddreg [dreg:$0x1];
	p0 =	sne.s32 s2, $0x0  }
0x248: {  	s3 =	rddreg [dreg:$0x2];
	[bflag:$0x3] =	sbarrier.arrive $0xFFFF;
	s2 =	simm.s32 @!p0 $0x1C09  }
0x249: {  	[timem:s3], [sflag:s2] =	dma.local @!p0 [hbm:s0], s1  }
0x24a: {  	s0 =	simm.s32 @!p0 $0x9  }
0x24b: {  	_ =	swait.ge @!p0 [sflag:s0], s1  }
0x24c: {  	s1 =	ssub.s32 @!p0 $0x0, s1;
	[sflag:s0] =	ssyncset.done @!p0 $0x0  }
0x24d: {  	[sflag:s0] =	ssyncadd.s32 @!p0 s1  }
0x24e: {  	[bflag:$0x3] =	sbarrier.arrive $0xFFFF  }
0x24f: {  	_ =	shalt  }

</sc_bundles>
